<compile_context>
chip_gen: v7x
topology: tpu7x:2x2x1
jax: 0.10.2.dev20260603
libtpu: 0.0.44.dev20260713+nightly
codegen_flags: <defaults>
</compile_context>

<pallas_src>
import functools

import jax
import jax.numpy as jnp
from jax import lax
from jax.experimental import pallas as pl
from jax.experimental.pallas import tpu as pltpu
from jax.experimental.pallas import tpu_sc as plsc

NC = 2
NS = 16
NW = NC * NS

EC = 2000
GCH = 80
PCH = 128
DEGW = 16


def _seg_sum_kernel(Np, D, E):
  W = D + DEGW
  rpw = Np // NW
  nchunk = E // EC
  ngrp = EC // 16
  mesh = plsc.VectorSubcoreMesh(
      core_axis_name="c", subcore_axis_name="s", num_cores=NC,
      num_subcores=NS)

  @functools.partial(
      pl.kernel,
      out_type=jax.ShapeDtypeStruct((Np, W), jnp.float32),
      mesh=mesh,
      compiler_params=pltpu.CompilerParams(needs_layout_passes=False),
      scratch_types=[
          pltpu.VMEM((rpw, W), jnp.float32),
          pltpu.VMEM((EC,), jnp.int32),
          pltpu.VMEM((EC,), jnp.int32),
          pltpu.VMEM((EC,), jnp.int32),
          pltpu.VMEM((EC,), jnp.int32),
          pltpu.VMEM((EC + GCH,), jnp.int32),
          pltpu.VMEM((EC + GCH,), jnp.int32),
          pltpu.VMEM((EC + GCH,), jnp.int32),
          pltpu.VMEM((EC + GCH,), jnp.int32),
          pltpu.VMEM((GCH, D), jnp.float32),
          pltpu.VMEM((GCH, D), jnp.float32),
          pltpu.SemaphoreType.DMA,
          pltpu.SemaphoreType.DMA,
          pltpu.SemaphoreType.DMA,
          pltpu.SemaphoreType.DMA,
          pltpu.SemaphoreType.DMA,
          pltpu.SemaphoreType.DMA,
      ],
  )
  def k(x_hbm, esrc_hbm, edst_hbm, out_hbm,
        acc_v, sbufa_v, dbufa_v, sbufb_v, dbufb_v,
        selsa_v, selda_v, selsb_v, seldb_v, rowsa_v, rowsb_v,
        ssa, sda, ssb, sdb, sga, sgb):
    c = lax.axis_index("c")
    s = lax.axis_index("s")
    wid = s * NC + c
    lo = wid * rpw
    iota = lax.iota(jnp.int32, 16)
    zeros16 = jnp.zeros((16,), jnp.float32)
    ones16 = jnp.ones((16,), jnp.float32)

    @pl.loop(0, rpw)
    def _zr(r):
      @pl.loop(0, W // 16)
      def _zc(cb):
        acc_v[r, pl.ds(cb * 16, 16)] = zeros16

    @pl.loop(0, (EC + GCH) // 16)
    def _zs(r):
      selsa_v[pl.ds(r * 16, 16)] = jnp.zeros((16,), jnp.int32)
      selsb_v[pl.ds(r * 16, 16)] = jnp.zeros((16,), jnp.int32)
      selda_v[pl.ds(r * 16, 16)] = jnp.zeros((16,), jnp.int32)
      seldb_v[pl.ds(r * 16, 16)] = jnp.zeros((16,), jnp.int32)

    def scan_chunk(sbuf_v, dbuf_v, selsrc_v, seld_v):
      def _scan(g, csr_vec):
        d16 = dbuf_v[pl.ds(g * 16, 16)]
        s16 = sbuf_v[pl.ds(g * 16, 16)]
        dl = d16 - lo
        m = (dl >= 0) & (dl < rpw)
        mi = jnp.where(m, 1, 0).astype(jnp.int32)
        csum = plsc.cumsum(mi)
        pos = csr_vec + csum - 1
        plsc.store_scatter(seld_v, [pos], dl, mask=m)
        plsc.store_scatter(selsrc_v, [pos], s16, mask=m)
        return csr_vec + plsc.all_reduce_population_count(m)

      csr_vec = pl.loop(0, ngrp, init_carry=jnp.zeros((16,), jnp.int32),
                        unroll=2)(_scan)
      return lax.reduce_max(csr_vec, axes=(0,))

    def accum_window(seld_v, rows_v, fbase, cnt):
      ec = jnp.minimum(cnt - fbase, GCH)

      @pl.loop(0, ec)
      def _edge(e):
        dlb = plsc.load_gather(seld_v, [jnp.full((16,), fbase + e,
                                                 jnp.int32)])
        for cb in range(D // 16):
          v = rows_v[e, pl.ds(cb * 16, 16)]
          plsc.addupdate_scatter(acc_v, [dlb, cb * 16 + iota], v)
        plsc.addupdate_scatter(acc_v, [dlb, D + iota], ones16)

    def accum_rest(selsrc_v, seld_v, rows_v, sem, cnt):
      nf = (cnt + (GCH - 1)) // GCH

      @pl.loop(1, nf)
      def _flush(f):
        fbase = f * GCH
        pltpu.async_copy(x_hbm.at[selsrc_v.at[pl.ds(fbase, GCH)]], rows_v,
                         sem).wait()
        accum_window(seld_v, rows_v, fbase, cnt)

    npair = nchunk // 2
    pltpu.async_copy(esrc_hbm.at[pl.ds(0, EC)], sbufa_v, ssa)
    pltpu.async_copy(edst_hbm.at[pl.ds(0, EC)], dbufa_v, sda)

    @pl.loop(0, npair)
    def _pair(kp):
      a = 2 * kp
      b = a + 1
      nb = jnp.minimum(a + 2, nchunk - 2) * EC

      pltpu.make_async_copy(esrc_hbm.at[pl.ds(0, EC)], sbufa_v, ssa).wait()
      pltpu.make_async_copy(edst_hbm.at[pl.ds(0, EC)], dbufa_v, sda).wait()
      pltpu.async_copy(esrc_hbm.at[pl.ds(b * EC, EC)], sbufb_v, ssb)
      pltpu.async_copy(edst_hbm.at[pl.ds(b * EC, EC)], dbufb_v, sdb)

      cnta = scan_chunk(sbufa_v, dbufa_v, selsa_v, selda_v)
      ga = pltpu.async_copy(x_hbm.at[selsa_v.at[pl.ds(0, GCH)]], rowsa_v,
                            sga)

      pltpu.make_async_copy(esrc_hbm.at[pl.ds(0, EC)], sbufb_v, ssb).wait()
      pltpu.make_async_copy(edst_hbm.at[pl.ds(0, EC)], dbufb_v, sdb).wait()
      pltpu.async_copy(esrc_hbm.at[pl.ds(nb, EC)], sbufa_v, ssa)
      pltpu.async_copy(edst_hbm.at[pl.ds(nb, EC)], dbufa_v, sda)

      cntb = scan_chunk(sbufb_v, dbufb_v, selsb_v, seldb_v)
      ga.wait()
      gb = pltpu.async_copy(x_hbm.at[selsb_v.at[pl.ds(0, GCH)]], rowsb_v,
                            sgb)
      accum_window(selda_v, rowsa_v, 0, cnta)
      accum_rest(selsa_v, selda_v, rowsa_v, sga, cnta)
      gb.wait()
      accum_window(seldb_v, rowsb_v, 0, cntb)
      accum_rest(selsb_v, seldb_v, rowsb_v, sgb, cntb)

    pltpu.make_async_copy(esrc_hbm.at[pl.ds(0, EC)], sbufa_v, ssa).wait()
    pltpu.make_async_copy(edst_hbm.at[pl.ds(0, EC)], dbufa_v, sda).wait()

    pltpu.sync_copy(acc_v, out_hbm.at[pl.ds(lo, rpw)])

  return k


def _gcn_tc_kernel(N, D, bs):
  grid = (N + bs - 1) // bs
  W = D + DEGW

  def body(x_ref, agg_ref, ws_ref, wn_ref, h_ref):
    agg = agg_ref[:, :D]
    deg = agg_ref[:, D:D + 1]
    mean = agg / jnp.maximum(deg, 1.0)
    h = (jnp.dot(x_ref[...], ws_ref[...], preferred_element_type=jnp.float32)
         + jnp.dot(mean, wn_ref[...], preferred_element_type=jnp.float32))
    h_ref[...] = jnp.maximum(h, 0.0)

  return pl.pallas_call(
      body,
      out_shape=jax.ShapeDtypeStruct((N, D), jnp.float32),
      grid=(grid,),
      in_specs=[
          pl.BlockSpec((bs, D), lambda i: (i, 0)),
          pl.BlockSpec((bs, W), lambda i: (i, 0)),
          pl.BlockSpec((D, D), lambda i: (0, 0)),
          pl.BlockSpec((D, D), lambda i: (0, 0)),
      ],
      out_specs=pl.BlockSpec((bs, D), lambda i: (i, 0)),
  )


def _score_kernel(N, D, B, NB):
  ppw = B // NW
  nchunk = ppw // PCH
  ngrp = PCH // 16
  mesh = plsc.VectorSubcoreMesh(
      core_axis_name="c", subcore_axis_name="s", num_cores=NC,
      num_subcores=NS)

  @functools.partial(
      pl.kernel,
      out_type=jax.ShapeDtypeStruct((B,), jnp.float32),
      mesh=mesh,
      compiler_params=pltpu.CompilerParams(needs_layout_passes=False),
      scratch_types=[
          pltpu.VMEM((PCH, D), jnp.float32),
          pltpu.VMEM((PCH, D), jnp.float32),
          pltpu.VMEM((PCH,), jnp.int32),
          pltpu.VMEM((PCH,), jnp.int32),
          pltpu.VMEM((NB,), jnp.float32),
          pltpu.VMEM((B // NW,), jnp.float32),
          pltpu.SemaphoreType.DMA,
          pltpu.SemaphoreType.DMA,
      ],
  )
  def k(h_hbm, src_hbm, dst_hbm, bias_hbm, out_hbm,
        hsrc_v, hdst_v, sidx_v, didx_v, bias_v, out_v, sem1, sem2):
    c = lax.axis_index("c")
    s = lax.axis_index("s")
    wid = s * NC + c
    pltpu.sync_copy(bias_hbm, bias_v)
    base0 = wid * ppw
    iota = lax.iota(jnp.int32, 16)

    @pl.loop(0, nchunk)
    def _chunk(kc):
      base = base0 + kc * PCH
      pltpu.sync_copy(src_hbm.at[pl.ds(base, PCH)], sidx_v)
      pltpu.sync_copy(dst_hbm.at[pl.ds(base, PCH)], didx_v)
      d1 = pltpu.async_copy(h_hbm.at[sidx_v], hsrc_v, sem1)
      d2 = pltpu.async_copy(h_hbm.at[didx_v], hdst_v, sem2)
      d1.wait()
      d2.wait()

      @pl.loop(0, ngrp)
      def _grp(g):
        rows = g * 16 + iota
        si = sidx_v[pl.ds(g * 16, 16)]
        di = didx_v[pl.ds(g * 16, 16)]
        bsum = (plsc.load_gather(bias_v, [si + 1])
                + plsc.load_gather(bias_v, [di + 1]))

        @pl.loop(0, D, init_carry=bsum, unroll=8)
        def _feat(d, acc):
          col = jnp.full((16,), d, jnp.int32)
          a = plsc.load_gather(hsrc_v, [rows, col])
          b = plsc.load_gather(hdst_v, [rows, col])
          return acc + a * b

        out_v[pl.ds(kc * PCH + g * 16, 16)] = _feat

    pltpu.sync_copy(out_v, out_hbm.at[pl.ds(base0, ppw)])

  return k


def kernel(x, edge_index, src, dst, W_self, W_neigh, node_biases):
  N, D = x.shape
  E = edge_index.shape[1]
  B = src.shape[0]

  e_src = edge_index[0]
  e_dst = edge_index[1]
  Np = ((N + 8 * NW - 1) // (8 * NW)) * (8 * NW)
  NB = ((N + 1 + 7) // 8) * 8
  bias_p = jnp.pad(node_biases, (0, NB - (N + 1)))

  aggdeg = _seg_sum_kernel(Np, D, E)(x, e_src, e_dst)

  h = _gcn_tc_kernel(N, D, 512)(x, aggdeg, W_self, W_neigh)

  score = _score_kernel(N, D, B, NB)(h, src, dst, bias_p)
  return score

# --- scband reference (transcript-rebuilt; emitter-appended) ---
"""Pipeline reference for scband-graph-sagerecommender-3925600108714 (READ-ONLY COPY).

The authoritative reference and input builder live on the scoring server;
editing this copy changes nothing except your own understanding.
"""

import jax, jax.numpy as jnp
import numpy as np

N = 10000   # num_nodes
E = 320000  # num_edges
D = 128     # feature dim
B = 65536   # scoring pairs


def setup_inputs(seed: int = 0) -> dict:
    key = jax.random.key(seed)
    ks = jax.random.split(key, 6)
    x = jax.random.normal(ks[0], (N, D), dtype=jnp.float32)
    edge_index = jax.random.randint(ks[1], (2, E), 0, N, dtype=jnp.int32)
    src = jax.random.randint(ks[2], (B,), 0, N, dtype=jnp.int32)
    dst = jax.random.randint(ks[3], (B,), 0, N, dtype=jnp.int32)
    # Learned parameters: one GraphSAGE (mean-aggregator) layer standing in for self.gcn,
    # plus the per-node bias vector of size num_nodes + 1.
    W_self = jax.random.normal(ks[4], (D, D), dtype=jnp.float32) * (1.0 / np.sqrt(D))
    W_neigh = jax.random.normal(ks[5], (D, D), dtype=jnp.float32) * (1.0 / np.sqrt(D))
    node_biases = jnp.zeros((N + 1,), dtype=jnp.float32)
    return {
        "x": x,
        "edge_index": edge_index,
        "src": src,
        "dst": dst,
        "W_self": W_self,
        "W_neigh": W_neigh,
        "node_biases": node_biases,
    }


def reference(x, edge_index, src, dst, W_self, W_neigh, node_biases):
    # --- self.gcn(nf): one GraphSAGE layer with mean neighbor aggregation ---
    e_src = edge_index[0]
    e_dst = edge_index[1]
    msgs = jnp.take(x, e_src, axis=0)                                 # gather  [E, D]
    agg = jax.ops.segment_sum(msgs, e_dst, num_segments=N)            # scatter-add [N, D]
    deg = jax.ops.segment_sum(jnp.ones((E,), jnp.float32), e_dst, num_segments=N)
    mean_neigh = agg / jnp.maximum(deg, 1.0)[:, None]
    h_output = jax.nn.relu(x @ W_self + mean_neigh @ W_neigh)         # [N, D]
    # --- nodeflow.map_from_parent_nid(-1, src/dst, True): parent nid -> layer-local row ---
    # With the full node set materialized the mapping is the identity, so it is a plain gather.
    h_src = jnp.take(h_output, src, axis=0)                           # [B, D]
    h_dst = jnp.take(h_output, dst, axis=0)                           # [B, D]
    score = (h_src * h_dst).sum(1) + node_biases[src + 1] + node_biases[dst + 1]
    return score

if __name__ == "__main__":
    import jax
    _d = setup_inputs()
    print(jax.jit(kernel)(*tuple(_d.values())))

</pallas_src>

<mosaic_0001>
#map = affine_map<(d0, d1) -> (0, 0)>
#map1 = affine_map<(d0, d1) -> (0)>
module attributes {stable_mosaic.version = 14 : i64} {
  func.func @k(%arg0: i32, %arg1: i32, %arg2: memref<10000x128xf32, #tpu.memory_space<hbm>>, %arg3: memref<65536xi32, #tpu.memory_space<hbm>>, %arg4: memref<65536xi32, #tpu.memory_space<hbm>>, %arg5: memref<10008xf32, #tpu.memory_space<hbm>>, %arg6: memref<65536xf32, #tpu.memory_space<hbm>>, %arg7: memref<128x128xf32, #tpu.memory_space<vmem>>, %arg8: memref<128x128xf32, #tpu.memory_space<vmem>>, %arg9: memref<128xi32, #tpu.memory_space<vmem>>, %arg10: memref<128xi32, #tpu.memory_space<vmem>>, %arg11: memref<10008xf32, #tpu.memory_space<vmem>>, %arg12: memref<2048xf32, #tpu.memory_space<vmem>>, %arg13: memref<!tpu.dma_semaphore, #tpu.memory_space<semaphore_mem>>, %arg14: memref<!tpu.dma_semaphore, #tpu.memory_space<semaphore_mem>>) attributes {dimension_semantics = [#tpu.dimension_semantics<core_parallel>, #tpu.dimension_semantics<subcore_parallel>], iteration_bounds = array<i64: 2, 16>, scalar_prefetch = 0 : i64, scratch_operands = 8 : i64, tpu.core_type = #tpu.core_type<sc_vector_subcore>, window_params = [{transform_indices = #map}, {transform_indices = #map1}, {transform_indices = #map1}, {transform_indices = #map1}, {transform_indices = #map1}]} {
    %mul3A = arith.constant 2 : i32
    %mul3A_0 = arith.muli %arg1, %mul3A : i32
    %add3A = arith.addi %mul3A_0, %arg0 : i32
    "tpu.region"() ({
      %run_scoped3A = tpu.sem_alloc : memref<!tpu.dma_semaphore, #tpu.memory_space<semaphore_mem>>
      tpu.enqueue_dma source(%arg5 : memref<10008xf32, #tpu.memory_space<hbm>>) target(%arg11 : memref<10008xf32, #tpu.memory_space<vmem>>) target_semaphore(%run_scoped3A : memref<!tpu.dma_semaphore, #tpu.memory_space<semaphore_mem>>)
      tpu.wait_dma2 semaphore(%run_scoped3A : memref<!tpu.dma_semaphore, #tpu.memory_space<semaphore_mem>>) src(%arg5 : memref<10008xf32, #tpu.memory_space<hbm>>) dst(%arg11 : memref<10008xf32, #tpu.memory_space<vmem>>)
      tpu.yield
    }) : () -> ()
    %mul3A_1 = arith.constant 2048 : i32
    %mul3A_2 = arith.muli %add3A, %mul3A_1 : i32
    %iota3A = tpu.iota {dimensions = array<i32: 0>} : vector<16xi32>
    %scan3A = arith.constant 0 : i32
    %scan3A_3 = arith.constant 16 : i32
    %scan3A_4 = arith.addi %scan3A, %scan3A_3 : i32
    %scan3A_5 = arith.constant 1 : i32
    scf.for %scan3A_7 = %scan3A to %scan3A_4 step %scan3A_5  : i32 {
      %mul3A_8 = arith.constant 1 : i32
      %mul3A_9 = arith.muli %scan3A_7, %mul3A_8 : i32
      %add3A_10 = arith.constant 0 : i32
      %add3A_11 = arith.addi %add3A_10, %mul3A_9 : i32
      %mul3A_12 = arith.constant 128 : i32
      %mul3A_13 = arith.muli %add3A_11, %mul3A_12 : i32
      %add3A_14 = arith.addi %mul3A_2, %mul3A_13 : i32
      "tpu.region"() ({
        %run_scoped3A = tpu.sem_alloc : memref<!tpu.dma_semaphore, #tpu.memory_space<semaphore_mem>>
        %dma_start3A_30 = tpu.memref_slice %arg3[%add3A_14] : memref<65536xi32, #tpu.memory_space<hbm>> -> memref<128xi32, #tpu.memory_space<hbm>>
        %dma_start3A_31 = tpu.memref_slice %arg3[%add3A_14] : memref<65536xi32, #tpu.memory_space<hbm>> -> memref<128xi32, #tpu.memory_space<hbm>>
        tpu.enqueue_dma source(%dma_start3A_31 : memref<128xi32, #tpu.memory_space<hbm>>) target(%arg9 : memref<128xi32, #tpu.memory_space<vmem>>) target_semaphore(%run_scoped3A : memref<!tpu.dma_semaphore, #tpu.memory_space<semaphore_mem>>)
        %dma_wait3A_32 = tpu.memref_slice %arg3[%add3A_14] : memref<65536xi32, #tpu.memory_space<hbm>> -> memref<128xi32, #tpu.memory_space<hbm>>
        %dma_wait3A_33 = tpu.memref_slice %arg3[%add3A_14] : memref<65536xi32, #tpu.memory_space<hbm>> -> memref<128xi32, #tpu.memory_space<hbm>>
        tpu.wait_dma2 semaphore(%run_scoped3A : memref<!tpu.dma_semaphore, #tpu.memory_space<semaphore_mem>>) src(%dma_wait3A_33 : memref<128xi32, #tpu.memory_space<hbm>>) dst(%arg9 : memref<128xi32, #tpu.memory_space<vmem>>)
        tpu.yield
      }) : () -> ()
      "tpu.region"() ({
        %run_scoped3A = tpu.sem_alloc : memref<!tpu.dma_semaphore, #tpu.memory_space<semaphore_mem>>
        %dma_start3A_30 = tpu.memref_slice %arg4[%add3A_14] : memref<65536xi32, #tpu.memory_space<hbm>> -> memref<128xi32, #tpu.memory_space<hbm>>
        %dma_start3A_31 = tpu.memref_slice %arg4[%add3A_14] : memref<65536xi32, #tpu.memory_space<hbm>> -> memref<128xi32, #tpu.memory_space<hbm>>
        tpu.enqueue_dma source(%dma_start3A_31 : memref<128xi32, #tpu.memory_space<hbm>>) target(%arg10 : memref<128xi32, #tpu.memory_space<vmem>>) target_semaphore(%run_scoped3A : memref<!tpu.dma_semaphore, #tpu.memory_space<semaphore_mem>>)
        %dma_wait3A_32 = tpu.memref_slice %arg4[%add3A_14] : memref<65536xi32, #tpu.memory_space<hbm>> -> memref<128xi32, #tpu.memory_space<hbm>>
        %dma_wait3A_33 = tpu.memref_slice %arg4[%add3A_14] : memref<65536xi32, #tpu.memory_space<hbm>> -> memref<128xi32, #tpu.memory_space<hbm>>
        tpu.wait_dma2 semaphore(%run_scoped3A : memref<!tpu.dma_semaphore, #tpu.memory_space<semaphore_mem>>) src(%dma_wait3A_33 : memref<128xi32, #tpu.memory_space<hbm>>) dst(%arg10 : memref<128xi32, #tpu.memory_space<vmem>>)
        tpu.yield
      }) : () -> ()
      %dma_start3A = arith.constant 0 : i32
      %dma_start3A_15 = arith.constant 0 : i32
      %dma_start3A_16 = tpu.memref_slice %arg2[%dma_start3A, %dma_start3A_15] : memref<10000x128xf32, #tpu.memory_space<hbm>> -> memref<10000x128xf32, #tpu.memory_space<hbm>>
      tpu.enqueue_indirect_dma source(%dma_start3A_16 : memref<10000x128xf32, #tpu.memory_space<hbm>>) target(%arg7 : memref<128x128xf32, #tpu.memory_space<vmem>>) offsets(%arg9 : memref<128xi32, #tpu.memory_space<vmem>>) semaphore(%arg13 : memref<!tpu.dma_semaphore, #tpu.memory_space<semaphore_mem>>)
      %dma_start3A_17 = arith.constant 0 : i32
      %dma_start3A_18 = arith.constant 0 : i32
      %dma_start3A_19 = tpu.memref_slice %arg2[%dma_start3A_17, %dma_start3A_18] : memref<10000x128xf32, #tpu.memory_space<hbm>> -> memref<10000x128xf32, #tpu.memory_space<hbm>>
      tpu.enqueue_indirect_dma source(%dma_start3A_19 : memref<10000x128xf32, #tpu.memory_space<hbm>>) target(%arg8 : memref<128x128xf32, #tpu.memory_space<vmem>>) offsets(%arg10 : memref<128xi32, #tpu.memory_space<vmem>>) semaphore(%arg14 : memref<!tpu.dma_semaphore, #tpu.memory_space<semaphore_mem>>)
      %dma_wait3A = arith.constant 0 : i32
      %dma_wait3A_20 = arith.constant 0 : i32
      %dma_wait3A_21 = tpu.memref_slice %arg2[%dma_wait3A, %dma_wait3A_20] : memref<10000x128xf32, #tpu.memory_space<hbm>> -> memref<10000x128xf32, #tpu.memory_space<hbm>>
      tpu.wait_indirect_dma semaphore(%arg13 : memref<!tpu.dma_semaphore, #tpu.memory_space<semaphore_mem>>) src(%dma_wait3A_21 : memref<10000x128xf32, #tpu.memory_space<hbm>>) dst(%arg7 : memref<128x128xf32, #tpu.memory_space<vmem>>)
      %dma_wait3A_22 = arith.constant 0 : i32
      %dma_wait3A_23 = arith.constant 0 : i32
      %dma_wait3A_24 = tpu.memref_slice %arg2[%dma_wait3A_22, %dma_wait3A_23] : memref<10000x128xf32, #tpu.memory_space<hbm>> -> memref<10000x128xf32, #tpu.memory_space<hbm>>
      tpu.wait_indirect_dma semaphore(%arg14 : memref<!tpu.dma_semaphore, #tpu.memory_space<semaphore_mem>>) src(%dma_wait3A_24 : memref<10000x128xf32, #tpu.memory_space<hbm>>) dst(%arg8 : memref<128x128xf32, #tpu.memory_space<vmem>>)
      %scan3A_25 = arith.constant 0 : i32
      %scan3A_26 = arith.constant 8 : i32
      %scan3A_27 = arith.addi %scan3A_25, %scan3A_26 : i32
      %scan3A_28 = arith.constant 1 : i32
      scf.for %scan3A_30 = %scan3A_25 to %scan3A_27 step %scan3A_28  : i32 {
        %mul3A_31 = arith.constant 1 : i32
        %mul3A_32 = arith.muli %scan3A_30, %mul3A_31 : i32
        %add3A_33 = arith.constant 0 : i32
        %add3A_34 = arith.addi %add3A_33, %mul3A_32 : i32
        %mul3A_35 = arith.constant 16 : i32
        %mul3A_36 = arith.muli %add3A_34, %mul3A_35 : i32
        %add3A_37 = vector.broadcast %mul3A_36 : i32 to vector<16xi32>
        %add3A_38 = arith.addi %add3A_37, %iota3A : vector<16xi32>
        %mul3A_39 = arith.constant 16 : i32
        %mul3A_40 = arith.muli %add3A_34, %mul3A_39 : i32
        %get3A = arith.index_cast %mul3A_40 : i32 to index
        %get3A_41 = tpu.vector_load %arg9[%get3A] {strides = array<i32>} : memref<128xi32, #tpu.memory_space<vmem>>, vector<16xi32>,
        %mul3A_42 = arith.constant 16 : i32
        %mul3A_43 = arith.muli %add3A_34, %mul3A_42 : i32
        %get3A_44 = arith.index_cast %mul3A_43 : i32 to index
        %get3A_45 = tpu.vector_load %arg10[%get3A_44] {strides = array<i32>} : memref<128xi32, #tpu.memory_space<vmem>>, vector<16xi32>,
        %add3A_46 = arith.constant 1 : i32
        %add3A_47 = vector.broadcast %add3A_46 : i32 to vector<16xi32>
        %add3A_48 = arith.addi %get3A_41, %add3A_47 : vector<16xi32>
        %gather3A = tpu.vector_load_idx %arg11[%add3A_48] : memref<10008xf32, #tpu.memory_space<vmem>>[vector<16xi32>], vector<16xf32>,
        %add3A_49 = arith.constant 1 : i32
        %add3A_50 = vector.broadcast %add3A_49 : i32 to vector<16xi32>
        %add3A_51 = arith.addi %get3A_45, %add3A_50 : vector<16xi32>
        %gather3A_52 = tpu.vector_load_idx %arg11[%add3A_51] : memref<10008xf32, #tpu.memory_space<vmem>>[vector<16xi32>], vector<16xf32>,
        %add3A_53 = arith.addf %gather3A, %gather3A_52 : vector<16xf32>
        %scan3A_54 = arith.constant 0 : i32
        %scan3A_55 = arith.constant 128 : i32
        %scan3A_56 = arith.addi %scan3A_54, %scan3A_55 : i32
        %scan3A_57 = arith.constant 8 : i32
        %scan3A_58 = scf.for %scan3A_66 = %scan3A_54 to %scan3A_56 step %scan3A_57 iter_args(%scan3A_67 = %add3A_53) -> (vector<16xf32>)  : i32 {
          %mul3A_68 = arith.constant 1 : i32
          %mul3A_69 = arith.muli %scan3A_66, %mul3A_68 : i32
          %add3A_70 = arith.constant 0 : i32
          %add3A_71 = arith.addi %add3A_70, %mul3A_69 : i32
          %broadcast_in_dim3A = vector.broadcast %add3A_71 : i32 to vector<16xi32>
          %gather3A_72 = tpu.vector_load_idx %arg7[%add3A_38, %broadcast_in_dim3A] : memref<128x128xf32, #tpu.memory_space<vmem>>[vector<16xi32>, vector<16xi32>], vector<16xf32>,
          %gather3A_73 = tpu.vector_load_idx %arg8[%add3A_38, %broadcast_in_dim3A] : memref<128x128xf32, #tpu.memory_space<vmem>>[vector<16xi32>, vector<16xi32>], vector<16xf32>,
          %mul3A_74 = arith.mulf %gather3A_72, %gather3A_73 : vector<16xf32>
          %add3A_75 = arith.addf %scan3A_67, %mul3A_74 : vector<16xf32>
          %scan3A_76 = arith.constant 1 : i32
          %scan3A_77 = arith.addi %scan3A_66, %scan3A_76 : i32
          %mul3A_78 = arith.constant 1 : i32
          %mul3A_79 = arith.muli %scan3A_77, %mul3A_78 : i32
          %add3A_80 = arith.constant 0 : i32
          %add3A_81 = arith.addi %add3A_80, %mul3A_79 : i32
          %broadcast_in_dim3A_82 = vector.broadcast %add3A_81 : i32 to vector<16xi32>
          %gather3A_83 = tpu.vector_load_idx %arg7[%add3A_38, %broadcast_in_dim3A_82] : memref<128x128xf32, #tpu.memory_space<vmem>>[vector<16xi32>, vector<16xi32>], vector<16xf32>,
          %gather3A_84 = tpu.vector_load_idx %arg8[%add3A_38, %broadcast_in_dim3A_82] : memref<128x128xf32, #tpu.memory_space<vmem>>[vector<16xi32>, vector<16xi32>], vector<16xf32>,
          %mul3A_85 = arith.mulf %gather3A_83, %gather3A_84 : vector<16xf32>
          %add3A_86 = arith.addf %add3A_75, %mul3A_85 : vector<16xf32>
          %scan3A_87 = arith.constant 2 : i32
          %scan3A_88 = arith.addi %scan3A_66, %scan3A_87 : i32
          %mul3A_89 = arith.constant 1 : i32
          %mul3A_90 = arith.muli %scan3A_88, %mul3A_89 : i32
          %add3A_91 = arith.constant 0 : i32
          %add3A_92 = arith.addi %add3A_91, %mul3A_90 : i32
          %broadcast_in_dim3A_93 = vector.broadcast %add3A_92 : i32 to vector<16xi32>
          %gather3A_94 = tpu.vector_load_idx %arg7[%add3A_38, %broadcast_in_dim3A_93] : memref<128x128xf32, #tpu.memory_space<vmem>>[vector<16xi32>, vector<16xi32>], vector<16xf32>,
          %gather3A_95 = tpu.vector_load_idx %arg8[%add3A_38, %broadcast_in_dim3A_93] : memref<128x128xf32, #tpu.memory_space<vmem>>[vector<16xi32>, vector<16xi32>], vector<16xf32>,
          %mul3A_96 = arith.mulf %gather3A_94, %gather3A_95 : vector<16xf32>
          %add3A_97 = arith.addf %add3A_86, %mul3A_96 : vector<16xf32>
          %scan3A_98 = arith.constant 3 : i32
          %scan3A_99 = arith.addi %scan3A_66, %scan3A_98 : i32
          %mul3A_100 = arith.constant 1 : i32
          %mul3A_101 = arith.muli %scan3A_99, %mul3A_100 : i32
          %add3A_102 = arith.constant 0 : i32
          %add3A_103 = arith.addi %add3A_102, %mul3A_101 : i32
          %broadcast_in_dim3A_104 = vector.broadcast %add3A_103 : i32 to vector<16xi32>
          %gather3A_105 = tpu.vector_load_idx %arg7[%add3A_38, %broadcast_in_dim3A_104] : memref<128x128xf32, #tpu.memory_space<vmem>>[vector<16xi32>, vector<16xi32>], vector<16xf32>,
          %gather3A_106 = tpu.vector_load_idx %arg8[%add3A_38, %broadcast_in_dim3A_104] : memref<128x128xf32, #tpu.memory_space<vmem>>[vector<16xi32>, vector<16xi32>], vector<16xf32>,
          %mul3A_107 = arith.mulf %gather3A_105, %gather3A_106 : vector<16xf32>
          %add3A_108 = arith.addf %add3A_97, %mul3A_107 : vector<16xf32>
          %scan3A_109 = arith.constant 4 : i32
          %scan3A_110 = arith.addi %scan3A_66, %scan3A_109 : i32
          %mul3A_111 = arith.constant 1 : i32
          %mul3A_112 = arith.muli %scan3A_110, %mul3A_111 : i32
          %add3A_113 = arith.constant 0 : i32
          %add3A_114 = arith.addi %add3A_113, %mul3A_112 : i32
          %broadcast_in_dim3A_115 = vector.broadcast %add3A_114 : i32 to vector<16xi32>
          %gather3A_116 = tpu.vector_load_idx %arg7[%add3A_38, %broadcast_in_dim3A_115] : memref<128x128xf32, #tpu.memory_space<vmem>>[vector<16xi32>, vector<16xi32>], vector<16xf32>,
          %gather3A_117 = tpu.vector_load_idx %arg8[%add3A_38, %broadcast_in_dim3A_115] : memref<128x128xf32, #tpu.memory_space<vmem>>[vector<16xi32>, vector<16xi32>], vector<16xf32>,
          %mul3A_118 = arith.mulf %gather3A_116, %gather3A_117 : vector<16xf32>
          %add3A_119 = arith.addf %add3A_108, %mul3A_118 : vector<16xf32>
          %scan3A_120 = arith.constant 5 : i32
          %scan3A_121 = arith.addi %scan3A_66, %scan3A_120 : i32
          %mul3A_122 = arith.constant 1 : i32
          %mul3A_123 = arith.muli %scan3A_121, %mul3A_122 : i32
          %add3A_124 = arith.constant 0 : i32
          %add3A_125 = arith.addi %add3A_124, %mul3A_123 : i32
          %broadcast_in_dim3A_126 = vector.broadcast %add3A_125 : i32 to vector<16xi32>
          %gather3A_127 = tpu.vector_load_idx %arg7[%add3A_38, %broadcast_in_dim3A_126] : memref<128x128xf32, #tpu.memory_space<vmem>>[vector<16xi32>, vector<16xi32>], vector<16xf32>,
          %gather3A_128 = tpu.vector_load_idx %arg8[%add3A_38, %broadcast_in_dim3A_126] : memref<128x128xf32, #tpu.memory_space<vmem>>[vector<16xi32>, vector<16xi32>], vector<16xf32>,
          %mul3A_129 = arith.mulf %gather3A_127, %gather3A_128 : vector<16xf32>
          %add3A_130 = arith.addf %add3A_119, %mul3A_129 : vector<16xf32>
          %scan3A_131 = arith.constant 6 : i32
          %scan3A_132 = arith.addi %scan3A_66, %scan3A_131 : i32
          %mul3A_133 = arith.constant 1 : i32
          %mul3A_134 = arith.muli %scan3A_132, %mul3A_133 : i32
          %add3A_135 = arith.constant 0 : i32
          %add3A_136 = arith.addi %add3A_135, %mul3A_134 : i32
          %broadcast_in_dim3A_137 = vector.broadcast %add3A_136 : i32 to vector<16xi32>
          %gather3A_138 = tpu.vector_load_idx %arg7[%add3A_38, %broadcast_in_dim3A_137] : memref<128x128xf32, #tpu.memory_space<vmem>>[vector<16xi32>, vector<16xi32>], vector<16xf32>,
          %gather3A_139 = tpu.vector_load_idx %arg8[%add3A_38, %broadcast_in_dim3A_137] : memref<128x128xf32, #tpu.memory_space<vmem>>[vector<16xi32>, vector<16xi32>], vector<16xf32>,
          %mul3A_140 = arith.mulf %gather3A_138, %gather3A_139 : vector<16xf32>
          %add3A_141 = arith.addf %add3A_130, %mul3A_140 : vector<16xf32>
          %scan3A_142 = arith.constant 7 : i32
          %scan3A_143 = arith.addi %scan3A_66, %scan3A_142 : i32
          %mul3A_144 = arith.constant 1 : i32
          %mul3A_145 = arith.muli %scan3A_143, %mul3A_144 : i32
          %add3A_146 = arith.constant 0 : i32
          %add3A_147 = arith.addi %add3A_146, %mul3A_145 : i32
          %broadcast_in_dim3A_148 = vector.broadcast %add3A_147 : i32 to vector<16xi32>
          %gather3A_149 = tpu.vector_load_idx %arg7[%add3A_38, %broadcast_in_dim3A_148] : memref<128x128xf32, #tpu.memory_space<vmem>>[vector<16xi32>, vector<16xi32>], vector<16xf32>,
          %gather3A_150 = tpu.vector_load_idx %arg8[%add3A_38, %broadcast_in_dim3A_148] : memref<128x128xf32, #tpu.memory_space<vmem>>[vector<16xi32>, vector<16xi32>], vector<16xf32>,
          %mul3A_151 = arith.mulf %gather3A_149, %gather3A_150 : vector<16xf32>
          %add3A_152 = arith.addf %add3A_141, %mul3A_151 : vector<16xf32>
          scf.yield %add3A_152 : vector<16xf32>
        }
        %scan3A_59 = arith.constant 128 : i32
        %mul3A_60 = arith.constant 128 : i32
        %mul3A_61 = arith.muli %add3A_11, %mul3A_60 : i32
        %mul3A_62 = arith.constant 16 : i32
        %mul3A_63 = arith.muli %add3A_34, %mul3A_62 : i32
        %add3A_64 = arith.addi %mul3A_61, %mul3A_63 : i32
        %swap3A = arith.index_cast %add3A_64 : i32 to index
        %swap3A_65 = tpu.vector_load %arg12[%swap3A] {strides = array<i32>} : memref<2048xf32, #tpu.memory_space<vmem>>, vector<16xf32>,
        tpu.vector_store %arg12[%swap3A], %scan3A_58 {strides = array<i32>} : memref<2048xf32, #tpu.memory_space<vmem>>, vector<16xf32>,
      }
      %scan3A_29 = arith.constant 8 : i32
    }
    %scan3A_6 = arith.constant 16 : i32
    "tpu.region"() ({
      %run_scoped3A = tpu.sem_alloc : memref<!tpu.dma_semaphore, #tpu.memory_space<semaphore_mem>>
      %dma_start3A = tpu.memref_slice %arg6[%mul3A_2] : memref<65536xf32, #tpu.memory_space<hbm>> -> memref<2048xf32, #tpu.memory_space<hbm>>
      %dma_start3A_7 = tpu.memref_slice %arg6[%mul3A_2] : memref<65536xf32, #tpu.memory_space<hbm>> -> memref<2048xf32, #tpu.memory_space<hbm>>
      tpu.enqueue_dma source(%arg12 : memref<2048xf32, #tpu.memory_space<vmem>>) target(%dma_start3A_7 : memref<2048xf32, #tpu.memory_space<hbm>>) target_semaphore(%run_scoped3A : memref<!tpu.dma_semaphore, #tpu.memory_space<semaphore_mem>>)
      %dma_wait3A = tpu.memref_slice %arg6[%mul3A_2] : memref<65536xf32, #tpu.memory_space<hbm>> -> memref<2048xf32, #tpu.memory_space<hbm>>
      %dma_wait3A_8 = tpu.memref_slice %arg6[%mul3A_2] : memref<65536xf32, #tpu.memory_space<hbm>> -> memref<2048xf32, #tpu.memory_space<hbm>>
      tpu.wait_dma2 semaphore(%run_scoped3A : memref<!tpu.dma_semaphore, #tpu.memory_space<semaphore_mem>>) src(%arg12 : memref<2048xf32, #tpu.memory_space<vmem>>) dst(%dma_wait3A_8 : memref<2048xf32, #tpu.memory_space<hbm>>)
      tpu.yield
    }) : () -> ()
    return
  }
}

#map = affine_map<(d0, d1) -> (0, 0)>
#map1 = affine_map<(d0, d1) -> (0)>
module attributes {stable_mosaic.version = 14 : i64} {
  func.func @k(%arg0: i32, %arg1: i32, %arg2: memref<10000x128xf32, #tpu.memory_space<hbm>>, %arg3: memref<320000xi32, #tpu.memory_space<hbm>>, %arg4: memref<320000xi32, #tpu.memory_space<hbm>>, %arg5: memref<10240x144xf32, #tpu.memory_space<hbm>>, %arg6: memref<320x144xf32, #tpu.memory_space<vmem>>, %arg7: memref<2000xi32, #tpu.memory_space<vmem>>, %arg8: memref<2000xi32, #tpu.memory_space<vmem>>, %arg9: memref<2000xi32, #tpu.memory_space<vmem>>, %arg10: memref<2000xi32, #tpu.memory_space<vmem>>, %arg11: memref<2080xi32, #tpu.memory_space<vmem>>, %arg12: memref<2080xi32, #tpu.memory_space<vmem>>, %arg13: memref<2080xi32, #tpu.memory_space<vmem>>, %arg14: memref<2080xi32, #tpu.memory_space<vmem>>, %arg15: memref<80x128xf32, #tpu.memory_space<vmem>>, %arg16: memref<80x128xf32, #tpu.memory_space<vmem>>, %arg17: memref<!tpu.dma_semaphore, #tpu.memory_space<semaphore_mem>>, %arg18: memref<!tpu.dma_semaphore, #tpu.memory_space<semaphore_mem>>, %arg19: memref<!tpu.dma_semaphore, #tpu.memory_space<semaphore_mem>>, %arg20: memref<!tpu.dma_semaphore, #tpu.memory_space<semaphore_mem>>, %arg21: memref<!tpu.dma_semaphore, #tpu.memory_space<semaphore_mem>>, %arg22: memref<!tpu.dma_semaphore, #tpu.memory_space<semaphore_mem>>) attributes {dimension_semantics = [#tpu.dimension_semantics<core_parallel>, #tpu.dimension_semantics<subcore_parallel>], iteration_bounds = array<i64: 2, 16>, scalar_prefetch = 0 : i64, scratch_operands = 17 : i64, tpu.core_type = #tpu.core_type<sc_vector_subcore>, window_params = [{transform_indices = #map}, {transform_indices = #map1}, {transform_indices = #map1}, {transform_indices = #map}]} {
    %mul3A = arith.constant 2 : i32
    %mul3A_0 = arith.muli %arg1, %mul3A : i32
    %add3A = arith.addi %mul3A_0, %arg0 : i32
    %mul3A_1 = arith.constant 320 : i32
    %mul3A_2 = arith.muli %add3A, %mul3A_1 : i32
    %iota3A = tpu.iota {dimensions = array<i32: 0>} : vector<16xi32>
    %broadcast_in_dim3A = arith.constant 0.000000e+00 : f32
    %broadcast_in_dim3A_3 = vector.broadcast %broadcast_in_dim3A : f32 to vector<16xf32>
    %broadcast_in_dim3A_4 = arith.constant 1.000000e+00 : f32
    %broadcast_in_dim3A_5 = vector.broadcast %broadcast_in_dim3A_4 : f32 to vector<16xf32>
    %scan3A = arith.constant 0 : i32
    %scan3A_6 = arith.constant 320 : i32
    %scan3A_7 = arith.addi %scan3A, %scan3A_6 : i32
    %scan3A_8 = arith.constant 1 : i32
    scf.for %scan3A_34 = %scan3A to %scan3A_7 step %scan3A_8  : i32 {
      %mul3A_35 = arith.constant 1 : i32
      %mul3A_36 = arith.muli %scan3A_34, %mul3A_35 : i32
      %add3A_37 = arith.constant 0 : i32
      %add3A_38 = arith.addi %add3A_37, %mul3A_36 : i32
      %scan3A_39 = arith.constant 0 : i32
      %scan3A_40 = arith.constant 9 : i32
      %scan3A_41 = arith.addi %scan3A_39, %scan3A_40 : i32
      %scan3A_42 = arith.constant 1 : i32
      scf.for %scan3A_44 = %scan3A_39 to %scan3A_41 step %scan3A_42  : i32 {
        %mul3A_45 = arith.constant 1 : i32
        %mul3A_46 = arith.muli %scan3A_44, %mul3A_45 : i32
        %add3A_47 = arith.constant 0 : i32
        %add3A_48 = arith.addi %add3A_47, %mul3A_46 : i32
        %mul3A_49 = arith.constant 16 : i32
        %mul3A_50 = arith.muli %add3A_48, %mul3A_49 : i32
        %swap3A = arith.index_cast %add3A_38 : i32 to index
        %swap3A_51 = arith.index_cast %mul3A_50 : i32 to index
        %swap3A_52 = tpu.vector_load %arg6[%swap3A, %swap3A_51] {strides = array<i32>} : memref<320x144xf32, #tpu.memory_space<vmem>>, vector<16xf32>,
        tpu.vector_store %arg6[%swap3A, %swap3A_51], %broadcast_in_dim3A_3 {strides = array<i32>} : memref<320x144xf32, #tpu.memory_space<vmem>>, vector<16xf32>,
      }
      %scan3A_43 = arith.constant 9 : i32
    }
    %scan3A_9 = arith.constant 320 : i32
    %scan3A_10 = arith.constant 0 : i32
    %scan3A_11 = arith.constant 130 : i32
    %scan3A_12 = arith.addi %scan3A_10, %scan3A_11 : i32
    %scan3A_13 = arith.constant 1 : i32
    scf.for %scan3A_34 = %scan3A_10 to %scan3A_12 step %scan3A_13  : i32 {
      %mul3A_35 = arith.constant 1 : i32
      %mul3A_36 = arith.muli %scan3A_34, %mul3A_35 : i32
      %add3A_37 = arith.constant 0 : i32
      %add3A_38 = arith.addi %add3A_37, %mul3A_36 : i32
      %broadcast_in_dim3A_39 = arith.constant 0 : i32
      %broadcast_in_dim3A_40 = vector.broadcast %broadcast_in_dim3A_39 : i32 to vector<16xi32>
      %mul3A_41 = arith.constant 16 : i32
      %mul3A_42 = arith.muli %add3A_38, %mul3A_41 : i32
      %swap3A = arith.index_cast %mul3A_42 : i32 to index
      %swap3A_43 = tpu.vector_load %arg11[%swap3A] {strides = array<i32>} : memref<2080xi32, #tpu.memory_space<vmem>>, vector<16xi32>,
      tpu.vector_store %arg11[%swap3A], %broadcast_in_dim3A_40 {strides = array<i32>} : memref<2080xi32, #tpu.memory_space<vmem>>, vector<16xi32>,
      %broadcast_in_dim3A_44 = arith.constant 0 : i32
      %broadcast_in_dim3A_45 = vector.broadcast %broadcast_in_dim3A_44 : i32 to vector<16xi32>
      %mul3A_46 = arith.constant 16 : i32
      %mul3A_47 = arith.muli %add3A_38, %mul3A_46 : i32
      %swap3A_48 = arith.index_cast %mul3A_47 : i32 to index
      %swap3A_49 = tpu.vector_load %arg13[%swap3A_48] {strides = array<i32>} : memref<2080xi32, #tpu.memory_space<vmem>>, vector<16xi32>,
      tpu.vector_store %arg13[%swap3A_48], %broadcast_in_dim3A_45 {strides = array<i32>} : memref<2080xi32, #tpu.memory_space<vmem>>, vector<16xi32>,
      %broadcast_in_dim3A_50 = arith.constant 0 : i32
      %broadcast_in_dim3A_51 = vector.broadcast %broadcast_in_dim3A_50 : i32 to vector<16xi32>
      %mul3A_52 = arith.constant 16 : i32
      %mul3A_53 = arith.muli %add3A_38, %mul3A_52 : i32
      %swap3A_54 = arith.index_cast %mul3A_53 : i32 to index
      %swap3A_55 = tpu.vector_load %arg12[%swap3A_54] {strides = array<i32>} : memref<2080xi32, #tpu.memory_space<vmem>>, vector<16xi32>,
      tpu.vector_store %arg12[%swap3A_54], %broadcast_in_dim3A_51 {strides = array<i32>} : memref<2080xi32, #tpu.memory_space<vmem>>, vector<16xi32>,
      %broadcast_in_dim3A_56 = arith.constant 0 : i32
      %broadcast_in_dim3A_57 = vector.broadcast %broadcast_in_dim3A_56 : i32 to vector<16xi32>
      %mul3A_58 = arith.constant 16 : i32
      %mul3A_59 = arith.muli %add3A_38, %mul3A_58 : i32
      %swap3A_60 = arith.index_cast %mul3A_59 : i32 to index
      %swap3A_61 = tpu.vector_load %arg14[%swap3A_60] {strides = array<i32>} : memref<2080xi32, #tpu.memory_space<vmem>>, vector<16xi32>,
      tpu.vector_store %arg14[%swap3A_60], %broadcast_in_dim3A_57 {strides = array<i32>} : memref<2080xi32, #tpu.memory_space<vmem>>, vector<16xi32>,
    }
    %scan3A_14 = arith.constant 130 : i32
    %dma_start3A = arith.constant 0 : i32
    %dma_start3A_15 = tpu.memref_slice %arg3[%dma_start3A] : memref<320000xi32, #tpu.memory_space<hbm>> -> memref<2000xi32, #tpu.memory_space<hbm>>
    %dma_start3A_16 = arith.constant 0 : i32
    %dma_start3A_17 = tpu.memref_slice %arg3[%dma_start3A_16] : memref<320000xi32, #tpu.memory_space<hbm>> -> memref<2000xi32, #tpu.memory_space<hbm>>
    tpu.enqueue_dma source(%dma_start3A_17 : memref<2000xi32, #tpu.memory_space<hbm>>) target(%arg7 : memref<2000xi32, #tpu.memory_space<vmem>>) target_semaphore(%arg17 : memref<!tpu.dma_semaphore, #tpu.memory_space<semaphore_mem>>)
    %dma_start3A_18 = arith.constant 0 : i32
    %dma_start3A_19 = tpu.memref_slice %arg4[%dma_start3A_18] : memref<320000xi32, #tpu.memory_space<hbm>> -> memref<2000xi32, #tpu.memory_space<hbm>>
    %dma_start3A_20 = arith.constant 0 : i32
    %dma_start3A_21 = tpu.memref_slice %arg4[%dma_start3A_20] : memref<320000xi32, #tpu.memory_space<hbm>> -> memref<2000xi32, #tpu.memory_space<hbm>>
    tpu.enqueue_dma source(%dma_start3A_21 : memref<2000xi32, #tpu.memory_space<hbm>>) target(%arg8 : memref<2000xi32, #tpu.memory_space<vmem>>) target_semaphore(%arg18 : memref<!tpu.dma_semaphore, #tpu.memory_space<semaphore_mem>>)
    %scan3A_22 = arith.constant 0 : i32
    %scan3A_23 = arith.constant 80 : i32
    %scan3A_24 = arith.addi %scan3A_22, %scan3A_23 : i32
    %scan3A_25 = arith.constant 1 : i32
    scf.for %scan3A_34 = %scan3A_22 to %scan3A_24 step %scan3A_25  : i32 {
      %mul3A_35 = arith.constant 1 : i32
      %mul3A_36 = arith.muli %scan3A_34, %mul3A_35 : i32
      %add3A_37 = arith.constant 0 : i32
      %add3A_38 = arith.addi %add3A_37, %mul3A_36 : i32
      %mul3A_39 = arith.constant 2 : i32
      %mul3A_40 = arith.muli %mul3A_39, %add3A_38 : i32
      %add3A_41 = arith.constant 1 : i32
      %add3A_42 = arith.addi %mul3A_40, %add3A_41 : i32
      %add3A_43 = arith.constant 2 : i32
      %add3A_44 = arith.addi %mul3A_40, %add3A_43 : i32
      %min3A = arith.constant 158 : i32
      %min3A_45 = arith.minsi %add3A_44, %min3A : i32
      %mul3A_46 = arith.constant 2000 : i32
      %mul3A_47 = arith.muli %min3A_45, %mul3A_46 : i32
      %dma_wait3A_48 = arith.constant 0 : i32
      %dma_wait3A_49 = tpu.memref_slice %arg3[%dma_wait3A_48] : memref<320000xi32, #tpu.memory_space<hbm>> -> memref<2000xi32, #tpu.memory_space<hbm>>
      %dma_wait3A_50 = arith.constant 0 : i32
      %dma_wait3A_51 = tpu.memref_slice %arg3[%dma_wait3A_50] : memref<320000xi32, #tpu.memory_space<hbm>> -> memref<2000xi32, #tpu.memory_space<hbm>>
      tpu.wait_dma2 semaphore(%arg17 : memref<!tpu.dma_semaphore, #tpu.memory_space<semaphore_mem>>) src(%dma_wait3A_51 : memref<2000xi32, #tpu.memory_space<hbm>>) dst(%arg7 : memref<2000xi32, #tpu.memory_space<vmem>>)
      %dma_wait3A_52 = arith.constant 0 : i32
      %dma_wait3A_53 = tpu.memref_slice %arg4[%dma_wait3A_52] : memref<320000xi32, #tpu.memory_space<hbm>> -> memref<2000xi32, #tpu.memory_space<hbm>>
      %dma_wait3A_54 = arith.constant 0 : i32
      %dma_wait3A_55 = tpu.memref_slice %arg4[%dma_wait3A_54] : memref<320000xi32, #tpu.memory_space<hbm>> -> memref<2000xi32, #tpu.memory_space<hbm>>
      tpu.wait_dma2 semaphore(%arg18 : memref<!tpu.dma_semaphore, #tpu.memory_space<semaphore_mem>>) src(%dma_wait3A_55 : memref<2000xi32, #tpu.memory_space<hbm>>) dst(%arg8 : memref<2000xi32, #tpu.memory_space<vmem>>)
      %mul3A_56 = arith.constant 2000 : i32
      %mul3A_57 = arith.muli %add3A_42, %mul3A_56 : i32
      %dma_start3A_58 = tpu.memref_slice %arg3[%mul3A_57] : memref<320000xi32, #tpu.memory_space<hbm>> -> memref<2000xi32, #tpu.memory_space<hbm>>
      %dma_start3A_59 = tpu.memref_slice %arg3[%mul3A_57] : memref<320000xi32, #tpu.memory_space<hbm>> -> memref<2000xi32, #tpu.memory_space<hbm>>
      tpu.enqueue_dma source(%dma_start3A_59 : memref<2000xi32, #tpu.memory_space<hbm>>) target(%arg9 : memref<2000xi32, #tpu.memory_space<vmem>>) target_semaphore(%arg19 : memref<!tpu.dma_semaphore, #tpu.memory_space<semaphore_mem>>)
      %mul3A_60 = arith.constant 2000 : i32
      %mul3A_61 = arith.muli %add3A_42, %mul3A_60 : i32
      %dma_start3A_62 = tpu.memref_slice %arg4[%mul3A_61] : memref<320000xi32, #tpu.memory_space<hbm>> -> memref<2000xi32, #tpu.memory_space<hbm>>
      %dma_start3A_63 = tpu.memref_slice %arg4[%mul3A_61] : memref<320000xi32, #tpu.memory_space<hbm>> -> memref<2000xi32, #tpu.memory_space<hbm>>
      tpu.enqueue_dma source(%dma_start3A_63 : memref<2000xi32, #tpu.memory_space<hbm>>) target(%arg10 : memref<2000xi32, #tpu.memory_space<vmem>>) target_semaphore(%arg20 : memref<!tpu.dma_semaphore, #tpu.memory_space<semaphore_mem>>)
      %broadcast_in_dim3A_64 = arith.constant 0 : i32
      %broadcast_in_dim3A_65 = vector.broadcast %broadcast_in_dim3A_64 : i32 to vector<16xi32>
      %scan3A_66 = arith.constant 0 : i32
      %scan3A_67 = arith.constant 124 : i32
      %scan3A_68 = arith.addi %scan3A_66, %scan3A_67 : i32
      %scan3A_69 = arith.constant 2 : i32
      %scan3A_70 = scf.for %scan3A_323 = %scan3A_66 to %scan3A_68 step %scan3A_69 iter_args(%scan3A_324 = %broadcast_in_dim3A_65) -> (vector<16xi32>)  : i32 {
        %mul3A_325 = arith.constant 1 : i32
        %mul3A_326 = arith.muli %scan3A_323, %mul3A_325 : i32
        %add3A_327 = arith.constant 0 : i32
        %add3A_328 = arith.addi %add3A_327, %mul3A_326 : i32
        %mul3A_329 = arith.constant 16 : i32
        %mul3A_330 = arith.muli %add3A_328, %mul3A_329 : i32
        %get3A_331 = arith.index_cast %mul3A_330 : i32 to index
        %get3A_332 = tpu.vector_load %arg8[%get3A_331] {strides = array<i32>} : memref<2000xi32, #tpu.memory_space<vmem>>, vector<16xi32>,
        %mul3A_333 = arith.constant 16 : i32
        %mul3A_334 = arith.muli %add3A_328, %mul3A_333 : i32
        %get3A_335 = arith.index_cast %mul3A_334 : i32 to index
        %get3A_336 = tpu.vector_load %arg7[%get3A_335] {strides = array<i32>} : memref<2000xi32, #tpu.memory_space<vmem>>, vector<16xi32>,
        %sub3A_337 = vector.broadcast %mul3A_2 : i32 to vector<16xi32>
        %sub3A_338 = arith.subi %get3A_332, %sub3A_337 : vector<16xi32>
        %ge3A_339 = arith.constant 0 : i32
        %ge3A_340 = vector.broadcast %ge3A_339 : i32 to vector<16xi32>
        %ge3A_341 = arith.cmpi sge, %sub3A_338, %ge3A_340 : vector<16xi32>
        %lt3A_342 = arith.constant 320 : i32
        %lt3A_343 = vector.broadcast %lt3A_342 : i32 to vector<16xi32>
        %lt3A_344 = arith.cmpi slt, %sub3A_338, %lt3A_343 : vector<16xi32>
        %and3A_345 = arith.andi %ge3A_341, %lt3A_344 : vector<16xi1>
        %jit3A_346 = arith.constant 1 : i32
        %jit3A_347 = arith.constant 0 : i32
        %broadcast_in_dim3A_348 = vector.broadcast %jit3A_346 : i32 to vector<16xi32>
        %broadcast_in_dim3A_349 = vector.broadcast %jit3A_347 : i32 to vector<16xi32>
        %select_n3A_350 = arith.select %and3A_345, %broadcast_in_dim3A_348, %broadcast_in_dim3A_349 : vector<16xi1>, vector<16xi32>
        %broadcast_in_dim3A_351 = arith.constant true
        %broadcast_in_dim3A_352 = vector.broadcast %broadcast_in_dim3A_351 : i1 to vector<16xi1>
        %masked_cumsum3A_353 = tpu.scan <sum>, %select_n3A_350 masked %broadcast_in_dim3A_352 : vector<16xi32>, vector<16xi1> -> vector<16xi32>
        %add3A_354 = arith.addi %scan3A_324, %masked_cumsum3A_353 : vector<16xi32>
        %sub3A_355 = arith.constant 1 : i32
        %sub3A_356 = vector.broadcast %sub3A_355 : i32 to vector<16xi32>
        %sub3A_357 = arith.subi %add3A_354, %sub3A_356 : vector<16xi32>
        tpu.vector_store_idx %arg12[%sub3A_357], %sub3A_338 masked %and3A_345 : memref<2080xi32, #tpu.memory_space<vmem>>[vector<16xi32>], vector<16xi32>, vector<16xi1>
        tpu.vector_store_idx %arg11[%sub3A_357], %get3A_336 masked %and3A_345 : memref<2080xi32, #tpu.memory_space<vmem>>[vector<16xi32>], vector<16xi32>, vector<16xi1>
        %all_reduce_population_count3A_358 = tpu.all_reduce %and3A_345 {dim = 0 : i64, kind = #tpu.reduction_kind<sum>} : vector<16xi1> -> vector<16xi32>
        %add3A_359 = arith.addi %scan3A_324, %all_reduce_population_count3A_358 : vector<16xi32>
        %scan3A_360 = arith.constant 1 : i32
        %scan3A_361 = arith.addi %scan3A_323, %scan3A_360 : i32
        %mul3A_362 = arith.constant 1 : i32
        %mul3A_363 = arith.muli %scan3A_361, %mul3A_362 : i32
        %add3A_364 = arith.constant 0 : i32
        %add3A_365 = arith.addi %add3A_364, %mul3A_363 : i32
        %mul3A_366 = arith.constant 16 : i32
        %mul3A_367 = arith.muli %add3A_365, %mul3A_366 : i32
        %get3A_368 = arith.index_cast %mul3A_367 : i32 to index
        %get3A_369 = tpu.vector_load %arg8[%get3A_368] {strides = array<i32>} : memref<2000xi32, #tpu.memory_space<vmem>>, vector<16xi32>,
        %mul3A_370 = arith.constant 16 : i32
        %mul3A_371 = arith.muli %add3A_365, %mul3A_370 : i32
        %get3A_372 = arith.index_cast %mul3A_371 : i32 to index
        %get3A_373 = tpu.vector_load %arg7[%get3A_372] {strides = array<i32>} : memref<2000xi32, #tpu.memory_space<vmem>>, vector<16xi32>,
        %sub3A_374 = vector.broadcast %mul3A_2 : i32 to vector<16xi32>
        %sub3A_375 = arith.subi %get3A_369, %sub3A_374 : vector<16xi32>
        %ge3A_376 = arith.constant 0 : i32
        %ge3A_377 = vector.broadcast %ge3A_376 : i32 to vector<16xi32>
        %ge3A_378 = arith.cmpi sge, %sub3A_375, %ge3A_377 : vector<16xi32>
        %lt3A_379 = arith.constant 320 : i32
        %lt3A_380 = vector.broadcast %lt3A_379 : i32 to vector<16xi32>
        %lt3A_381 = arith.cmpi slt, %sub3A_375, %lt3A_380 : vector<16xi32>
        %and3A_382 = arith.andi %ge3A_378, %lt3A_381 : vector<16xi1>
        %jit3A_383 = arith.constant 1 : i32
        %jit3A_384 = arith.constant 0 : i32
        %broadcast_in_dim3A_385 = vector.broadcast %jit3A_383 : i32 to vector<16xi32>
        %broadcast_in_dim3A_386 = vector.broadcast %jit3A_384 : i32 to vector<16xi32>
        %select_n3A_387 = arith.select %and3A_382, %broadcast_in_dim3A_385, %broadcast_in_dim3A_386 : vector<16xi1>, vector<16xi32>
        %broadcast_in_dim3A_388 = arith.constant true
        %broadcast_in_dim3A_389 = vector.broadcast %broadcast_in_dim3A_388 : i1 to vector<16xi1>
        %masked_cumsum3A_390 = tpu.scan <sum>, %select_n3A_387 masked %broadcast_in_dim3A_389 : vector<16xi32>, vector<16xi1> -> vector<16xi32>
        %add3A_391 = arith.addi %add3A_359, %masked_cumsum3A_390 : vector<16xi32>
        %sub3A_392 = arith.constant 1 : i32
        %sub3A_393 = vector.broadcast %sub3A_392 : i32 to vector<16xi32>
        %sub3A_394 = arith.subi %add3A_391, %sub3A_393 : vector<16xi32>
        tpu.vector_store_idx %arg12[%sub3A_394], %sub3A_375 masked %and3A_382 : memref<2080xi32, #tpu.memory_space<vmem>>[vector<16xi32>], vector<16xi32>, vector<16xi1>
        tpu.vector_store_idx %arg11[%sub3A_394], %get3A_373 masked %and3A_382 : memref<2080xi32, #tpu.memory_space<vmem>>[vector<16xi32>], vector<16xi32>, vector<16xi1>
        %all_reduce_population_count3A_395 = tpu.all_reduce %and3A_382 {dim = 0 : i64, kind = #tpu.reduction_kind<sum>} : vector<16xi1> -> vector<16xi32>
        %add3A_396 = arith.addi %add3A_359, %all_reduce_population_count3A_395 : vector<16xi32>
        scf.yield %add3A_396 : vector<16xi32>
      }
      %scan3A_71 = arith.constant 124 : i32
      %scan3A_72 = arith.addi %scan3A_66, %scan3A_71 : i32
      %mul3A_73 = arith.constant 1 : i32
      %mul3A_74 = arith.muli %scan3A_72, %mul3A_73 : i32
      %add3A_75 = arith.constant 0 : i32
      %add3A_76 = arith.addi %add3A_75, %mul3A_74 : i32
      %mul3A_77 = arith.constant 16 : i32
      %mul3A_78 = arith.muli %add3A_76, %mul3A_77 : i32
      %get3A = arith.index_cast %mul3A_78 : i32 to index
      %get3A_79 = tpu.vector_load %arg8[%get3A] {strides = array<i32>} : memref<2000xi32, #tpu.memory_space<vmem>>, vector<16xi32>,
      %mul3A_80 = arith.constant 16 : i32
      %mul3A_81 = arith.muli %add3A_76, %mul3A_80 : i32
      %get3A_82 = arith.index_cast %mul3A_81 : i32 to index
      %get3A_83 = tpu.vector_load %arg7[%get3A_82] {strides = array<i32>} : memref<2000xi32, #tpu.memory_space<vmem>>, vector<16xi32>,
      %sub3A = vector.broadcast %mul3A_2 : i32 to vector<16xi32>
      %sub3A_84 = arith.subi %get3A_79, %sub3A : vector<16xi32>
      %ge3A = arith.constant 0 : i32
      %ge3A_85 = vector.broadcast %ge3A : i32 to vector<16xi32>
      %ge3A_86 = arith.cmpi sge, %sub3A_84, %ge3A_85 : vector<16xi32>
      %lt3A = arith.constant 320 : i32
      %lt3A_87 = vector.broadcast %lt3A : i32 to vector<16xi32>
      %lt3A_88 = arith.cmpi slt, %sub3A_84, %lt3A_87 : vector<16xi32>
      %and3A = arith.andi %ge3A_86, %lt3A_88 : vector<16xi1>
      %jit3A = arith.constant 1 : i32
      %jit3A_89 = arith.constant 0 : i32
      %broadcast_in_dim3A_90 = vector.broadcast %jit3A : i32 to vector<16xi32>
      %broadcast_in_dim3A_91 = vector.broadcast %jit3A_89 : i32 to vector<16xi32>
      %select_n3A = arith.select %and3A, %broadcast_in_dim3A_90, %broadcast_in_dim3A_91 : vector<16xi1>, vector<16xi32>
      %broadcast_in_dim3A_92 = arith.constant true
      %broadcast_in_dim3A_93 = vector.broadcast %broadcast_in_dim3A_92 : i1 to vector<16xi1>
      %masked_cumsum3A = tpu.scan <sum>, %select_n3A masked %broadcast_in_dim3A_93 : vector<16xi32>, vector<16xi1> -> vector<16xi32>
      %add3A_94 = arith.addi %scan3A_70, %masked_cumsum3A : vector<16xi32>
      %sub3A_95 = arith.constant 1 : i32
      %sub3A_96 = vector.broadcast %sub3A_95 : i32 to vector<16xi32>
      %sub3A_97 = arith.subi %add3A_94, %sub3A_96 : vector<16xi32>
      tpu.vector_store_idx %arg12[%sub3A_97], %sub3A_84 masked %and3A : memref<2080xi32, #tpu.memory_space<vmem>>[vector<16xi32>], vector<16xi32>, vector<16xi1>
      tpu.vector_store_idx %arg11[%sub3A_97], %get3A_83 masked %and3A : memref<2080xi32, #tpu.memory_space<vmem>>[vector<16xi32>], vector<16xi32>, vector<16xi1>
      %all_reduce_population_count3A = tpu.all_reduce %and3A {dim = 0 : i64, kind = #tpu.reduction_kind<sum>} : vector<16xi1> -> vector<16xi32>
      %add3A_98 = arith.addi %scan3A_70, %all_reduce_population_count3A : vector<16xi32>
      %scan3A_99 = arith.constant 125 : i32
      %reduce_max3A = arith.constant true
      %reduce_max3A_100 = vector.broadcast %reduce_max3A : i1 to vector<16xi1>
      %reduce_max3A_101 = arith.constant -2147483648 : i32
      %reduce_max3A_102 = vector.broadcast %reduce_max3A_101 : i32 to vector<16xi32>
      %reduce_max3A_103 = arith.xori %add3A_98, %reduce_max3A_102 : vector<16xi32>
      %reduce_max3A_104 = tpu.scan <max>, %reduce_max3A_103 masked %reduce_max3A_100 : vector<16xi32>, vector<16xi1> -> vector<16xi32>
      %reduce_max3A_105 = arith.xori %reduce_max3A_104, %reduce_max3A_102 : vector<16xi32>
      %reduce_max3A_106 = vector.extract %reduce_max3A_105[15] : i32 from vector<16xi32>
      %dma_start3A_107 = arith.constant 0 : i32
      %dma_start3A_108 = tpu.memref_slice %arg11[%dma_start3A_107] : memref<2080xi32, #tpu.memory_space<vmem>> -> memref<80xi32, #tpu.memory_space<vmem>>
      %dma_start3A_109 = arith.constant 0 : i32
      %dma_start3A_110 = arith.constant 0 : i32
      %dma_start3A_111 = tpu.memref_slice %arg2[%dma_start3A_109, %dma_start3A_110] : memref<10000x128xf32, #tpu.memory_space<hbm>> -> memref<10000x128xf32, #tpu.memory_space<hbm>>
      tpu.enqueue_indirect_dma source(%dma_start3A_111 : memref<10000x128xf32, #tpu.memory_space<hbm>>) target(%arg15 : memref<80x128xf32, #tpu.memory_space<vmem>>) offsets(%dma_start3A_108 : memref<80xi32, #tpu.memory_space<vmem>>) semaphore(%arg21 : memref<!tpu.dma_semaphore, #tpu.memory_space<semaphore_mem>>)
      %dma_wait3A_112 = arith.constant 0 : i32
      %dma_wait3A_113 = tpu.memref_slice %arg3[%dma_wait3A_112] : memref<320000xi32, #tpu.memory_space<hbm>> -> memref<2000xi32, #tpu.memory_space<hbm>>
      %dma_wait3A_114 = arith.constant 0 : i32
      %dma_wait3A_115 = tpu.memref_slice %arg3[%dma_wait3A_114] : memref<320000xi32, #tpu.memory_space<hbm>> -> memref<2000xi32, #tpu.memory_space<hbm>>
      tpu.wait_dma2 semaphore(%arg19 : memref<!tpu.dma_semaphore, #tpu.memory_space<semaphore_mem>>) src(%dma_wait3A_115 : memref<2000xi32, #tpu.memory_space<hbm>>) dst(%arg9 : memref<2000xi32, #tpu.memory_space<vmem>>)
      %dma_wait3A_116 = arith.constant 0 : i32
      %dma_wait3A_117 = tpu.memref_slice %arg4[%dma_wait3A_116] : memref<320000xi32, #tpu.memory_space<hbm>> -> memref<2000xi32, #tpu.memory_space<hbm>>
      %dma_wait3A_118 = arith.constant 0 : i32
      %dma_wait3A_119 = tpu.memref_slice %arg4[%dma_wait3A_118] : memref<320000xi32, #tpu.memory_space<hbm>> -> memref<2000xi32, #tpu.memory_space<hbm>>
      tpu.wait_dma2 semaphore(%arg20 : memref<!tpu.dma_semaphore, #tpu.memory_space<semaphore_mem>>) src(%dma_wait3A_119 : memref<2000xi32, #tpu.memory_space<hbm>>) dst(%arg10 : memref<2000xi32, #tpu.memory_space<vmem>>)
      %dma_start3A_120 = tpu.memref_slice %arg3[%mul3A_47] : memref<320000xi32, #tpu.memory_space<hbm>> -> memref<2000xi32, #tpu.memory_space<hbm>>
      %dma_start3A_121 = tpu.memref_slice %arg3[%mul3A_47] : memref<320000xi32, #tpu.memory_space<hbm>> -> memref<2000xi32, #tpu.memory_space<hbm>>
      tpu.enqueue_dma source(%dma_start3A_121 : memref<2000xi32, #tpu.memory_space<hbm>>) target(%arg7 : memref<2000xi32, #tpu.memory_space<vmem>>) target_semaphore(%arg17 : memref<!tpu.dma_semaphore, #tpu.memory_space<semaphore_mem>>)
      %dma_start3A_122 = tpu.memref_slice %arg4[%mul3A_47] : memref<320000xi32, #tpu.memory_space<hbm>> -> memref<2000xi32, #tpu.memory_space<hbm>>
      %dma_start3A_123 = tpu.memref_slice %arg4[%mul3A_47] : memref<320000xi32, #tpu.memory_space<hbm>> -> memref<2000xi32, #tpu.memory_space<hbm>>
      tpu.enqueue_dma source(%dma_start3A_123 : memref<2000xi32, #tpu.memory_space<hbm>>) target(%arg8 : memref<2000xi32, #tpu.memory_space<vmem>>) target_semaphore(%arg18 : memref<!tpu.dma_semaphore, #tpu.memory_space<semaphore_mem>>)
      %broadcast_in_dim3A_124 = arith.constant 0 : i32
      %broadcast_in_dim3A_125 = vector.broadcast %broadcast_in_dim3A_124 : i32 to vector<16xi32>
      %scan3A_126 = arith.constant 0 : i32
      %scan3A_127 = arith.constant 124 : i32
      %scan3A_128 = arith.addi %scan3A_126, %scan3A_127 : i32
      %scan3A_129 = arith.constant 2 : i32
      %scan3A_130 = scf.for %scan3A_323 = %scan3A_126 to %scan3A_128 step %scan3A_129 iter_args(%scan3A_324 = %broadcast_in_dim3A_125) -> (vector<16xi32>)  : i32 {
        %mul3A_325 = arith.constant 1 : i32
        %mul3A_326 = arith.muli %scan3A_323, %mul3A_325 : i32
        %add3A_327 = arith.constant 0 : i32
        %add3A_328 = arith.addi %add3A_327, %mul3A_326 : i32
        %mul3A_329 = arith.constant 16 : i32
        %mul3A_330 = arith.muli %add3A_328, %mul3A_329 : i32
        %get3A_331 = arith.index_cast %mul3A_330 : i32 to index
        %get3A_332 = tpu.vector_load %arg10[%get3A_331] {strides = array<i32>} : memref<2000xi32, #tpu.memory_space<vmem>>, vector<16xi32>,
        %mul3A_333 = arith.constant 16 : i32
        %mul3A_334 = arith.muli %add3A_328, %mul3A_333 : i32
        %get3A_335 = arith.index_cast %mul3A_334 : i32 to index
        %get3A_336 = tpu.vector_load %arg9[%get3A_335] {strides = array<i32>} : memref<2000xi32, #tpu.memory_space<vmem>>, vector<16xi32>,
        %sub3A_337 = vector.broadcast %mul3A_2 : i32 to vector<16xi32>
        %sub3A_338 = arith.subi %get3A_332, %sub3A_337 : vector<16xi32>
        %ge3A_339 = arith.constant 0 : i32
        %ge3A_340 = vector.broadcast %ge3A_339 : i32 to vector<16xi32>
        %ge3A_341 = arith.cmpi sge, %sub3A_338, %ge3A_340 : vector<16xi32>
        %lt3A_342 = arith.constant 320 : i32
        %lt3A_343 = vector.broadcast %lt3A_342 : i32 to vector<16xi32>
        %lt3A_344 = arith.cmpi slt, %sub3A_338, %lt3A_343 : vector<16xi32>
        %and3A_345 = arith.andi %ge3A_341, %lt3A_344 : vector<16xi1>
        %jit3A_346 = arith.constant 1 : i32
        %jit3A_347 = arith.constant 0 : i32
        %broadcast_in_dim3A_348 = vector.broadcast %jit3A_346 : i32 to vector<16xi32>
        %broadcast_in_dim3A_349 = vector.broadcast %jit3A_347 : i32 to vector<16xi32>
        %select_n3A_350 = arith.select %and3A_345, %broadcast_in_dim3A_348, %broadcast_in_dim3A_349 : vector<16xi1>, vector<16xi32>
        %broadcast_in_dim3A_351 = arith.constant true
        %broadcast_in_dim3A_352 = vector.broadcast %broadcast_in_dim3A_351 : i1 to vector<16xi1>
        %masked_cumsum3A_353 = tpu.scan <sum>, %select_n3A_350 masked %broadcast_in_dim3A_352 : vector<16xi32>, vector<16xi1> -> vector<16xi32>
        %add3A_354 = arith.addi %scan3A_324, %masked_cumsum3A_353 : vector<16xi32>
        %sub3A_355 = arith.constant 1 : i32
        %sub3A_356 = vector.broadcast %sub3A_355 : i32 to vector<16xi32>
        %sub3A_357 = arith.subi %add3A_354, %sub3A_356 : vector<16xi32>
        tpu.vector_store_idx %arg14[%sub3A_357], %sub3A_338 masked %and3A_345 : memref<2080xi32, #tpu.memory_space<vmem>>[vector<16xi32>], vector<16xi32>, vector<16xi1>
        tpu.vector_store_idx %arg13[%sub3A_357], %get3A_336 masked %and3A_345 : memref<2080xi32, #tpu.memory_space<vmem>>[vector<16xi32>], vector<16xi32>, vector<16xi1>
        %all_reduce_population_count3A_358 = tpu.all_reduce %and3A_345 {dim = 0 : i64, kind = #tpu.reduction_kind<sum>} : vector<16xi1> -> vector<16xi32>
        %add3A_359 = arith.addi %scan3A_324, %all_reduce_population_count3A_358 : vector<16xi32>
        %scan3A_360 = arith.constant 1 : i32
        %scan3A_361 = arith.addi %scan3A_323, %scan3A_360 : i32
        %mul3A_362 = arith.constant 1 : i32
        %mul3A_363 = arith.muli %scan3A_361, %mul3A_362 : i32
        %add3A_364 = arith.constant 0 : i32
        %add3A_365 = arith.addi %add3A_364, %mul3A_363 : i32
        %mul3A_366 = arith.constant 16 : i32
        %mul3A_367 = arith.muli %add3A_365, %mul3A_366 : i32
        %get3A_368 = arith.index_cast %mul3A_367 : i32 to index
        %get3A_369 = tpu.vector_load %arg10[%get3A_368] {strides = array<i32>} : memref<2000xi32, #tpu.memory_space<vmem>>, vector<16xi32>,
        %mul3A_370 = arith.constant 16 : i32
        %mul3A_371 = arith.muli %add3A_365, %mul3A_370 : i32
        %get3A_372 = arith.index_cast %mul3A_371 : i32 to index
        %get3A_373 = tpu.vector_load %arg9[%get3A_372] {strides = array<i32>} : memref<2000xi32, #tpu.memory_space<vmem>>, vector<16xi32>,
        %sub3A_374 = vector.broadcast %mul3A_2 : i32 to vector<16xi32>
        %sub3A_375 = arith.subi %get3A_369, %sub3A_374 : vector<16xi32>
        %ge3A_376 = arith.constant 0 : i32
        %ge3A_377 = vector.broadcast %ge3A_376 : i32 to vector<16xi32>
        %ge3A_378 = arith.cmpi sge, %sub3A_375, %ge3A_377 : vector<16xi32>
        %lt3A_379 = arith.constant 320 : i32
        %lt3A_380 = vector.broadcast %lt3A_379 : i32 to vector<16xi32>
        %lt3A_381 = arith.cmpi slt, %sub3A_375, %lt3A_380 : vector<16xi32>
        %and3A_382 = arith.andi %ge3A_378, %lt3A_381 : vector<16xi1>
        %jit3A_383 = arith.constant 1 : i32
        %jit3A_384 = arith.constant 0 : i32
        %broadcast_in_dim3A_385 = vector.broadcast %jit3A_383 : i32 to vector<16xi32>
        %broadcast_in_dim3A_386 = vector.broadcast %jit3A_384 : i32 to vector<16xi32>
        %select_n3A_387 = arith.select %and3A_382, %broadcast_in_dim3A_385, %broadcast_in_dim3A_386 : vector<16xi1>, vector<16xi32>
        %broadcast_in_dim3A_388 = arith.constant true
        %broadcast_in_dim3A_389 = vector.broadcast %broadcast_in_dim3A_388 : i1 to vector<16xi1>
        %masked_cumsum3A_390 = tpu.scan <sum>, %select_n3A_387 masked %broadcast_in_dim3A_389 : vector<16xi32>, vector<16xi1> -> vector<16xi32>
        %add3A_391 = arith.addi %add3A_359, %masked_cumsum3A_390 : vector<16xi32>
        %sub3A_392 = arith.constant 1 : i32
        %sub3A_393 = vector.broadcast %sub3A_392 : i32 to vector<16xi32>
        %sub3A_394 = arith.subi %add3A_391, %sub3A_393 : vector<16xi32>
        tpu.vector_store_idx %arg14[%sub3A_394], %sub3A_375 masked %and3A_382 : memref<2080xi32, #tpu.memory_space<vmem>>[vector<16xi32>], vector<16xi32>, vector<16xi1>
        tpu.vector_store_idx %arg13[%sub3A_394], %get3A_373 masked %and3A_382 : memref<2080xi32, #tpu.memory_space<vmem>>[vector<16xi32>], vector<16xi32>, vector<16xi1>
        %all_reduce_population_count3A_395 = tpu.all_reduce %and3A_382 {dim = 0 : i64, kind = #tpu.reduction_kind<sum>} : vector<16xi1> -> vector<16xi32>
        %add3A_396 = arith.addi %add3A_359, %all_reduce_population_count3A_395 : vector<16xi32>
        scf.yield %add3A_396 : vector<16xi32>
      }
      %scan3A_131 = arith.constant 124 : i32
      %scan3A_132 = arith.addi %scan3A_126, %scan3A_131 : i32
      %mul3A_133 = arith.constant 1 : i32
      %mul3A_134 = arith.muli %scan3A_132, %mul3A_133 : i32
      %add3A_135 = arith.constant 0 : i32
      %add3A_136 = arith.addi %add3A_135, %mul3A_134 : i32
      %mul3A_137 = arith.constant 16 : i32
      %mul3A_138 = arith.muli %add3A_136, %mul3A_137 : i32
      %get3A_139 = arith.index_cast %mul3A_138 : i32 to index
      %get3A_140 = tpu.vector_load %arg10[%get3A_139] {strides = array<i32>} : memref<2000xi32, #tpu.memory_space<vmem>>, vector<16xi32>,
      %mul3A_141 = arith.constant 16 : i32
      %mul3A_142 = arith.muli %add3A_136, %mul3A_141 : i32
      %get3A_143 = arith.index_cast %mul3A_142 : i32 to index
      %get3A_144 = tpu.vector_load %arg9[%get3A_143] {strides = array<i32>} : memref<2000xi32, #tpu.memory_space<vmem>>, vector<16xi32>,
      %sub3A_145 = vector.broadcast %mul3A_2 : i32 to vector<16xi32>
      %sub3A_146 = arith.subi %get3A_140, %sub3A_145 : vector<16xi32>
      %ge3A_147 = arith.constant 0 : i32
      %ge3A_148 = vector.broadcast %ge3A_147 : i32 to vector<16xi32>
      %ge3A_149 = arith.cmpi sge, %sub3A_146, %ge3A_148 : vector<16xi32>
      %lt3A_150 = arith.constant 320 : i32
      %lt3A_151 = vector.broadcast %lt3A_150 : i32 to vector<16xi32>
      %lt3A_152 = arith.cmpi slt, %sub3A_146, %lt3A_151 : vector<16xi32>
      %and3A_153 = arith.andi %ge3A_149, %lt3A_152 : vector<16xi1>
      %jit3A_154 = arith.constant 1 : i32
      %jit3A_155 = arith.constant 0 : i32
      %broadcast_in_dim3A_156 = vector.broadcast %jit3A_154 : i32 to vector<16xi32>
      %broadcast_in_dim3A_157 = vector.broadcast %jit3A_155 : i32 to vector<16xi32>
      %select_n3A_158 = arith.select %and3A_153, %broadcast_in_dim3A_156, %broadcast_in_dim3A_157 : vector<16xi1>, vector<16xi32>
      %broadcast_in_dim3A_159 = arith.constant true
      %broadcast_in_dim3A_160 = vector.broadcast %broadcast_in_dim3A_159 : i1 to vector<16xi1>
      %masked_cumsum3A_161 = tpu.scan <sum>, %select_n3A_158 masked %broadcast_in_dim3A_160 : vector<16xi32>, vector<16xi1> -> vector<16xi32>
      %add3A_162 = arith.addi %scan3A_130, %masked_cumsum3A_161 : vector<16xi32>
      %sub3A_163 = arith.constant 1 : i32
      %sub3A_164 = vector.broadcast %sub3A_163 : i32 to vector<16xi32>
      %sub3A_165 = arith.subi %add3A_162, %sub3A_164 : vector<16xi32>
      tpu.vector_store_idx %arg14[%sub3A_165], %sub3A_146 masked %and3A_153 : memref<2080xi32, #tpu.memory_space<vmem>>[vector<16xi32>], vector<16xi32>, vector<16xi1>
      tpu.vector_store_idx %arg13[%sub3A_165], %get3A_144 masked %and3A_153 : memref<2080xi32, #tpu.memory_space<vmem>>[vector<16xi32>], vector<16xi32>, vector<16xi1>
      %all_reduce_population_count3A_166 = tpu.all_reduce %and3A_153 {dim = 0 : i64, kind = #tpu.reduction_kind<sum>} : vector<16xi1> -> vector<16xi32>
      %add3A_167 = arith.addi %scan3A_130, %all_reduce_population_count3A_166 : vector<16xi32>
      %scan3A_168 = arith.constant 125 : i32
      %reduce_max3A_169 = arith.constant true
      %reduce_max3A_170 = vector.broadcast %reduce_max3A_169 : i1 to vector<16xi1>
      %reduce_max3A_171 = arith.constant -2147483648 : i32
      %reduce_max3A_172 = vector.broadcast %reduce_max3A_171 : i32 to vector<16xi32>
      %reduce_max3A_173 = arith.xori %add3A_167, %reduce_max3A_172 : vector<16xi32>
      %reduce_max3A_174 = tpu.scan <max>, %reduce_max3A_173 masked %reduce_max3A_170 : vector<16xi32>, vector<16xi1> -> vector<16xi32>
      %reduce_max3A_175 = arith.xori %reduce_max3A_174, %reduce_max3A_172 : vector<16xi32>
      %reduce_max3A_176 = vector.extract %reduce_max3A_175[15] : i32 from vector<16xi32>
      %dma_wait3A_177 = arith.constant 0 : i32
      %dma_wait3A_178 = tpu.memref_slice %arg11[%dma_wait3A_177] : memref<2080xi32, #tpu.memory_space<vmem>> -> memref<80xi32, #tpu.memory_space<vmem>>
      %dma_wait3A_179 = arith.constant 0 : i32
      %dma_wait3A_180 = arith.constant 0 : i32
      %dma_wait3A_181 = tpu.memref_slice %arg2[%dma_wait3A_179, %dma_wait3A_180] : memref<10000x128xf32, #tpu.memory_space<hbm>> -> memref<10000x128xf32, #tpu.memory_space<hbm>>
      tpu.wait_indirect_dma semaphore(%arg21 : memref<!tpu.dma_semaphore, #tpu.memory_space<semaphore_mem>>) src(%dma_wait3A_181 : memref<10000x128xf32, #tpu.memory_space<hbm>>) dst(%arg15 : memref<80x128xf32, #tpu.memory_space<vmem>>)
      %dma_start3A_182 = arith.constant 0 : i32
      %dma_start3A_183 = tpu.memref_slice %arg13[%dma_start3A_182] : memref<2080xi32, #tpu.memory_space<vmem>> -> memref<80xi32, #tpu.memory_space<vmem>>
      %dma_start3A_184 = arith.constant 0 : i32
      %dma_start3A_185 = arith.constant 0 : i32
      %dma_start3A_186 = tpu.memref_slice %arg2[%dma_start3A_184, %dma_start3A_185] : memref<10000x128xf32, #tpu.memory_space<hbm>> -> memref<10000x128xf32, #tpu.memory_space<hbm>>
      tpu.enqueue_indirect_dma source(%dma_start3A_186 : memref<10000x128xf32, #tpu.memory_space<hbm>>) target(%arg16 : memref<80x128xf32, #tpu.memory_space<vmem>>) offsets(%dma_start3A_183 : memref<80xi32, #tpu.memory_space<vmem>>) semaphore(%arg22 : memref<!tpu.dma_semaphore, #tpu.memory_space<semaphore_mem>>)
      %sub3A_187 = arith.constant 0 : i32
      %sub3A_188 = arith.subi %reduce_max3A_106, %sub3A_187 : i32
      %min3A_189 = arith.constant 80 : i32
      %min3A_190 = arith.minsi %sub3A_188, %min3A_189 : i32
      %sub3A_191 = arith.constant 0 : i32
      %sub3A_192 = arith.subi %min3A_190, %sub3A_191 : i32
      %sub3A_193 = arith.constant 1 : i32
      %sub3A_194 = arith.constant 1 : i32
      %sub3A_195 = arith.subi %sub3A_193, %sub3A_194 : i32
      %add3A_196 = arith.addi %sub3A_192, %sub3A_195 : i32
      %div3A = arith.constant 1 : i32
      %div3A_197 = arith.divsi %add3A_196, %div3A : i32
      %while3A = arith.constant 1 : i32
      %while3A_198 = arith.constant 0 : i32
      %while3A_199 = arith.constant 0 : i32
      %while3A_200 = arith.subi %div3A_197, %while3A_199 : i32
      %while3A_201 = arith.addi %while3A_199, %while3A_200 : i32
      %while3A_202 = arith.constant 1 : i32
      %while3A_203 = arith.divsi %while3A_200, %while3A_202 : i32
      %while3A_204 = arith.muli %while3A_203, %while3A_202 : i32
      %while3A_205 = arith.addi %while3A_199, %while3A_204 : i32
      %while3A_206 = arith.constant 1 : i32
      scf.for %while3A_323 = %while3A_199 to %while3A_205 step %while3A_206  : i32 {
        %mul3A_324 = arith.muli %while3A_323, %while3A : i32
        %add3A_325 = arith.addi %while3A_198, %mul3A_324 : i32
        %add3A_326 = arith.constant 0 : i32
        %add3A_327 = arith.addi %add3A_326, %add3A_325 : i32
        %broadcast_in_dim3A_328 = vector.broadcast %add3A_327 : i32 to vector<16xi32>
        %gather3A = tpu.vector_load_idx %arg12[%broadcast_in_dim3A_328] : memref<2080xi32, #tpu.memory_space<vmem>>[vector<16xi32>], vector<16xi32>,
        %get3A_329 = arith.index_cast %add3A_325 : i32 to index
        %get3A_330 = arith.constant 0 : index
        %get3A_331 = tpu.vector_load %arg15[%get3A_329, %get3A_330] {strides = array<i32>} : memref<80x128xf32, #tpu.memory_space<vmem>>, vector<16xf32>,
        %add3A_332 = arith.constant 0 : i32
        %add3A_333 = vector.broadcast %add3A_332 : i32 to vector<16xi32>
        %add3A_334 = arith.addi %add3A_333, %iota3A : vector<16xi32>
        tpu.vector_store_idx %arg6[%gather3A, %add3A_334], %get3A_331 {add = true} : memref<320x144xf32, #tpu.memory_space<vmem>>[vector<16xi32>, vector<16xi32>], vector<16xf32>,
        %get3A_335 = arith.index_cast %add3A_325 : i32 to index
        %get3A_336 = arith.constant 16 : index
        %get3A_337 = tpu.vector_load %arg15[%get3A_335, %get3A_336] {strides = array<i32>} : memref<80x128xf32, #tpu.memory_space<vmem>>, vector<16xf32>,
        %add3A_338 = arith.constant 16 : i32
        %add3A_339 = vector.broadcast %add3A_338 : i32 to vector<16xi32>
        %add3A_340 = arith.addi %add3A_339, %iota3A : vector<16xi32>
        tpu.vector_store_idx %arg6[%gather3A, %add3A_340], %get3A_337 {add = true} : memref<320x144xf32, #tpu.memory_space<vmem>>[vector<16xi32>, vector<16xi32>], vector<16xf32>,
        %get3A_341 = arith.index_cast %add3A_325 : i32 to index
        %get3A_342 = arith.constant 32 : index
        %get3A_343 = tpu.vector_load %arg15[%get3A_341, %get3A_342] {strides = array<i32>} : memref<80x128xf32, #tpu.memory_space<vmem>>, vector<16xf32>,
        %add3A_344 = arith.constant 32 : i32
        %add3A_345 = vector.broadcast %add3A_344 : i32 to vector<16xi32>
        %add3A_346 = arith.addi %add3A_345, %iota3A : vector<16xi32>
        tpu.vector_store_idx %arg6[%gather3A, %add3A_346], %get3A_343 {add = true} : memref<320x144xf32, #tpu.memory_space<vmem>>[vector<16xi32>, vector<16xi32>], vector<16xf32>,
        %get3A_347 = arith.index_cast %add3A_325 : i32 to index
        %get3A_348 = arith.constant 48 : index
        %get3A_349 = tpu.vector_load %arg15[%get3A_347, %get3A_348] {strides = array<i32>} : memref<80x128xf32, #tpu.memory_space<vmem>>, vector<16xf32>,
        %add3A_350 = arith.constant 48 : i32
        %add3A_351 = vector.broadcast %add3A_350 : i32 to vector<16xi32>
        %add3A_352 = arith.addi %add3A_351, %iota3A : vector<16xi32>
        tpu.vector_store_idx %arg6[%gather3A, %add3A_352], %get3A_349 {add = true} : memref<320x144xf32, #tpu.memory_space<vmem>>[vector<16xi32>, vector<16xi32>], vector<16xf32>,
        %get3A_353 = arith.index_cast %add3A_325 : i32 to index
        %get3A_354 = arith.constant 64 : index
        %get3A_355 = tpu.vector_load %arg15[%get3A_353, %get3A_354] {strides = array<i32>} : memref<80x128xf32, #tpu.memory_space<vmem>>, vector<16xf32>,
        %add3A_356 = arith.constant 64 : i32
        %add3A_357 = vector.broadcast %add3A_356 : i32 to vector<16xi32>
        %add3A_358 = arith.addi %add3A_357, %iota3A : vector<16xi32>
        tpu.vector_store_idx %arg6[%gather3A, %add3A_358], %get3A_355 {add = true} : memref<320x144xf32, #tpu.memory_space<vmem>>[vector<16xi32>, vector<16xi32>], vector<16xf32>,
        %get3A_359 = arith.index_cast %add3A_325 : i32 to index
        %get3A_360 = arith.constant 80 : index
        %get3A_361 = tpu.vector_load %arg15[%get3A_359, %get3A_360] {strides = array<i32>} : memref<80x128xf32, #tpu.memory_space<vmem>>, vector<16xf32>,
        %add3A_362 = arith.constant 80 : i32
        %add3A_363 = vector.broadcast %add3A_362 : i32 to vector<16xi32>
        %add3A_364 = arith.addi %add3A_363, %iota3A : vector<16xi32>
        tpu.vector_store_idx %arg6[%gather3A, %add3A_364], %get3A_361 {add = true} : memref<320x144xf32, #tpu.memory_space<vmem>>[vector<16xi32>, vector<16xi32>], vector<16xf32>,
        %get3A_365 = arith.index_cast %add3A_325 : i32 to index
        %get3A_366 = arith.constant 96 : index
        %get3A_367 = tpu.vector_load %arg15[%get3A_365, %get3A_366] {strides = array<i32>} : memref<80x128xf32, #tpu.memory_space<vmem>>, vector<16xf32>,
        %add3A_368 = arith.constant 96 : i32
        %add3A_369 = vector.broadcast %add3A_368 : i32 to vector<16xi32>
        %add3A_370 = arith.addi %add3A_369, %iota3A : vector<16xi32>
        tpu.vector_store_idx %arg6[%gather3A, %add3A_370], %get3A_367 {add = true} : memref<320x144xf32, #tpu.memory_space<vmem>>[vector<16xi32>, vector<16xi32>], vector<16xf32>,
        %get3A_371 = arith.index_cast %add3A_325 : i32 to index
        %get3A_372 = arith.constant 112 : index
        %get3A_373 = tpu.vector_load %arg15[%get3A_371, %get3A_372] {strides = array<i32>} : memref<80x128xf32, #tpu.memory_space<vmem>>, vector<16xf32>,
        %add3A_374 = arith.constant 112 : i32
        %add3A_375 = vector.broadcast %add3A_374 : i32 to vector<16xi32>
        %add3A_376 = arith.addi %add3A_375, %iota3A : vector<16xi32>
        tpu.vector_store_idx %arg6[%gather3A, %add3A_376], %get3A_373 {add = true} : memref<320x144xf32, #tpu.memory_space<vmem>>[vector<16xi32>, vector<16xi32>], vector<16xf32>,
        %add3A_377 = arith.constant 128 : i32
        %add3A_378 = vector.broadcast %add3A_377 : i32 to vector<16xi32>
        %add3A_379 = arith.addi %add3A_378, %iota3A : vector<16xi32>
        tpu.vector_store_idx %arg6[%gather3A, %add3A_379], %broadcast_in_dim3A_5 {add = true} : memref<320x144xf32, #tpu.memory_space<vmem>>[vector<16xi32>, vector<16xi32>], vector<16xf32>,
      }
      %while3A_207 = arith.constant 1 : i32
      scf.for %while3A_323 = %while3A_205 to %while3A_201 step %while3A_207  : i32 {
        %mul3A_324 = arith.muli %while3A_323, %while3A : i32
        %add3A_325 = arith.addi %while3A_198, %mul3A_324 : i32
        %add3A_326 = arith.constant 0 : i32
        %add3A_327 = arith.addi %add3A_326, %add3A_325 : i32
        %broadcast_in_dim3A_328 = vector.broadcast %add3A_327 : i32 to vector<16xi32>
        %gather3A = tpu.vector_load_idx %arg12[%broadcast_in_dim3A_328] : memref<2080xi32, #tpu.memory_space<vmem>>[vector<16xi32>], vector<16xi32>,
        %get3A_329 = arith.index_cast %add3A_325 : i32 to index
        %get3A_330 = arith.constant 0 : index
        %get3A_331 = tpu.vector_load %arg15[%get3A_329, %get3A_330] {strides = array<i32>} : memref<80x128xf32, #tpu.memory_space<vmem>>, vector<16xf32>,
        %add3A_332 = arith.constant 0 : i32
        %add3A_333 = vector.broadcast %add3A_332 : i32 to vector<16xi32>
        %add3A_334 = arith.addi %add3A_333, %iota3A : vector<16xi32>
        tpu.vector_store_idx %arg6[%gather3A, %add3A_334], %get3A_331 {add = true} : memref<320x144xf32, #tpu.memory_space<vmem>>[vector<16xi32>, vector<16xi32>], vector<16xf32>,
        %get3A_335 = arith.index_cast %add3A_325 : i32 to index
        %get3A_336 = arith.constant 16 : index
        %get3A_337 = tpu.vector_load %arg15[%get3A_335, %get3A_336] {strides = array<i32>} : memref<80x128xf32, #tpu.memory_space<vmem>>, vector<16xf32>,
        %add3A_338 = arith.constant 16 : i32
        %add3A_339 = vector.broadcast %add3A_338 : i32 to vector<16xi32>
        %add3A_340 = arith.addi %add3A_339, %iota3A : vector<16xi32>
        tpu.vector_store_idx %arg6[%gather3A, %add3A_340], %get3A_337 {add = true} : memref<320x144xf32, #tpu.memory_space<vmem>>[vector<16xi32>, vector<16xi32>], vector<16xf32>,
        %get3A_341 = arith.index_cast %add3A_325 : i32 to index
        %get3A_342 = arith.constant 32 : index
        %get3A_343 = tpu.vector_load %arg15[%get3A_341, %get3A_342] {strides = array<i32>} : memref<80x128xf32, #tpu.memory_space<vmem>>, vector<16xf32>,
        %add3A_344 = arith.constant 32 : i32
        %add3A_345 = vector.broadcast %add3A_344 : i32 to vector<16xi32>
        %add3A_346 = arith.addi %add3A_345, %iota3A : vector<16xi32>
        tpu.vector_store_idx %arg6[%gather3A, %add3A_346], %get3A_343 {add = true} : memref<320x144xf32, #tpu.memory_space<vmem>>[vector<16xi32>, vector<16xi32>], vector<16xf32>,
        %get3A_347 = arith.index_cast %add3A_325 : i32 to index
        %get3A_348 = arith.constant 48 : index
        %get3A_349 = tpu.vector_load %arg15[%get3A_347, %get3A_348] {strides = array<i32>} : memref<80x128xf32, #tpu.memory_space<vmem>>, vector<16xf32>,
        %add3A_350 = arith.constant 48 : i32
        %add3A_351 = vector.broadcast %add3A_350 : i32 to vector<16xi32>
        %add3A_352 = arith.addi %add3A_351, %iota3A : vector<16xi32>
        tpu.vector_store_idx %arg6[%gather3A, %add3A_352], %get3A_349 {add = true} : memref<320x144xf32, #tpu.memory_space<vmem>>[vector<16xi32>, vector<16xi32>], vector<16xf32>,
        %get3A_353 = arith.index_cast %add3A_325 : i32 to index
        %get3A_354 = arith.constant 64 : index
        %get3A_355 = tpu.vector_load %arg15[%get3A_353, %get3A_354] {strides = array<i32>} : memref<80x128xf32, #tpu.memory_space<vmem>>, vector<16xf32>,
        %add3A_356 = arith.constant 64 : i32
        %add3A_357 = vector.broadcast %add3A_356 : i32 to vector<16xi32>
        %add3A_358 = arith.addi %add3A_357, %iota3A : vector<16xi32>
        tpu.vector_store_idx %arg6[%gather3A, %add3A_358], %get3A_355 {add = true} : memref<320x144xf32, #tpu.memory_space<vmem>>[vector<16xi32>, vector<16xi32>], vector<16xf32>,
        %get3A_359 = arith.index_cast %add3A_325 : i32 to index
        %get3A_360 = arith.constant 80 : index
        %get3A_361 = tpu.vector_load %arg15[%get3A_359, %get3A_360] {strides = array<i32>} : memref<80x128xf32, #tpu.memory_space<vmem>>, vector<16xf32>,
        %add3A_362 = arith.constant 80 : i32
        %add3A_363 = vector.broadcast %add3A_362 : i32 to vector<16xi32>
        %add3A_364 = arith.addi %add3A_363, %iota3A : vector<16xi32>
        tpu.vector_store_idx %arg6[%gather3A, %add3A_364], %get3A_361 {add = true} : memref<320x144xf32, #tpu.memory_space<vmem>>[vector<16xi32>, vector<16xi32>], vector<16xf32>,
        %get3A_365 = arith.index_cast %add3A_325 : i32 to index
        %get3A_366 = arith.constant 96 : index
        %get3A_367 = tpu.vector_load %arg15[%get3A_365, %get3A_366] {strides = array<i32>} : memref<80x128xf32, #tpu.memory_space<vmem>>, vector<16xf32>,
        %add3A_368 = arith.constant 96 : i32
        %add3A_369 = vector.broadcast %add3A_368 : i32 to vector<16xi32>
        %add3A_370 = arith.addi %add3A_369, %iota3A : vector<16xi32>
        tpu.vector_store_idx %arg6[%gather3A, %add3A_370], %get3A_367 {add = true} : memref<320x144xf32, #tpu.memory_space<vmem>>[vector<16xi32>, vector<16xi32>], vector<16xf32>,
        %get3A_371 = arith.index_cast %add3A_325 : i32 to index
        %get3A_372 = arith.constant 112 : index
        %get3A_373 = tpu.vector_load %arg15[%get3A_371, %get3A_372] {strides = array<i32>} : memref<80x128xf32, #tpu.memory_space<vmem>>, vector<16xf32>,
        %add3A_374 = arith.constant 112 : i32
        %add3A_375 = vector.broadcast %add3A_374 : i32 to vector<16xi32>
        %add3A_376 = arith.addi %add3A_375, %iota3A : vector<16xi32>
        tpu.vector_store_idx %arg6[%gather3A, %add3A_376], %get3A_373 {add = true} : memref<320x144xf32, #tpu.memory_space<vmem>>[vector<16xi32>, vector<16xi32>], vector<16xf32>,
        %add3A_377 = arith.constant 128 : i32
        %add3A_378 = vector.broadcast %add3A_377 : i32 to vector<16xi32>
        %add3A_379 = arith.addi %add3A_378, %iota3A : vector<16xi32>
        tpu.vector_store_idx %arg6[%gather3A, %add3A_379], %broadcast_in_dim3A_5 {add = true} : memref<320x144xf32, #tpu.memory_space<vmem>>[vector<16xi32>, vector<16xi32>], vector<16xf32>,
      }
      %add3A_208 = arith.constant 79 : i32
      %add3A_209 = arith.addi %reduce_max3A_106, %add3A_208 : i32
      %jit3A_210 = arith.constant 80 : i32
      %div3A_211 = arith.divsi %add3A_209, %jit3A_210 : i32
      %sign3A = arith.constant 0 : i32
      %sign3A_212 = arith.cmpi sgt, %add3A_209, %sign3A : i32
      %sign3A_213 = arith.extui %sign3A_212 : i1 to i32
      %sign3A_214 = arith.constant 0 : i32
      %sign3A_215 = arith.cmpi slt, %add3A_209, %sign3A_214 : i32
      %sign3A_216 = arith.extui %sign3A_215 : i1 to i32
      %sign3A_217 = arith.subi %sign3A_213, %sign3A_216 : i32
      %sign3A_218 = arith.constant 0 : i32
      %sign3A_219 = arith.cmpi sgt, %jit3A_210, %sign3A_218 : i32
      %sign3A_220 = arith.extui %sign3A_219 : i1 to i32
      %sign3A_221 = arith.constant 0 : i32
      %sign3A_222 = arith.cmpi slt, %jit3A_210, %sign3A_221 : i32
      %sign3A_223 = arith.extui %sign3A_222 : i1 to i32
      %sign3A_224 = arith.subi %sign3A_220, %sign3A_223 : i32
      %ne3A = arith.cmpi ne, %sign3A_217, %sign3A_224 : i32
      %rem3A = arith.remsi %add3A_209, %jit3A_210 : i32
      %ne3A_225 = arith.constant 0 : i32
      %ne3A_226 = arith.cmpi ne, %rem3A, %ne3A_225 : i32
      %and3A_227 = arith.andi %ne3A, %ne3A_226 : i1
      %sub3A_228 = arith.constant 1 : i32
      %sub3A_229 = arith.subi %div3A_211, %sub3A_228 : i32
      %select_n3A_230 = arith.select %and3A_227, %sub3A_229, %div3A_211 : i32
      %sub3A_231 = arith.constant 1 : i32
      %sub3A_232 = arith.subi %select_n3A_230, %sub3A_231 : i32
      %sub3A_233 = arith.constant 1 : i32
      %sub3A_234 = arith.constant 1 : i32
      %sub3A_235 = arith.subi %sub3A_233, %sub3A_234 : i32
      %add3A_236 = arith.addi %sub3A_232, %sub3A_235 : i32
      %div3A_237 = arith.constant 1 : i32
      %div3A_238 = arith.divsi %add3A_236, %div3A_237 : i32
      %while3A_239 = arith.constant 1 : i32
      %while3A_240 = arith.constant 1 : i32
      %while3A_241 = arith.constant 0 : i32
      %while3A_242 = arith.subi %div3A_238, %while3A_241 : i32
      %while3A_243 = arith.addi %while3A_241, %while3A_242 : i32
      %while3A_244 = arith.constant 1 : i32
      %while3A_245 = arith.divsi %while3A_242, %while3A_244 : i32
      %while3A_246 = arith.muli %while3A_245, %while3A_244 : i32
      %while3A_247 = arith.addi %while3A_241, %while3A_246 : i32
      %while3A_248 = arith.constant 1 : i32
      scf.for %while3A_323 = %while3A_241 to %while3A_247 step %while3A_248  : i32 {
        %mul3A_324 = arith.muli %while3A_323, %while3A_239 : i32
        %add3A_325 = arith.addi %while3A_240, %mul3A_324 : i32
        %mul3A_326 = arith.constant 80 : i32
        %mul3A_327 = arith.muli %add3A_325, %mul3A_326 : i32
        %dma_start3A_328 = tpu.memref_slice %arg11[%mul3A_327] : memref<2080xi32, #tpu.memory_space<vmem>> -> memref<80xi32, #tpu.memory_space<vmem>>
        %dma_start3A_329 = arith.constant 0 : i32
        %dma_start3A_330 = arith.constant 0 : i32
        %dma_start3A_331 = tpu.memref_slice %arg2[%dma_start3A_329, %dma_start3A_330] : memref<10000x128xf32, #tpu.memory_space<hbm>> -> memref<10000x128xf32, #tpu.memory_space<hbm>>
        tpu.enqueue_indirect_dma source(%dma_start3A_331 : memref<10000x128xf32, #tpu.memory_space<hbm>>) target(%arg15 : memref<80x128xf32, #tpu.memory_space<vmem>>) offsets(%dma_start3A_328 : memref<80xi32, #tpu.memory_space<vmem>>) semaphore(%arg21 : memref<!tpu.dma_semaphore, #tpu.memory_space<semaphore_mem>>)
        %dma_wait3A_332 = tpu.memref_slice %arg11[%mul3A_327] : memref<2080xi32, #tpu.memory_space<vmem>> -> memref<80xi32, #tpu.memory_space<vmem>>
        %dma_wait3A_333 = arith.constant 0 : i32
        %dma_wait3A_334 = arith.constant 0 : i32
        %dma_wait3A_335 = tpu.memref_slice %arg2[%dma_wait3A_333, %dma_wait3A_334] : memref<10000x128xf32, #tpu.memory_space<hbm>> -> memref<10000x128xf32, #tpu.memory_space<hbm>>
        tpu.wait_indirect_dma semaphore(%arg21 : memref<!tpu.dma_semaphore, #tpu.memory_space<semaphore_mem>>) src(%dma_wait3A_335 : memref<10000x128xf32, #tpu.memory_space<hbm>>) dst(%arg15 : memref<80x128xf32, #tpu.memory_space<vmem>>)
        %sub3A_336 = arith.subi %reduce_max3A_106, %mul3A_327 : i32
        %min3A_337 = arith.constant 80 : i32
        %min3A_338 = arith.minsi %sub3A_336, %min3A_337 : i32
        %sub3A_339 = arith.constant 0 : i32
        %sub3A_340 = arith.subi %min3A_338, %sub3A_339 : i32
        %sub3A_341 = arith.constant 1 : i32
        %sub3A_342 = arith.constant 1 : i32
        %sub3A_343 = arith.subi %sub3A_341, %sub3A_342 : i32
        %add3A_344 = arith.addi %sub3A_340, %sub3A_343 : i32
        %div3A_345 = arith.constant 1 : i32
        %div3A_346 = arith.divsi %add3A_344, %div3A_345 : i32
        %while3A_347 = arith.constant 1 : i32
        %while3A_348 = arith.constant 0 : i32
        %while3A_349 = arith.constant 0 : i32
        %while3A_350 = arith.subi %div3A_346, %while3A_349 : i32
        %while3A_351 = arith.addi %while3A_349, %while3A_350 : i32
        %while3A_352 = arith.constant 1 : i32
        %while3A_353 = arith.divsi %while3A_350, %while3A_352 : i32
        %while3A_354 = arith.muli %while3A_353, %while3A_352 : i32
        %while3A_355 = arith.addi %while3A_349, %while3A_354 : i32
        %while3A_356 = arith.constant 1 : i32
        scf.for %while3A_358 = %while3A_349 to %while3A_355 step %while3A_356  : i32 {
          %mul3A_359 = arith.muli %while3A_358, %while3A_347 : i32
          %add3A_360 = arith.addi %while3A_348, %mul3A_359 : i32
          %add3A_361 = arith.addi %mul3A_327, %add3A_360 : i32
          %broadcast_in_dim3A_362 = vector.broadcast %add3A_361 : i32 to vector<16xi32>
          %gather3A = tpu.vector_load_idx %arg12[%broadcast_in_dim3A_362] : memref<2080xi32, #tpu.memory_space<vmem>>[vector<16xi32>], vector<16xi32>,
          %get3A_363 = arith.index_cast %add3A_360 : i32 to index
          %get3A_364 = arith.constant 0 : index
          %get3A_365 = tpu.vector_load %arg15[%get3A_363, %get3A_364] {strides = array<i32>} : memref<80x128xf32, #tpu.memory_space<vmem>>, vector<16xf32>,
          %add3A_366 = arith.constant 0 : i32
          %add3A_367 = vector.broadcast %add3A_366 : i32 to vector<16xi32>
          %add3A_368 = arith.addi %add3A_367, %iota3A : vector<16xi32>
          tpu.vector_store_idx %arg6[%gather3A, %add3A_368], %get3A_365 {add = true} : memref<320x144xf32, #tpu.memory_space<vmem>>[vector<16xi32>, vector<16xi32>], vector<16xf32>,
          %get3A_369 = arith.index_cast %add3A_360 : i32 to index
          %get3A_370 = arith.constant 16 : index
          %get3A_371 = tpu.vector_load %arg15[%get3A_369, %get3A_370] {strides = array<i32>} : memref<80x128xf32, #tpu.memory_space<vmem>>, vector<16xf32>,
          %add3A_372 = arith.constant 16 : i32
          %add3A_373 = vector.broadcast %add3A_372 : i32 to vector<16xi32>
          %add3A_374 = arith.addi %add3A_373, %iota3A : vector<16xi32>
          tpu.vector_store_idx %arg6[%gather3A, %add3A_374], %get3A_371 {add = true} : memref<320x144xf32, #tpu.memory_space<vmem>>[vector<16xi32>, vector<16xi32>], vector<16xf32>,
          %get3A_375 = arith.index_cast %add3A_360 : i32 to index
          %get3A_376 = arith.constant 32 : index
          %get3A_377 = tpu.vector_load %arg15[%get3A_375, %get3A_376] {strides = array<i32>} : memref<80x128xf32, #tpu.memory_space<vmem>>, vector<16xf32>,
          %add3A_378 = arith.constant 32 : i32
          %add3A_379 = vector.broadcast %add3A_378 : i32 to vector<16xi32>
          %add3A_380 = arith.addi %add3A_379, %iota3A : vector<16xi32>
          tpu.vector_store_idx %arg6[%gather3A, %add3A_380], %get3A_377 {add = true} : memref<320x144xf32, #tpu.memory_space<vmem>>[vector<16xi32>, vector<16xi32>], vector<16xf32>,
          %get3A_381 = arith.index_cast %add3A_360 : i32 to index
          %get3A_382 = arith.constant 48 : index
          %get3A_383 = tpu.vector_load %arg15[%get3A_381, %get3A_382] {strides = array<i32>} : memref<80x128xf32, #tpu.memory_space<vmem>>, vector<16xf32>,
          %add3A_384 = arith.constant 48 : i32
          %add3A_385 = vector.broadcast %add3A_384 : i32 to vector<16xi32>
          %add3A_386 = arith.addi %add3A_385, %iota3A : vector<16xi32>
          tpu.vector_store_idx %arg6[%gather3A, %add3A_386], %get3A_383 {add = true} : memref<320x144xf32, #tpu.memory_space<vmem>>[vector<16xi32>, vector<16xi32>], vector<16xf32>,
          %get3A_387 = arith.index_cast %add3A_360 : i32 to index
          %get3A_388 = arith.constant 64 : index
          %get3A_389 = tpu.vector_load %arg15[%get3A_387, %get3A_388] {strides = array<i32>} : memref<80x128xf32, #tpu.memory_space<vmem>>, vector<16xf32>,
          %add3A_390 = arith.constant 64 : i32
          %add3A_391 = vector.broadcast %add3A_390 : i32 to vector<16xi32>
          %add3A_392 = arith.addi %add3A_391, %iota3A : vector<16xi32>
          tpu.vector_store_idx %arg6[%gather3A, %add3A_392], %get3A_389 {add = true} : memref<320x144xf32, #tpu.memory_space<vmem>>[vector<16xi32>, vector<16xi32>], vector<16xf32>,
          %get3A_393 = arith.index_cast %add3A_360 : i32 to index
          %get3A_394 = arith.constant 80 : index
          %get3A_395 = tpu.vector_load %arg15[%get3A_393, %get3A_394] {strides = array<i32>} : memref<80x128xf32, #tpu.memory_space<vmem>>, vector<16xf32>,
          %add3A_396 = arith.constant 80 : i32
          %add3A_397 = vector.broadcast %add3A_396 : i32 to vector<16xi32>
          %add3A_398 = arith.addi %add3A_397, %iota3A : vector<16xi32>
          tpu.vector_store_idx %arg6[%gather3A, %add3A_398], %get3A_395 {add = true} : memref<320x144xf32, #tpu.memory_space<vmem>>[vector<16xi32>, vector<16xi32>], vector<16xf32>,
          %get3A_399 = arith.index_cast %add3A_360 : i32 to index
          %get3A_400 = arith.constant 96 : index
          %get3A_401 = tpu.vector_load %arg15[%get3A_399, %get3A_400] {strides = array<i32>} : memref<80x128xf32, #tpu.memory_space<vmem>>, vector<16xf32>,
          %add3A_402 = arith.constant 96 : i32
          %add3A_403 = vector.broadcast %add3A_402 : i32 to vector<16xi32>
          %add3A_404 = arith.addi %add3A_403, %iota3A : vector<16xi32>
          tpu.vector_store_idx %arg6[%gather3A, %add3A_404], %get3A_401 {add = true} : memref<320x144xf32, #tpu.memory_space<vmem>>[vector<16xi32>, vector<16xi32>], vector<16xf32>,
          %get3A_405 = arith.index_cast %add3A_360 : i32 to index
          %get3A_406 = arith.constant 112 : index
          %get3A_407 = tpu.vector_load %arg15[%get3A_405, %get3A_406] {strides = array<i32>} : memref<80x128xf32, #tpu.memory_space<vmem>>, vector<16xf32>,
          %add3A_408 = arith.constant 112 : i32
          %add3A_409 = vector.broadcast %add3A_408 : i32 to vector<16xi32>
          %add3A_410 = arith.addi %add3A_409, %iota3A : vector<16xi32>
          tpu.vector_store_idx %arg6[%gather3A, %add3A_410], %get3A_407 {add = true} : memref<320x144xf32, #tpu.memory_space<vmem>>[vector<16xi32>, vector<16xi32>], vector<16xf32>,
          %add3A_411 = arith.constant 128 : i32
          %add3A_412 = vector.broadcast %add3A_411 : i32 to vector<16xi32>
          %add3A_413 = arith.addi %add3A_412, %iota3A : vector<16xi32>
          tpu.vector_store_idx %arg6[%gather3A, %add3A_413], %broadcast_in_dim3A_5 {add = true} : memref<320x144xf32, #tpu.memory_space<vmem>>[vector<16xi32>, vector<16xi32>], vector<16xf32>,
        }
        %while3A_357 = arith.constant 1 : i32
        scf.for %while3A_358 = %while3A_355 to %while3A_351 step %while3A_357  : i32 {
          %mul3A_359 = arith.muli %while3A_358, %while3A_347 : i32
          %add3A_360 = arith.addi %while3A_348, %mul3A_359 : i32
          %add3A_361 = arith.addi %mul3A_327, %add3A_360 : i32
          %broadcast_in_dim3A_362 = vector.broadcast %add3A_361 : i32 to vector<16xi32>
          %gather3A = tpu.vector_load_idx %arg12[%broadcast_in_dim3A_362] : memref<2080xi32, #tpu.memory_space<vmem>>[vector<16xi32>], vector<16xi32>,
          %get3A_363 = arith.index_cast %add3A_360 : i32 to index
          %get3A_364 = arith.constant 0 : index
          %get3A_365 = tpu.vector_load %arg15[%get3A_363, %get3A_364] {strides = array<i32>} : memref<80x128xf32, #tpu.memory_space<vmem>>, vector<16xf32>,
          %add3A_366 = arith.constant 0 : i32
          %add3A_367 = vector.broadcast %add3A_366 : i32 to vector<16xi32>
          %add3A_368 = arith.addi %add3A_367, %iota3A : vector<16xi32>
          tpu.vector_store_idx %arg6[%gather3A, %add3A_368], %get3A_365 {add = true} : memref<320x144xf32, #tpu.memory_space<vmem>>[vector<16xi32>, vector<16xi32>], vector<16xf32>,
          %get3A_369 = arith.index_cast %add3A_360 : i32 to index
          %get3A_370 = arith.constant 16 : index
          %get3A_371 = tpu.vector_load %arg15[%get3A_369, %get3A_370] {strides = array<i32>} : memref<80x128xf32, #tpu.memory_space<vmem>>, vector<16xf32>,
          %add3A_372 = arith.constant 16 : i32
          %add3A_373 = vector.broadcast %add3A_372 : i32 to vector<16xi32>
          %add3A_374 = arith.addi %add3A_373, %iota3A : vector<16xi32>
          tpu.vector_store_idx %arg6[%gather3A, %add3A_374], %get3A_371 {add = true} : memref<320x144xf32, #tpu.memory_space<vmem>>[vector<16xi32>, vector<16xi32>], vector<16xf32>,
          %get3A_375 = arith.index_cast %add3A_360 : i32 to index
          %get3A_376 = arith.constant 32 : index
          %get3A_377 = tpu.vector_load %arg15[%get3A_375, %get3A_376] {strides = array<i32>} : memref<80x128xf32, #tpu.memory_space<vmem>>, vector<16xf32>,
          %add3A_378 = arith.constant 32 : i32
          %add3A_379 = vector.broadcast %add3A_378 : i32 to vector<16xi32>
          %add3A_380 = arith.addi %add3A_379, %iota3A : vector<16xi32>
          tpu.vector_store_idx %arg6[%gather3A, %add3A_380], %get3A_377 {add = true} : memref<320x144xf32, #tpu.memory_space<vmem>>[vector<16xi32>, vector<16xi32>], vector<16xf32>,
          %get3A_381 = arith.index_cast %add3A_360 : i32 to index
          %get3A_382 = arith.constant 48 : index
          %get3A_383 = tpu.vector_load %arg15[%get3A_381, %get3A_382] {strides = array<i32>} : memref<80x128xf32, #tpu.memory_space<vmem>>, vector<16xf32>,
          %add3A_384 = arith.constant 48 : i32
          %add3A_385 = vector.broadcast %add3A_384 : i32 to vector<16xi32>
          %add3A_386 = arith.addi %add3A_385, %iota3A : vector<16xi32>
          tpu.vector_store_idx %arg6[%gather3A, %add3A_386], %get3A_383 {add = true} : memref<320x144xf32, #tpu.memory_space<vmem>>[vector<16xi32>, vector<16xi32>], vector<16xf32>,
          %get3A_387 = arith.index_cast %add3A_360 : i32 to index
          %get3A_388 = arith.constant 64 : index
          %get3A_389 = tpu.vector_load %arg15[%get3A_387, %get3A_388] {strides = array<i32>} : memref<80x128xf32, #tpu.memory_space<vmem>>, vector<16xf32>,
          %add3A_390 = arith.constant 64 : i32
          %add3A_391 = vector.broadcast %add3A_390 : i32 to vector<16xi32>
          %add3A_392 = arith.addi %add3A_391, %iota3A : vector<16xi32>
          tpu.vector_store_idx %arg6[%gather3A, %add3A_392], %get3A_389 {add = true} : memref<320x144xf32, #tpu.memory_space<vmem>>[vector<16xi32>, vector<16xi32>], vector<16xf32>,
          %get3A_393 = arith.index_cast %add3A_360 : i32 to index
          %get3A_394 = arith.constant 80 : index
          %get3A_395 = tpu.vector_load %arg15[%get3A_393, %get3A_394] {strides = array<i32>} : memref<80x128xf32, #tpu.memory_space<vmem>>, vector<16xf32>,
          %add3A_396 = arith.constant 80 : i32
          %add3A_397 = vector.broadcast %add3A_396 : i32 to vector<16xi32>
          %add3A_398 = arith.addi %add3A_397, %iota3A : vector<16xi32>
          tpu.vector_store_idx %arg6[%gather3A, %add3A_398], %get3A_395 {add = true} : memref<320x144xf32, #tpu.memory_space<vmem>>[vector<16xi32>, vector<16xi32>], vector<16xf32>,
          %get3A_399 = arith.index_cast %add3A_360 : i32 to index
          %get3A_400 = arith.constant 96 : index
          %get3A_401 = tpu.vector_load %arg15[%get3A_399, %get3A_400] {strides = array<i32>} : memref<80x128xf32, #tpu.memory_space<vmem>>, vector<16xf32>,
          %add3A_402 = arith.constant 96 : i32
          %add3A_403 = vector.broadcast %add3A_402 : i32 to vector<16xi32>
          %add3A_404 = arith.addi %add3A_403, %iota3A : vector<16xi32>
          tpu.vector_store_idx %arg6[%gather3A, %add3A_404], %get3A_401 {add = true} : memref<320x144xf32, #tpu.memory_space<vmem>>[vector<16xi32>, vector<16xi32>], vector<16xf32>,
          %get3A_405 = arith.index_cast %add3A_360 : i32 to index
          %get3A_406 = arith.constant 112 : index
          %get3A_407 = tpu.vector_load %arg15[%get3A_405, %get3A_406] {strides = array<i32>} : memref<80x128xf32, #tpu.memory_space<vmem>>, vector<16xf32>,
          %add3A_408 = arith.constant 112 : i32
          %add3A_409 = vector.broadcast %add3A_408 : i32 to vector<16xi32>
          %add3A_410 = arith.addi %add3A_409, %iota3A : vector<16xi32>
          tpu.vector_store_idx %arg6[%gather3A, %add3A_410], %get3A_407 {add = true} : memref<320x144xf32, #tpu.memory_space<vmem>>[vector<16xi32>, vector<16xi32>], vector<16xf32>,
          %add3A_411 = arith.constant 128 : i32
          %add3A_412 = vector.broadcast %add3A_411 : i32 to vector<16xi32>
          %add3A_413 = arith.addi %add3A_412, %iota3A : vector<16xi32>
          tpu.vector_store_idx %arg6[%gather3A, %add3A_413], %broadcast_in_dim3A_5 {add = true} : memref<320x144xf32, #tpu.memory_space<vmem>>[vector<16xi32>, vector<16xi32>], vector<16xf32>,
        }
      }
      %while3A_249 = arith.constant 1 : i32
      scf.for %while3A_323 = %while3A_247 to %while3A_243 step %while3A_249  : i32 {
        %mul3A_324 = arith.muli %while3A_323, %while3A_239 : i32
        %add3A_325 = arith.addi %while3A_240, %mul3A_324 : i32
        %mul3A_326 = arith.constant 80 : i32
        %mul3A_327 = arith.muli %add3A_325, %mul3A_326 : i32
        %dma_start3A_328 = tpu.memref_slice %arg11[%mul3A_327] : memref<2080xi32, #tpu.memory_space<vmem>> -> memref<80xi32, #tpu.memory_space<vmem>>
        %dma_start3A_329 = arith.constant 0 : i32
        %dma_start3A_330 = arith.constant 0 : i32
        %dma_start3A_331 = tpu.memref_slice %arg2[%dma_start3A_329, %dma_start3A_330] : memref<10000x128xf32, #tpu.memory_space<hbm>> -> memref<10000x128xf32, #tpu.memory_space<hbm>>
        tpu.enqueue_indirect_dma source(%dma_start3A_331 : memref<10000x128xf32, #tpu.memory_space<hbm>>) target(%arg15 : memref<80x128xf32, #tpu.memory_space<vmem>>) offsets(%dma_start3A_328 : memref<80xi32, #tpu.memory_space<vmem>>) semaphore(%arg21 : memref<!tpu.dma_semaphore, #tpu.memory_space<semaphore_mem>>)
        %dma_wait3A_332 = tpu.memref_slice %arg11[%mul3A_327] : memref<2080xi32, #tpu.memory_space<vmem>> -> memref<80xi32, #tpu.memory_space<vmem>>
        %dma_wait3A_333 = arith.constant 0 : i32
        %dma_wait3A_334 = arith.constant 0 : i32
        %dma_wait3A_335 = tpu.memref_slice %arg2[%dma_wait3A_333, %dma_wait3A_334] : memref<10000x128xf32, #tpu.memory_space<hbm>> -> memref<10000x128xf32, #tpu.memory_space<hbm>>
        tpu.wait_indirect_dma semaphore(%arg21 : memref<!tpu.dma_semaphore, #tpu.memory_space<semaphore_mem>>) src(%dma_wait3A_335 : memref<10000x128xf32, #tpu.memory_space<hbm>>) dst(%arg15 : memref<80x128xf32, #tpu.memory_space<vmem>>)
        %sub3A_336 = arith.subi %reduce_max3A_106, %mul3A_327 : i32
        %min3A_337 = arith.constant 80 : i32
        %min3A_338 = arith.minsi %sub3A_336, %min3A_337 : i32
        %sub3A_339 = arith.constant 0 : i32
        %sub3A_340 = arith.subi %min3A_338, %sub3A_339 : i32
        %sub3A_341 = arith.constant 1 : i32
        %sub3A_342 = arith.constant 1 : i32
        %sub3A_343 = arith.subi %sub3A_341, %sub3A_342 : i32
        %add3A_344 = arith.addi %sub3A_340, %sub3A_343 : i32
        %div3A_345 = arith.constant 1 : i32
        %div3A_346 = arith.divsi %add3A_344, %div3A_345 : i32
        %while3A_347 = arith.constant 1 : i32
        %while3A_348 = arith.constant 0 : i32
        %while3A_349 = arith.constant 0 : i32
        %while3A_350 = arith.subi %div3A_346, %while3A_349 : i32
        %while3A_351 = arith.addi %while3A_349, %while3A_350 : i32
        %while3A_352 = arith.constant 1 : i32
        %while3A_353 = arith.divsi %while3A_350, %while3A_352 : i32
        %while3A_354 = arith.muli %while3A_353, %while3A_352 : i32
        %while3A_355 = arith.addi %while3A_349, %while3A_354 : i32
        %while3A_356 = arith.constant 1 : i32
        scf.for %while3A_358 = %while3A_349 to %while3A_355 step %while3A_356  : i32 {
          %mul3A_359 = arith.muli %while3A_358, %while3A_347 : i32
          %add3A_360 = arith.addi %while3A_348, %mul3A_359 : i32
          %add3A_361 = arith.addi %mul3A_327, %add3A_360 : i32
          %broadcast_in_dim3A_362 = vector.broadcast %add3A_361 : i32 to vector<16xi32>
          %gather3A = tpu.vector_load_idx %arg12[%broadcast_in_dim3A_362] : memref<2080xi32, #tpu.memory_space<vmem>>[vector<16xi32>], vector<16xi32>,
          %get3A_363 = arith.index_cast %add3A_360 : i32 to index
          %get3A_364 = arith.constant 0 : index
          %get3A_365 = tpu.vector_load %arg15[%get3A_363, %get3A_364] {strides = array<i32>} : memref<80x128xf32, #tpu.memory_space<vmem>>, vector<16xf32>,
          %add3A_366 = arith.constant 0 : i32
          %add3A_367 = vector.broadcast %add3A_366 : i32 to vector<16xi32>
          %add3A_368 = arith.addi %add3A_367, %iota3A : vector<16xi32>
          tpu.vector_store_idx %arg6[%gather3A, %add3A_368], %get3A_365 {add = true} : memref<320x144xf32, #tpu.memory_space<vmem>>[vector<16xi32>, vector<16xi32>], vector<16xf32>,
          %get3A_369 = arith.index_cast %add3A_360 : i32 to index
          %get3A_370 = arith.constant 16 : index
          %get3A_371 = tpu.vector_load %arg15[%get3A_369, %get3A_370] {strides = array<i32>} : memref<80x128xf32, #tpu.memory_space<vmem>>, vector<16xf32>,
          %add3A_372 = arith.constant 16 : i32
          %add3A_373 = vector.broadcast %add3A_372 : i32 to vector<16xi32>
          %add3A_374 = arith.addi %add3A_373, %iota3A : vector<16xi32>
          tpu.vector_store_idx %arg6[%gather3A, %add3A_374], %get3A_371 {add = true} : memref<320x144xf32, #tpu.memory_space<vmem>>[vector<16xi32>, vector<16xi32>], vector<16xf32>,
          %get3A_375 = arith.index_cast %add3A_360 : i32 to index
          %get3A_376 = arith.constant 32 : index
          %get3A_377 = tpu.vector_load %arg15[%get3A_375, %get3A_376] {strides = array<i32>} : memref<80x128xf32, #tpu.memory_space<vmem>>, vector<16xf32>,
          %add3A_378 = arith.constant 32 : i32
          %add3A_379 = vector.broadcast %add3A_378 : i32 to vector<16xi32>
          %add3A_380 = arith.addi %add3A_379, %iota3A : vector<16xi32>
          tpu.vector_store_idx %arg6[%gather3A, %add3A_380], %get3A_377 {add = true} : memref<320x144xf32, #tpu.memory_space<vmem>>[vector<16xi32>, vector<16xi32>], vector<16xf32>,
          %get3A_381 = arith.index_cast %add3A_360 : i32 to index
          %get3A_382 = arith.constant 48 : index
          %get3A_383 = tpu.vector_load %arg15[%get3A_381, %get3A_382] {strides = array<i32>} : memref<80x128xf32, #tpu.memory_space<vmem>>, vector<16xf32>,
          %add3A_384 = arith.constant 48 : i32
          %add3A_385 = vector.broadcast %add3A_384 : i32 to vector<16xi32>
          %add3A_386 = arith.addi %add3A_385, %iota3A : vector<16xi32>
          tpu.vector_store_idx %arg6[%gather3A, %add3A_386], %get3A_383 {add = true} : memref<320x144xf32, #tpu.memory_space<vmem>>[vector<16xi32>, vector<16xi32>], vector<16xf32>,
          %get3A_387 = arith.index_cast %add3A_360 : i32 to index
          %get3A_388 = arith.constant 64 : index
          %get3A_389 = tpu.vector_load %arg15[%get3A_387, %get3A_388] {strides = array<i32>} : memref<80x128xf32, #tpu.memory_space<vmem>>, vector<16xf32>,
          %add3A_390 = arith.constant 64 : i32
          %add3A_391 = vector.broadcast %add3A_390 : i32 to vector<16xi32>
          %add3A_392 = arith.addi %add3A_391, %iota3A : vector<16xi32>
          tpu.vector_store_idx %arg6[%gather3A, %add3A_392], %get3A_389 {add = true} : memref<320x144xf32, #tpu.memory_space<vmem>>[vector<16xi32>, vector<16xi32>], vector<16xf32>,
          %get3A_393 = arith.index_cast %add3A_360 : i32 to index
          %get3A_394 = arith.constant 80 : index
          %get3A_395 = tpu.vector_load %arg15[%get3A_393, %get3A_394] {strides = array<i32>} : memref<80x128xf32, #tpu.memory_space<vmem>>, vector<16xf32>,
          %add3A_396 = arith.constant 80 : i32
          %add3A_397 = vector.broadcast %add3A_396 : i32 to vector<16xi32>
          %add3A_398 = arith.addi %add3A_397, %iota3A : vector<16xi32>
          tpu.vector_store_idx %arg6[%gather3A, %add3A_398], %get3A_395 {add = true} : memref<320x144xf32, #tpu.memory_space<vmem>>[vector<16xi32>, vector<16xi32>], vector<16xf32>,
          %get3A_399 = arith.index_cast %add3A_360 : i32 to index
          %get3A_400 = arith.constant 96 : index
          %get3A_401 = tpu.vector_load %arg15[%get3A_399, %get3A_400] {strides = array<i32>} : memref<80x128xf32, #tpu.memory_space<vmem>>, vector<16xf32>,
          %add3A_402 = arith.constant 96 : i32
          %add3A_403 = vector.broadcast %add3A_402 : i32 to vector<16xi32>
          %add3A_404 = arith.addi %add3A_403, %iota3A : vector<16xi32>
          tpu.vector_store_idx %arg6[%gather3A, %add3A_404], %get3A_401 {add = true} : memref<320x144xf32, #tpu.memory_space<vmem>>[vector<16xi32>, vector<16xi32>], vector<16xf32>,
          %get3A_405 = arith.index_cast %add3A_360 : i32 to index
          %get3A_406 = arith.constant 112 : index
          %get3A_407 = tpu.vector_load %arg15[%get3A_405, %get3A_406] {strides = array<i32>} : memref<80x128xf32, #tpu.memory_space<vmem>>, vector<16xf32>,
          %add3A_408 = arith.constant 112 : i32
          %add3A_409 = vector.broadcast %add3A_408 : i32 to vector<16xi32>
          %add3A_410 = arith.addi %add3A_409, %iota3A : vector<16xi32>
          tpu.vector_store_idx %arg6[%gather3A, %add3A_410], %get3A_407 {add = true} : memref<320x144xf32, #tpu.memory_space<vmem>>[vector<16xi32>, vector<16xi32>], vector<16xf32>,
          %add3A_411 = arith.constant 128 : i32
          %add3A_412 = vector.broadcast %add3A_411 : i32 to vector<16xi32>
          %add3A_413 = arith.addi %add3A_412, %iota3A : vector<16xi32>
          tpu.vector_store_idx %arg6[%gather3A, %add3A_413], %broadcast_in_dim3A_5 {add = true} : memref<320x144xf32, #tpu.memory_space<vmem>>[vector<16xi32>, vector<16xi32>], vector<16xf32>,
        }
        %while3A_357 = arith.constant 1 : i32
        scf.for %while3A_358 = %while3A_355 to %while3A_351 step %while3A_357  : i32 {
          %mul3A_359 = arith.muli %while3A_358, %while3A_347 : i32
          %add3A_360 = arith.addi %while3A_348, %mul3A_359 : i32
          %add3A_361 = arith.addi %mul3A_327, %add3A_360 : i32
          %broadcast_in_dim3A_362 = vector.broadcast %add3A_361 : i32 to vector<16xi32>
          %gather3A = tpu.vector_load_idx %arg12[%broadcast_in_dim3A_362] : memref<2080xi32, #tpu.memory_space<vmem>>[vector<16xi32>], vector<16xi32>,
          %get3A_363 = arith.index_cast %add3A_360 : i32 to index
          %get3A_364 = arith.constant 0 : index
          %get3A_365 = tpu.vector_load %arg15[%get3A_363, %get3A_364] {strides = array<i32>} : memref<80x128xf32, #tpu.memory_space<vmem>>, vector<16xf32>,
          %add3A_366 = arith.constant 0 : i32
          %add3A_367 = vector.broadcast %add3A_366 : i32 to vector<16xi32>
          %add3A_368 = arith.addi %add3A_367, %iota3A : vector<16xi32>
          tpu.vector_store_idx %arg6[%gather3A, %add3A_368], %get3A_365 {add = true} : memref<320x144xf32, #tpu.memory_space<vmem>>[vector<16xi32>, vector<16xi32>], vector<16xf32>,
          %get3A_369 = arith.index_cast %add3A_360 : i32 to index
          %get3A_370 = arith.constant 16 : index
          %get3A_371 = tpu.vector_load %arg15[%get3A_369, %get3A_370] {strides = array<i32>} : memref<80x128xf32, #tpu.memory_space<vmem>>, vector<16xf32>,
          %add3A_372 = arith.constant 16 : i32
          %add3A_373 = vector.broadcast %add3A_372 : i32 to vector<16xi32>
          %add3A_374 = arith.addi %add3A_373, %iota3A : vector<16xi32>
          tpu.vector_store_idx %arg6[%gather3A, %add3A_374], %get3A_371 {add = true} : memref<320x144xf32, #tpu.memory_space<vmem>>[vector<16xi32>, vector<16xi32>], vector<16xf32>,
          %get3A_375 = arith.index_cast %add3A_360 : i32 to index
          %get3A_376 = arith.constant 32 : index
          %get3A_377 = tpu.vector_load %arg15[%get3A_375, %get3A_376] {strides = array<i32>} : memref<80x128xf32, #tpu.memory_space<vmem>>, vector<16xf32>,
          %add3A_378 = arith.constant 32 : i32
          %add3A_379 = vector.broadcast %add3A_378 : i32 to vector<16xi32>
          %add3A_380 = arith.addi %add3A_379, %iota3A : vector<16xi32>
          tpu.vector_store_idx %arg6[%gather3A, %add3A_380], %get3A_377 {add = true} : memref<320x144xf32, #tpu.memory_space<vmem>>[vector<16xi32>, vector<16xi32>], vector<16xf32>,
          %get3A_381 = arith.index_cast %add3A_360 : i32 to index
          %get3A_382 = arith.constant 48 : index
          %get3A_383 = tpu.vector_load %arg15[%get3A_381, %get3A_382] {strides = array<i32>} : memref<80x128xf32, #tpu.memory_space<vmem>>, vector<16xf32>,
          %add3A_384 = arith.constant 48 : i32
          %add3A_385 = vector.broadcast %add3A_384 : i32 to vector<16xi32>
          %add3A_386 = arith.addi %add3A_385, %iota3A : vector<16xi32>
          tpu.vector_store_idx %arg6[%gather3A, %add3A_386], %get3A_383 {add = true} : memref<320x144xf32, #tpu.memory_space<vmem>>[vector<16xi32>, vector<16xi32>], vector<16xf32>,
          %get3A_387 = arith.index_cast %add3A_360 : i32 to index
          %get3A_388 = arith.constant 64 : index
          %get3A_389 = tpu.vector_load %arg15[%get3A_387, %get3A_388] {strides = array<i32>} : memref<80x128xf32, #tpu.memory_space<vmem>>, vector<16xf32>,
          %add3A_390 = arith.constant 64 : i32
          %add3A_391 = vector.broadcast %add3A_390 : i32 to vector<16xi32>
          %add3A_392 = arith.addi %add3A_391, %iota3A : vector<16xi32>
          tpu.vector_store_idx %arg6[%gather3A, %add3A_392], %get3A_389 {add = true} : memref<320x144xf32, #tpu.memory_space<vmem>>[vector<16xi32>, vector<16xi32>], vector<16xf32>,
          %get3A_393 = arith.index_cast %add3A_360 : i32 to index
          %get3A_394 = arith.constant 80 : index
          %get3A_395 = tpu.vector_load %arg15[%get3A_393, %get3A_394] {strides = array<i32>} : memref<80x128xf32, #tpu.memory_space<vmem>>, vector<16xf32>,
          %add3A_396 = arith.constant 80 : i32
          %add3A_397 = vector.broadcast %add3A_396 : i32 to vector<16xi32>
          %add3A_398 = arith.addi %add3A_397, %iota3A : vector<16xi32>
          tpu.vector_store_idx %arg6[%gather3A, %add3A_398], %get3A_395 {add = true} : memref<320x144xf32, #tpu.memory_space<vmem>>[vector<16xi32>, vector<16xi32>], vector<16xf32>,
          %get3A_399 = arith.index_cast %add3A_360 : i32 to index
          %get3A_400 = arith.constant 96 : index
          %get3A_401 = tpu.vector_load %arg15[%get3A_399, %get3A_400] {strides = array<i32>} : memref<80x128xf32, #tpu.memory_space<vmem>>, vector<16xf32>,
          %add3A_402 = arith.constant 96 : i32
          %add3A_403 = vector.broadcast %add3A_402 : i32 to vector<16xi32>
          %add3A_404 = arith.addi %add3A_403, %iota3A : vector<16xi32>
          tpu.vector_store_idx %arg6[%gather3A, %add3A_404], %get3A_401 {add = true} : memref<320x144xf32, #tpu.memory_space<vmem>>[vector<16xi32>, vector<16xi32>], vector<16xf32>,
          %get3A_405 = arith.index_cast %add3A_360 : i32 to index
          %get3A_406 = arith.constant 112 : index
          %get3A_407 = tpu.vector_load %arg15[%get3A_405, %get3A_406] {strides = array<i32>} : memref<80x128xf32, #tpu.memory_space<vmem>>, vector<16xf32>,
          %add3A_408 = arith.constant 112 : i32
          %add3A_409 = vector.broadcast %add3A_408 : i32 to vector<16xi32>
          %add3A_410 = arith.addi %add3A_409, %iota3A : vector<16xi32>
          tpu.vector_store_idx %arg6[%gather3A, %add3A_410], %get3A_407 {add = true} : memref<320x144xf32, #tpu.memory_space<vmem>>[vector<16xi32>, vector<16xi32>], vector<16xf32>,
          %add3A_411 = arith.constant 128 : i32
          %add3A_412 = vector.broadcast %add3A_411 : i32 to vector<16xi32>
          %add3A_413 = arith.addi %add3A_412, %iota3A : vector<16xi32>
          tpu.vector_store_idx %arg6[%gather3A, %add3A_413], %broadcast_in_dim3A_5 {add = true} : memref<320x144xf32, #tpu.memory_space<vmem>>[vector<16xi32>, vector<16xi32>], vector<16xf32>,
        }
      }
      %dma_wait3A_250 = arith.constant 0 : i32
      %dma_wait3A_251 = tpu.memref_slice %arg13[%dma_wait3A_250] : memref<2080xi32, #tpu.memory_space<vmem>> -> memref<80xi32, #tpu.memory_space<vmem>>
      %dma_wait3A_252 = arith.constant 0 : i32
      %dma_wait3A_253 = arith.constant 0 : i32
      %dma_wait3A_254 = tpu.memref_slice %arg2[%dma_wait3A_252, %dma_wait3A_253] : memref<10000x128xf32, #tpu.memory_space<hbm>> -> memref<10000x128xf32, #tpu.memory_space<hbm>>
      tpu.wait_indirect_dma semaphore(%arg22 : memref<!tpu.dma_semaphore, #tpu.memory_space<semaphore_mem>>) src(%dma_wait3A_254 : memref<10000x128xf32, #tpu.memory_space<hbm>>) dst(%arg16 : memref<80x128xf32, #tpu.memory_space<vmem>>)
      %sub3A_255 = arith.constant 0 : i32
      %sub3A_256 = arith.subi %reduce_max3A_176, %sub3A_255 : i32
      %min3A_257 = arith.constant 80 : i32
      %min3A_258 = arith.minsi %sub3A_256, %min3A_257 : i32
      %sub3A_259 = arith.constant 0 : i32
      %sub3A_260 = arith.subi %min3A_258, %sub3A_259 : i32
      %sub3A_261 = arith.constant 1 : i32
      %sub3A_262 = arith.constant 1 : i32
      %sub3A_263 = arith.subi %sub3A_261, %sub3A_262 : i32
      %add3A_264 = arith.addi %sub3A_260, %sub3A_263 : i32
      %div3A_265 = arith.constant 1 : i32
      %div3A_266 = arith.divsi %add3A_264, %div3A_265 : i32
      %while3A_267 = arith.constant 1 : i32
      %while3A_268 = arith.constant 0 : i32
      %while3A_269 = arith.constant 0 : i32
      %while3A_270 = arith.subi %div3A_266, %while3A_269 : i32
      %while3A_271 = arith.addi %while3A_269, %while3A_270 : i32
      %while3A_272 = arith.constant 1 : i32
      %while3A_273 = arith.divsi %while3A_270, %while3A_272 : i32
      %while3A_274 = arith.muli %while3A_273, %while3A_272 : i32
      %while3A_275 = arith.addi %while3A_269, %while3A_274 : i32
      %while3A_276 = arith.constant 1 : i32
      scf.for %while3A_323 = %while3A_269 to %while3A_275 step %while3A_276  : i32 {
        %mul3A_324 = arith.muli %while3A_323, %while3A_267 : i32
        %add3A_325 = arith.addi %while3A_268, %mul3A_324 : i32
        %add3A_326 = arith.constant 0 : i32
        %add3A_327 = arith.addi %add3A_326, %add3A_325 : i32
        %broadcast_in_dim3A_328 = vector.broadcast %add3A_327 : i32 to vector<16xi32>
        %gather3A = tpu.vector_load_idx %arg14[%broadcast_in_dim3A_328] : memref<2080xi32, #tpu.memory_space<vmem>>[vector<16xi32>], vector<16xi32>,
        %get3A_329 = arith.index_cast %add3A_325 : i32 to index
        %get3A_330 = arith.constant 0 : index
        %get3A_331 = tpu.vector_load %arg16[%get3A_329, %get3A_330] {strides = array<i32>} : memref<80x128xf32, #tpu.memory_space<vmem>>, vector<16xf32>,
        %add3A_332 = arith.constant 0 : i32
        %add3A_333 = vector.broadcast %add3A_332 : i32 to vector<16xi32>
        %add3A_334 = arith.addi %add3A_333, %iota3A : vector<16xi32>
        tpu.vector_store_idx %arg6[%gather3A, %add3A_334], %get3A_331 {add = true} : memref<320x144xf32, #tpu.memory_space<vmem>>[vector<16xi32>, vector<16xi32>], vector<16xf32>,
        %get3A_335 = arith.index_cast %add3A_325 : i32 to index
        %get3A_336 = arith.constant 16 : index
        %get3A_337 = tpu.vector_load %arg16[%get3A_335, %get3A_336] {strides = array<i32>} : memref<80x128xf32, #tpu.memory_space<vmem>>, vector<16xf32>,
        %add3A_338 = arith.constant 16 : i32
        %add3A_339 = vector.broadcast %add3A_338 : i32 to vector<16xi32>
        %add3A_340 = arith.addi %add3A_339, %iota3A : vector<16xi32>
        tpu.vector_store_idx %arg6[%gather3A, %add3A_340], %get3A_337 {add = true} : memref<320x144xf32, #tpu.memory_space<vmem>>[vector<16xi32>, vector<16xi32>], vector<16xf32>,
        %get3A_341 = arith.index_cast %add3A_325 : i32 to index
        %get3A_342 = arith.constant 32 : index
        %get3A_343 = tpu.vector_load %arg16[%get3A_341, %get3A_342] {strides = array<i32>} : memref<80x128xf32, #tpu.memory_space<vmem>>, vector<16xf32>,
        %add3A_344 = arith.constant 32 : i32
        %add3A_345 = vector.broadcast %add3A_344 : i32 to vector<16xi32>
        %add3A_346 = arith.addi %add3A_345, %iota3A : vector<16xi32>
        tpu.vector_store_idx %arg6[%gather3A, %add3A_346], %get3A_343 {add = true} : memref<320x144xf32, #tpu.memory_space<vmem>>[vector<16xi32>, vector<16xi32>], vector<16xf32>,
        %get3A_347 = arith.index_cast %add3A_325 : i32 to index
        %get3A_348 = arith.constant 48 : index
        %get3A_349 = tpu.vector_load %arg16[%get3A_347, %get3A_348] {strides = array<i32>} : memref<80x128xf32, #tpu.memory_space<vmem>>, vector<16xf32>,
        %add3A_350 = arith.constant 48 : i32
        %add3A_351 = vector.broadcast %add3A_350 : i32 to vector<16xi32>
        %add3A_352 = arith.addi %add3A_351, %iota3A : vector<16xi32>
        tpu.vector_store_idx %arg6[%gather3A, %add3A_352], %get3A_349 {add = true} : memref<320x144xf32, #tpu.memory_space<vmem>>[vector<16xi32>, vector<16xi32>], vector<16xf32>,
        %get3A_353 = arith.index_cast %add3A_325 : i32 to index
        %get3A_354 = arith.constant 64 : index
        %get3A_355 = tpu.vector_load %arg16[%get3A_353, %get3A_354] {strides = array<i32>} : memref<80x128xf32, #tpu.memory_space<vmem>>, vector<16xf32>,
        %add3A_356 = arith.constant 64 : i32
        %add3A_357 = vector.broadcast %add3A_356 : i32 to vector<16xi32>
        %add3A_358 = arith.addi %add3A_357, %iota3A : vector<16xi32>
        tpu.vector_store_idx %arg6[%gather3A, %add3A_358], %get3A_355 {add = true} : memref<320x144xf32, #tpu.memory_space<vmem>>[vector<16xi32>, vector<16xi32>], vector<16xf32>,
        %get3A_359 = arith.index_cast %add3A_325 : i32 to index
        %get3A_360 = arith.constant 80 : index
        %get3A_361 = tpu.vector_load %arg16[%get3A_359, %get3A_360] {strides = array<i32>} : memref<80x128xf32, #tpu.memory_space<vmem>>, vector<16xf32>,
        %add3A_362 = arith.constant 80 : i32
        %add3A_363 = vector.broadcast %add3A_362 : i32 to vector<16xi32>
        %add3A_364 = arith.addi %add3A_363, %iota3A : vector<16xi32>
        tpu.vector_store_idx %arg6[%gather3A, %add3A_364], %get3A_361 {add = true} : memref<320x144xf32, #tpu.memory_space<vmem>>[vector<16xi32>, vector<16xi32>], vector<16xf32>,
        %get3A_365 = arith.index_cast %add3A_325 : i32 to index
        %get3A_366 = arith.constant 96 : index
        %get3A_367 = tpu.vector_load %arg16[%get3A_365, %get3A_366] {strides = array<i32>} : memref<80x128xf32, #tpu.memory_space<vmem>>, vector<16xf32>,
        %add3A_368 = arith.constant 96 : i32
        %add3A_369 = vector.broadcast %add3A_368 : i32 to vector<16xi32>
        %add3A_370 = arith.addi %add3A_369, %iota3A : vector<16xi32>
        tpu.vector_store_idx %arg6[%gather3A, %add3A_370], %get3A_367 {add = true} : memref<320x144xf32, #tpu.memory_space<vmem>>[vector<16xi32>, vector<16xi32>], vector<16xf32>,
        %get3A_371 = arith.index_cast %add3A_325 : i32 to index
        %get3A_372 = arith.constant 112 : index
        %get3A_373 = tpu.vector_load %arg16[%get3A_371, %get3A_372] {strides = array<i32>} : memref<80x128xf32, #tpu.memory_space<vmem>>, vector<16xf32>,
        %add3A_374 = arith.constant 112 : i32
        %add3A_375 = vector.broadcast %add3A_374 : i32 to vector<16xi32>
        %add3A_376 = arith.addi %add3A_375, %iota3A : vector<16xi32>
        tpu.vector_store_idx %arg6[%gather3A, %add3A_376], %get3A_373 {add = true} : memref<320x144xf32, #tpu.memory_space<vmem>>[vector<16xi32>, vector<16xi32>], vector<16xf32>,
        %add3A_377 = arith.constant 128 : i32
        %add3A_378 = vector.broadcast %add3A_377 : i32 to vector<16xi32>
        %add3A_379 = arith.addi %add3A_378, %iota3A : vector<16xi32>
        tpu.vector_store_idx %arg6[%gather3A, %add3A_379], %broadcast_in_dim3A_5 {add = true} : memref<320x144xf32, #tpu.memory_space<vmem>>[vector<16xi32>, vector<16xi32>], vector<16xf32>,
      }
      %while3A_277 = arith.constant 1 : i32
      scf.for %while3A_323 = %while3A_275 to %while3A_271 step %while3A_277  : i32 {
        %mul3A_324 = arith.muli %while3A_323, %while3A_267 : i32
        %add3A_325 = arith.addi %while3A_268, %mul3A_324 : i32
        %add3A_326 = arith.constant 0 : i32
        %add3A_327 = arith.addi %add3A_326, %add3A_325 : i32
        %broadcast_in_dim3A_328 = vector.broadcast %add3A_327 : i32 to vector<16xi32>
        %gather3A = tpu.vector_load_idx %arg14[%broadcast_in_dim3A_328] : memref<2080xi32, #tpu.memory_space<vmem>>[vector<16xi32>], vector<16xi32>,
        %get3A_329 = arith.index_cast %add3A_325 : i32 to index
        %get3A_330 = arith.constant 0 : index
        %get3A_331 = tpu.vector_load %arg16[%get3A_329, %get3A_330] {strides = array<i32>} : memref<80x128xf32, #tpu.memory_space<vmem>>, vector<16xf32>,
        %add3A_332 = arith.constant 0 : i32
        %add3A_333 = vector.broadcast %add3A_332 : i32 to vector<16xi32>
        %add3A_334 = arith.addi %add3A_333, %iota3A : vector<16xi32>
        tpu.vector_store_idx %arg6[%gather3A, %add3A_334], %get3A_331 {add = true} : memref<320x144xf32, #tpu.memory_space<vmem>>[vector<16xi32>, vector<16xi32>], vector<16xf32>,
        %get3A_335 = arith.index_cast %add3A_325 : i32 to index
        %get3A_336 = arith.constant 16 : index
        %get3A_337 = tpu.vector_load %arg16[%get3A_335, %get3A_336] {strides = array<i32>} : memref<80x128xf32, #tpu.memory_space<vmem>>, vector<16xf32>,
        %add3A_338 = arith.constant 16 : i32
        %add3A_339 = vector.broadcast %add3A_338 : i32 to vector<16xi32>
        %add3A_340 = arith.addi %add3A_339, %iota3A : vector<16xi32>
        tpu.vector_store_idx %arg6[%gather3A, %add3A_340], %get3A_337 {add = true} : memref<320x144xf32, #tpu.memory_space<vmem>>[vector<16xi32>, vector<16xi32>], vector<16xf32>,
        %get3A_341 = arith.index_cast %add3A_325 : i32 to index
        %get3A_342 = arith.constant 32 : index
        %get3A_343 = tpu.vector_load %arg16[%get3A_341, %get3A_342] {strides = array<i32>} : memref<80x128xf32, #tpu.memory_space<vmem>>, vector<16xf32>,
        %add3A_344 = arith.constant 32 : i32
        %add3A_345 = vector.broadcast %add3A_344 : i32 to vector<16xi32>
        %add3A_346 = arith.addi %add3A_345, %iota3A : vector<16xi32>
        tpu.vector_store_idx %arg6[%gather3A, %add3A_346], %get3A_343 {add = true} : memref<320x144xf32, #tpu.memory_space<vmem>>[vector<16xi32>, vector<16xi32>], vector<16xf32>,
        %get3A_347 = arith.index_cast %add3A_325 : i32 to index
        %get3A_348 = arith.constant 48 : index
        %get3A_349 = tpu.vector_load %arg16[%get3A_347, %get3A_348] {strides = array<i32>} : memref<80x128xf32, #tpu.memory_space<vmem>>, vector<16xf32>,
        %add3A_350 = arith.constant 48 : i32
        %add3A_351 = vector.broadcast %add3A_350 : i32 to vector<16xi32>
        %add3A_352 = arith.addi %add3A_351, %iota3A : vector<16xi32>
        tpu.vector_store_idx %arg6[%gather3A, %add3A_352], %get3A_349 {add = true} : memref<320x144xf32, #tpu.memory_space<vmem>>[vector<16xi32>, vector<16xi32>], vector<16xf32>,
        %get3A_353 = arith.index_cast %add3A_325 : i32 to index
        %get3A_354 = arith.constant 64 : index
        %get3A_355 = tpu.vector_load %arg16[%get3A_353, %get3A_354] {strides = array<i32>} : memref<80x128xf32, #tpu.memory_space<vmem>>, vector<16xf32>,
        %add3A_356 = arith.constant 64 : i32
        %add3A_357 = vector.broadcast %add3A_356 : i32 to vector<16xi32>
        %add3A_358 = arith.addi %add3A_357, %iota3A : vector<16xi32>
        tpu.vector_store_idx %arg6[%gather3A, %add3A_358], %get3A_355 {add = true} : memref<320x144xf32, #tpu.memory_space<vmem>>[vector<16xi32>, vector<16xi32>], vector<16xf32>,
        %get3A_359 = arith.index_cast %add3A_325 : i32 to index
        %get3A_360 = arith.constant 80 : index
        %get3A_361 = tpu.vector_load %arg16[%get3A_359, %get3A_360] {strides = array<i32>} : memref<80x128xf32, #tpu.memory_space<vmem>>, vector<16xf32>,
        %add3A_362 = arith.constant 80 : i32
        %add3A_363 = vector.broadcast %add3A_362 : i32 to vector<16xi32>
        %add3A_364 = arith.addi %add3A_363, %iota3A : vector<16xi32>
        tpu.vector_store_idx %arg6[%gather3A, %add3A_364], %get3A_361 {add = true} : memref<320x144xf32, #tpu.memory_space<vmem>>[vector<16xi32>, vector<16xi32>], vector<16xf32>,
        %get3A_365 = arith.index_cast %add3A_325 : i32 to index
        %get3A_366 = arith.constant 96 : index
        %get3A_367 = tpu.vector_load %arg16[%get3A_365, %get3A_366] {strides = array<i32>} : memref<80x128xf32, #tpu.memory_space<vmem>>, vector<16xf32>,
        %add3A_368 = arith.constant 96 : i32
        %add3A_369 = vector.broadcast %add3A_368 : i32 to vector<16xi32>
        %add3A_370 = arith.addi %add3A_369, %iota3A : vector<16xi32>
        tpu.vector_store_idx %arg6[%gather3A, %add3A_370], %get3A_367 {add = true} : memref<320x144xf32, #tpu.memory_space<vmem>>[vector<16xi32>, vector<16xi32>], vector<16xf32>,
        %get3A_371 = arith.index_cast %add3A_325 : i32 to index
        %get3A_372 = arith.constant 112 : index
        %get3A_373 = tpu.vector_load %arg16[%get3A_371, %get3A_372] {strides = array<i32>} : memref<80x128xf32, #tpu.memory_space<vmem>>, vector<16xf32>,
        %add3A_374 = arith.constant 112 : i32
        %add3A_375 = vector.broadcast %add3A_374 : i32 to vector<16xi32>
        %add3A_376 = arith.addi %add3A_375, %iota3A : vector<16xi32>
        tpu.vector_store_idx %arg6[%gather3A, %add3A_376], %get3A_373 {add = true} : memref<320x144xf32, #tpu.memory_space<vmem>>[vector<16xi32>, vector<16xi32>], vector<16xf32>,
        %add3A_377 = arith.constant 128 : i32
        %add3A_378 = vector.broadcast %add3A_377 : i32 to vector<16xi32>
        %add3A_379 = arith.addi %add3A_378, %iota3A : vector<16xi32>
        tpu.vector_store_idx %arg6[%gather3A, %add3A_379], %broadcast_in_dim3A_5 {add = true} : memref<320x144xf32, #tpu.memory_space<vmem>>[vector<16xi32>, vector<16xi32>], vector<16xf32>,
      }
      %add3A_278 = arith.constant 79 : i32
      %add3A_279 = arith.addi %reduce_max3A_176, %add3A_278 : i32
      %jit3A_280 = arith.constant 80 : i32
      %div3A_281 = arith.divsi %add3A_279, %jit3A_280 : i32
      %sign3A_282 = arith.constant 0 : i32
      %sign3A_283 = arith.cmpi sgt, %add3A_279, %sign3A_282 : i32
      %sign3A_284 = arith.extui %sign3A_283 : i1 to i32
      %sign3A_285 = arith.constant 0 : i32
      %sign3A_286 = arith.cmpi slt, %add3A_279, %sign3A_285 : i32
      %sign3A_287 = arith.extui %sign3A_286 : i1 to i32
      %sign3A_288 = arith.subi %sign3A_284, %sign3A_287 : i32
      %sign3A_289 = arith.constant 0 : i32
      %sign3A_290 = arith.cmpi sgt, %jit3A_280, %sign3A_289 : i32
      %sign3A_291 = arith.extui %sign3A_290 : i1 to i32
      %sign3A_292 = arith.constant 0 : i32
      %sign3A_293 = arith.cmpi slt, %jit3A_280, %sign3A_292 : i32
      %sign3A_294 = arith.extui %sign3A_293 : i1 to i32
      %sign3A_295 = arith.subi %sign3A_291, %sign3A_294 : i32
      %ne3A_296 = arith.cmpi ne, %sign3A_288, %sign3A_295 : i32
      %rem3A_297 = arith.remsi %add3A_279, %jit3A_280 : i32
      %ne3A_298 = arith.constant 0 : i32
      %ne3A_299 = arith.cmpi ne, %rem3A_297, %ne3A_298 : i32
      %and3A_300 = arith.andi %ne3A_296, %ne3A_299 : i1
      %sub3A_301 = arith.constant 1 : i32
      %sub3A_302 = arith.subi %div3A_281, %sub3A_301 : i32
      %select_n3A_303 = arith.select %and3A_300, %sub3A_302, %div3A_281 : i32
      %sub3A_304 = arith.constant 1 : i32
      %sub3A_305 = arith.subi %select_n3A_303, %sub3A_304 : i32
      %sub3A_306 = arith.constant 1 : i32
      %sub3A_307 = arith.constant 1 : i32
      %sub3A_308 = arith.subi %sub3A_306, %sub3A_307 : i32
      %add3A_309 = arith.addi %sub3A_305, %sub3A_308 : i32
      %div3A_310 = arith.constant 1 : i32
      %div3A_311 = arith.divsi %add3A_309, %div3A_310 : i32
      %while3A_312 = arith.constant 1 : i32
      %while3A_313 = arith.constant 1 : i32
      %while3A_314 = arith.constant 0 : i32
      %while3A_315 = arith.subi %div3A_311, %while3A_314 : i32
      %while3A_316 = arith.addi %while3A_314, %while3A_315 : i32
      %while3A_317 = arith.constant 1 : i32
      %while3A_318 = arith.divsi %while3A_315, %while3A_317 : i32
      %while3A_319 = arith.muli %while3A_318, %while3A_317 : i32
      %while3A_320 = arith.addi %while3A_314, %while3A_319 : i32
      %while3A_321 = arith.constant 1 : i32
      scf.for %while3A_323 = %while3A_314 to %while3A_320 step %while3A_321  : i32 {
        %mul3A_324 = arith.muli %while3A_323, %while3A_312 : i32
        %add3A_325 = arith.addi %while3A_313, %mul3A_324 : i32
        %mul3A_326 = arith.constant 80 : i32
        %mul3A_327 = arith.muli %add3A_325, %mul3A_326 : i32
        %dma_start3A_328 = tpu.memref_slice %arg13[%mul3A_327] : memref<2080xi32, #tpu.memory_space<vmem>> -> memref<80xi32, #tpu.memory_space<vmem>>
        %dma_start3A_329 = arith.constant 0 : i32
        %dma_start3A_330 = arith.constant 0 : i32
        %dma_start3A_331 = tpu.memref_slice %arg2[%dma_start3A_329, %dma_start3A_330] : memref<10000x128xf32, #tpu.memory_space<hbm>> -> memref<10000x128xf32, #tpu.memory_space<hbm>>
        tpu.enqueue_indirect_dma source(%dma_start3A_331 : memref<10000x128xf32, #tpu.memory_space<hbm>>) target(%arg16 : memref<80x128xf32, #tpu.memory_space<vmem>>) offsets(%dma_start3A_328 : memref<80xi32, #tpu.memory_space<vmem>>) semaphore(%arg22 : memref<!tpu.dma_semaphore, #tpu.memory_space<semaphore_mem>>)
        %dma_wait3A_332 = tpu.memref_slice %arg13[%mul3A_327] : memref<2080xi32, #tpu.memory_space<vmem>> -> memref<80xi32, #tpu.memory_space<vmem>>
        %dma_wait3A_333 = arith.constant 0 : i32
        %dma_wait3A_334 = arith.constant 0 : i32
        %dma_wait3A_335 = tpu.memref_slice %arg2[%dma_wait3A_333, %dma_wait3A_334] : memref<10000x128xf32, #tpu.memory_space<hbm>> -> memref<10000x128xf32, #tpu.memory_space<hbm>>
        tpu.wait_indirect_dma semaphore(%arg22 : memref<!tpu.dma_semaphore, #tpu.memory_space<semaphore_mem>>) src(%dma_wait3A_335 : memref<10000x128xf32, #tpu.memory_space<hbm>>) dst(%arg16 : memref<80x128xf32, #tpu.memory_space<vmem>>)
        %sub3A_336 = arith.subi %reduce_max3A_176, %mul3A_327 : i32
        %min3A_337 = arith.constant 80 : i32
        %min3A_338 = arith.minsi %sub3A_336, %min3A_337 : i32
        %sub3A_339 = arith.constant 0 : i32
        %sub3A_340 = arith.subi %min3A_338, %sub3A_339 : i32
        %sub3A_341 = arith.constant 1 : i32
        %sub3A_342 = arith.constant 1 : i32
        %sub3A_343 = arith.subi %sub3A_341, %sub3A_342 : i32
        %add3A_344 = arith.addi %sub3A_340, %sub3A_343 : i32
        %div3A_345 = arith.constant 1 : i32
        %div3A_346 = arith.divsi %add3A_344, %div3A_345 : i32
        %while3A_347 = arith.constant 1 : i32
        %while3A_348 = arith.constant 0 : i32
        %while3A_349 = arith.constant 0 : i32
        %while3A_350 = arith.subi %div3A_346, %while3A_349 : i32
        %while3A_351 = arith.addi %while3A_349, %while3A_350 : i32
        %while3A_352 = arith.constant 1 : i32
        %while3A_353 = arith.divsi %while3A_350, %while3A_352 : i32
        %while3A_354 = arith.muli %while3A_353, %while3A_352 : i32
        %while3A_355 = arith.addi %while3A_349, %while3A_354 : i32
        %while3A_356 = arith.constant 1 : i32
        scf.for %while3A_358 = %while3A_349 to %while3A_355 step %while3A_356  : i32 {
          %mul3A_359 = arith.muli %while3A_358, %while3A_347 : i32
          %add3A_360 = arith.addi %while3A_348, %mul3A_359 : i32
          %add3A_361 = arith.addi %mul3A_327, %add3A_360 : i32
          %broadcast_in_dim3A_362 = vector.broadcast %add3A_361 : i32 to vector<16xi32>
          %gather3A = tpu.vector_load_idx %arg14[%broadcast_in_dim3A_362] : memref<2080xi32, #tpu.memory_space<vmem>>[vector<16xi32>], vector<16xi32>,
          %get3A_363 = arith.index_cast %add3A_360 : i32 to index
          %get3A_364 = arith.constant 0 : index
          %get3A_365 = tpu.vector_load %arg16[%get3A_363, %get3A_364] {strides = array<i32>} : memref<80x128xf32, #tpu.memory_space<vmem>>, vector<16xf32>,
          %add3A_366 = arith.constant 0 : i32
          %add3A_367 = vector.broadcast %add3A_366 : i32 to vector<16xi32>
          %add3A_368 = arith.addi %add3A_367, %iota3A : vector<16xi32>
          tpu.vector_store_idx %arg6[%gather3A, %add3A_368], %get3A_365 {add = true} : memref<320x144xf32, #tpu.memory_space<vmem>>[vector<16xi32>, vector<16xi32>], vector<16xf32>,
          %get3A_369 = arith.index_cast %add3A_360 : i32 to index
          %get3A_370 = arith.constant 16 : index
          %get3A_371 = tpu.vector_load %arg16[%get3A_369, %get3A_370] {strides = array<i32>} : memref<80x128xf32, #tpu.memory_space<vmem>>, vector<16xf32>,
          %add3A_372 = arith.constant 16 : i32
          %add3A_373 = vector.broadcast %add3A_372 : i32 to vector<16xi32>
          %add3A_374 = arith.addi %add3A_373, %iota3A : vector<16xi32>
          tpu.vector_store_idx %arg6[%gather3A, %add3A_374], %get3A_371 {add = true} : memref<320x144xf32, #tpu.memory_space<vmem>>[vector<16xi32>, vector<16xi32>], vector<16xf32>,
          %get3A_375 = arith.index_cast %add3A_360 : i32 to index
          %get3A_376 = arith.constant 32 : index
          %get3A_377 = tpu.vector_load %arg16[%get3A_375, %get3A_376] {strides = array<i32>} : memref<80x128xf32, #tpu.memory_space<vmem>>, vector<16xf32>,
          %add3A_378 = arith.constant 32 : i32
          %add3A_379 = vector.broadcast %add3A_378 : i32 to vector<16xi32>
          %add3A_380 = arith.addi %add3A_379, %iota3A : vector<16xi32>
          tpu.vector_store_idx %arg6[%gather3A, %add3A_380], %get3A_377 {add = true} : memref<320x144xf32, #tpu.memory_space<vmem>>[vector<16xi32>, vector<16xi32>], vector<16xf32>,
          %get3A_381 = arith.index_cast %add3A_360 : i32 to index
          %get3A_382 = arith.constant 48 : index
          %get3A_383 = tpu.vector_load %arg16[%get3A_381, %get3A_382] {strides = array<i32>} : memref<80x128xf32, #tpu.memory_space<vmem>>, vector<16xf32>,
          %add3A_384 = arith.constant 48 : i32
          %add3A_385 = vector.broadcast %add3A_384 : i32 to vector<16xi32>
          %add3A_386 = arith.addi %add3A_385, %iota3A : vector<16xi32>
          tpu.vector_store_idx %arg6[%gather3A, %add3A_386], %get3A_383 {add = true} : memref<320x144xf32, #tpu.memory_space<vmem>>[vector<16xi32>, vector<16xi32>], vector<16xf32>,
          %get3A_387 = arith.index_cast %add3A_360 : i32 to index
          %get3A_388 = arith.constant 64 : index
          %get3A_389 = tpu.vector_load %arg16[%get3A_387, %get3A_388] {strides = array<i32>} : memref<80x128xf32, #tpu.memory_space<vmem>>, vector<16xf32>,
          %add3A_390 = arith.constant 64 : i32
          %add3A_391 = vector.broadcast %add3A_390 : i32 to vector<16xi32>
          %add3A_392 = arith.addi %add3A_391, %iota3A : vector<16xi32>
          tpu.vector_store_idx %arg6[%gather3A, %add3A_392], %get3A_389 {add = true} : memref<320x144xf32, #tpu.memory_space<vmem>>[vector<16xi32>, vector<16xi32>], vector<16xf32>,
          %get3A_393 = arith.index_cast %add3A_360 : i32 to index
          %get3A_394 = arith.constant 80 : index
          %get3A_395 = tpu.vector_load %arg16[%get3A_393, %get3A_394] {strides = array<i32>} : memref<80x128xf32, #tpu.memory_space<vmem>>, vector<16xf32>,
          %add3A_396 = arith.constant 80 : i32
          %add3A_397 = vector.broadcast %add3A_396 : i32 to vector<16xi32>
          %add3A_398 = arith.addi %add3A_397, %iota3A : vector<16xi32>
          tpu.vector_store_idx %arg6[%gather3A, %add3A_398], %get3A_395 {add = true} : memref<320x144xf32, #tpu.memory_space<vmem>>[vector<16xi32>, vector<16xi32>], vector<16xf32>,
          %get3A_399 = arith.index_cast %add3A_360 : i32 to index
          %get3A_400 = arith.constant 96 : index
          %get3A_401 = tpu.vector_load %arg16[%get3A_399, %get3A_400] {strides = array<i32>} : memref<80x128xf32, #tpu.memory_space<vmem>>, vector<16xf32>,
          %add3A_402 = arith.constant 96 : i32
          %add3A_403 = vector.broadcast %add3A_402 : i32 to vector<16xi32>
          %add3A_404 = arith.addi %add3A_403, %iota3A : vector<16xi32>
          tpu.vector_store_idx %arg6[%gather3A, %add3A_404], %get3A_401 {add = true} : memref<320x144xf32, #tpu.memory_space<vmem>>[vector<16xi32>, vector<16xi32>], vector<16xf32>,
          %get3A_405 = arith.index_cast %add3A_360 : i32 to index
          %get3A_406 = arith.constant 112 : index
          %get3A_407 = tpu.vector_load %arg16[%get3A_405, %get3A_406] {strides = array<i32>} : memref<80x128xf32, #tpu.memory_space<vmem>>, vector<16xf32>,
          %add3A_408 = arith.constant 112 : i32
          %add3A_409 = vector.broadcast %add3A_408 : i32 to vector<16xi32>
          %add3A_410 = arith.addi %add3A_409, %iota3A : vector<16xi32>
          tpu.vector_store_idx %arg6[%gather3A, %add3A_410], %get3A_407 {add = true} : memref<320x144xf32, #tpu.memory_space<vmem>>[vector<16xi32>, vector<16xi32>], vector<16xf32>,
          %add3A_411 = arith.constant 128 : i32
          %add3A_412 = vector.broadcast %add3A_411 : i32 to vector<16xi32>
          %add3A_413 = arith.addi %add3A_412, %iota3A : vector<16xi32>
          tpu.vector_store_idx %arg6[%gather3A, %add3A_413], %broadcast_in_dim3A_5 {add = true} : memref<320x144xf32, #tpu.memory_space<vmem>>[vector<16xi32>, vector<16xi32>], vector<16xf32>,
        }
        %while3A_357 = arith.constant 1 : i32
        scf.for %while3A_358 = %while3A_355 to %while3A_351 step %while3A_357  : i32 {
          %mul3A_359 = arith.muli %while3A_358, %while3A_347 : i32
          %add3A_360 = arith.addi %while3A_348, %mul3A_359 : i32
          %add3A_361 = arith.addi %mul3A_327, %add3A_360 : i32
          %broadcast_in_dim3A_362 = vector.broadcast %add3A_361 : i32 to vector<16xi32>
          %gather3A = tpu.vector_load_idx %arg14[%broadcast_in_dim3A_362] : memref<2080xi32, #tpu.memory_space<vmem>>[vector<16xi32>], vector<16xi32>,
          %get3A_363 = arith.index_cast %add3A_360 : i32 to index
          %get3A_364 = arith.constant 0 : index
          %get3A_365 = tpu.vector_load %arg16[%get3A_363, %get3A_364] {strides = array<i32>} : memref<80x128xf32, #tpu.memory_space<vmem>>, vector<16xf32>,
          %add3A_366 = arith.constant 0 : i32
          %add3A_367 = vector.broadcast %add3A_366 : i32 to vector<16xi32>
          %add3A_368 = arith.addi %add3A_367, %iota3A : vector<16xi32>
          tpu.vector_store_idx %arg6[%gather3A, %add3A_368], %get3A_365 {add = true} : memref<320x144xf32, #tpu.memory_space<vmem>>[vector<16xi32>, vector<16xi32>], vector<16xf32>,
          %get3A_369 = arith.index_cast %add3A_360 : i32 to index
          %get3A_370 = arith.constant 16 : index
          %get3A_371 = tpu.vector_load %arg16[%get3A_369, %get3A_370] {strides = array<i32>} : memref<80x128xf32, #tpu.memory_space<vmem>>, vector<16xf32>,
          %add3A_372 = arith.constant 16 : i32
          %add3A_373 = vector.broadcast %add3A_372 : i32 to vector<16xi32>
          %add3A_374 = arith.addi %add3A_373, %iota3A : vector<16xi32>
          tpu.vector_store_idx %arg6[%gather3A, %add3A_374], %get3A_371 {add = true} : memref<320x144xf32, #tpu.memory_space<vmem>>[vector<16xi32>, vector<16xi32>], vector<16xf32>,
          %get3A_375 = arith.index_cast %add3A_360 : i32 to index
          %get3A_376 = arith.constant 32 : index
          %get3A_377 = tpu.vector_load %arg16[%get3A_375, %get3A_376] {strides = array<i32>} : memref<80x128xf32, #tpu.memory_space<vmem>>, vector<16xf32>,
          %add3A_378 = arith.constant 32 : i32
          %add3A_379 = vector.broadcast %add3A_378 : i32 to vector<16xi32>
          %add3A_380 = arith.addi %add3A_379, %iota3A : vector<16xi32>
          tpu.vector_store_idx %arg6[%gather3A, %add3A_380], %get3A_377 {add = true} : memref<320x144xf32, #tpu.memory_space<vmem>>[vector<16xi32>, vector<16xi32>], vector<16xf32>,
          %get3A_381 = arith.index_cast %add3A_360 : i32 to index
          %get3A_382 = arith.constant 48 : index
          %get3A_383 = tpu.vector_load %arg16[%get3A_381, %get3A_382] {strides = array<i32>} : memref<80x128xf32, #tpu.memory_space<vmem>>, vector<16xf32>,
          %add3A_384 = arith.constant 48 : i32
          %add3A_385 = vector.broadcast %add3A_384 : i32 to vector<16xi32>
          %add3A_386 = arith.addi %add3A_385, %iota3A : vector<16xi32>
          tpu.vector_store_idx %arg6[%gather3A, %add3A_386], %get3A_383 {add = true} : memref<320x144xf32, #tpu.memory_space<vmem>>[vector<16xi32>, vector<16xi32>], vector<16xf32>,
          %get3A_387 = arith.index_cast %add3A_360 : i32 to index
          %get3A_388 = arith.constant 64 : index
          %get3A_389 = tpu.vector_load %arg16[%get3A_387, %get3A_388] {strides = array<i32>} : memref<80x128xf32, #tpu.memory_space<vmem>>, vector<16xf32>,
          %add3A_390 = arith.constant 64 : i32
          %add3A_391 = vector.broadcast %add3A_390 : i32 to vector<16xi32>
          %add3A_392 = arith.addi %add3A_391, %iota3A : vector<16xi32>
          tpu.vector_store_idx %arg6[%gather3A, %add3A_392], %get3A_389 {add = true} : memref<320x144xf32, #tpu.memory_space<vmem>>[vector<16xi32>, vector<16xi32>], vector<16xf32>,
          %get3A_393 = arith.index_cast %add3A_360 : i32 to index
          %get3A_394 = arith.constant 80 : index
          %get3A_395 = tpu.vector_load %arg16[%get3A_393, %get3A_394] {strides = array<i32>} : memref<80x128xf32, #tpu.memory_space<vmem>>, vector<16xf32>,
          %add3A_396 = arith.constant 80 : i32
          %add3A_397 = vector.broadcast %add3A_396 : i32 to vector<16xi32>
          %add3A_398 = arith.addi %add3A_397, %iota3A : vector<16xi32>
          tpu.vector_store_idx %arg6[%gather3A, %add3A_398], %get3A_395 {add = true} : memref<320x144xf32, #tpu.memory_space<vmem>>[vector<16xi32>, vector<16xi32>], vector<16xf32>,
          %get3A_399 = arith.index_cast %add3A_360 : i32 to index
          %get3A_400 = arith.constant 96 : index
          %get3A_401 = tpu.vector_load %arg16[%get3A_399, %get3A_400] {strides = array<i32>} : memref<80x128xf32, #tpu.memory_space<vmem>>, vector<16xf32>,
          %add3A_402 = arith.constant 96 : i32
          %add3A_403 = vector.broadcast %add3A_402 : i32 to vector<16xi32>
          %add3A_404 = arith.addi %add3A_403, %iota3A : vector<16xi32>
          tpu.vector_store_idx %arg6[%gather3A, %add3A_404], %get3A_401 {add = true} : memref<320x144xf32, #tpu.memory_space<vmem>>[vector<16xi32>, vector<16xi32>], vector<16xf32>,
          %get3A_405 = arith.index_cast %add3A_360 : i32 to index
          %get3A_406 = arith.constant 112 : index
          %get3A_407 = tpu.vector_load %arg16[%get3A_405, %get3A_406] {strides = array<i32>} : memref<80x128xf32, #tpu.memory_space<vmem>>, vector<16xf32>,
          %add3A_408 = arith.constant 112 : i32
          %add3A_409 = vector.broadcast %add3A_408 : i32 to vector<16xi32>
          %add3A_410 = arith.addi %add3A_409, %iota3A : vector<16xi32>
          tpu.vector_store_idx %arg6[%gather3A, %add3A_410], %get3A_407 {add = true} : memref<320x144xf32, #tpu.memory_space<vmem>>[vector<16xi32>, vector<16xi32>], vector<16xf32>,
          %add3A_411 = arith.constant 128 : i32
          %add3A_412 = vector.broadcast %add3A_411 : i32 to vector<16xi32>
          %add3A_413 = arith.addi %add3A_412, %iota3A : vector<16xi32>
          tpu.vector_store_idx %arg6[%gather3A, %add3A_413], %broadcast_in_dim3A_5 {add = true} : memref<320x144xf32, #tpu.memory_space<vmem>>[vector<16xi32>, vector<16xi32>], vector<16xf32>,
        }
      }
      %while3A_322 = arith.constant 1 : i32
      scf.for %while3A_323 = %while3A_320 to %while3A_316 step %while3A_322  : i32 {
        %mul3A_324 = arith.muli %while3A_323, %while3A_312 : i32
        %add3A_325 = arith.addi %while3A_313, %mul3A_324 : i32
        %mul3A_326 = arith.constant 80 : i32
        %mul3A_327 = arith.muli %add3A_325, %mul3A_326 : i32
        %dma_start3A_328 = tpu.memref_slice %arg13[%mul3A_327] : memref<2080xi32, #tpu.memory_space<vmem>> -> memref<80xi32, #tpu.memory_space<vmem>>
        %dma_start3A_329 = arith.constant 0 : i32
        %dma_start3A_330 = arith.constant 0 : i32
        %dma_start3A_331 = tpu.memref_slice %arg2[%dma_start3A_329, %dma_start3A_330] : memref<10000x128xf32, #tpu.memory_space<hbm>> -> memref<10000x128xf32, #tpu.memory_space<hbm>>
        tpu.enqueue_indirect_dma source(%dma_start3A_331 : memref<10000x128xf32, #tpu.memory_space<hbm>>) target(%arg16 : memref<80x128xf32, #tpu.memory_space<vmem>>) offsets(%dma_start3A_328 : memref<80xi32, #tpu.memory_space<vmem>>) semaphore(%arg22 : memref<!tpu.dma_semaphore, #tpu.memory_space<semaphore_mem>>)
        %dma_wait3A_332 = tpu.memref_slice %arg13[%mul3A_327] : memref<2080xi32, #tpu.memory_space<vmem>> -> memref<80xi32, #tpu.memory_space<vmem>>
        %dma_wait3A_333 = arith.constant 0 : i32
        %dma_wait3A_334 = arith.constant 0 : i32
        %dma_wait3A_335 = tpu.memref_slice %arg2[%dma_wait3A_333, %dma_wait3A_334] : memref<10000x128xf32, #tpu.memory_space<hbm>> -> memref<10000x128xf32, #tpu.memory_space<hbm>>
        tpu.wait_indirect_dma semaphore(%arg22 : memref<!tpu.dma_semaphore, #tpu.memory_space<semaphore_mem>>) src(%dma_wait3A_335 : memref<10000x128xf32, #tpu.memory_space<hbm>>) dst(%arg16 : memref<80x128xf32, #tpu.memory_space<vmem>>)
        %sub3A_336 = arith.subi %reduce_max3A_176, %mul3A_327 : i32
        %min3A_337 = arith.constant 80 : i32
        %min3A_338 = arith.minsi %sub3A_336, %min3A_337 : i32
        %sub3A_339 = arith.constant 0 : i32
        %sub3A_340 = arith.subi %min3A_338, %sub3A_339 : i32
        %sub3A_341 = arith.constant 1 : i32
        %sub3A_342 = arith.constant 1 : i32
        %sub3A_343 = arith.subi %sub3A_341, %sub3A_342 : i32
        %add3A_344 = arith.addi %sub3A_340, %sub3A_343 : i32
        %div3A_345 = arith.constant 1 : i32
        %div3A_346 = arith.divsi %add3A_344, %div3A_345 : i32
        %while3A_347 = arith.constant 1 : i32
        %while3A_348 = arith.constant 0 : i32
        %while3A_349 = arith.constant 0 : i32
        %while3A_350 = arith.subi %div3A_346, %while3A_349 : i32
        %while3A_351 = arith.addi %while3A_349, %while3A_350 : i32
        %while3A_352 = arith.constant 1 : i32
        %while3A_353 = arith.divsi %while3A_350, %while3A_352 : i32
        %while3A_354 = arith.muli %while3A_353, %while3A_352 : i32
        %while3A_355 = arith.addi %while3A_349, %while3A_354 : i32
        %while3A_356 = arith.constant 1 : i32
        scf.for %while3A_358 = %while3A_349 to %while3A_355 step %while3A_356  : i32 {
          %mul3A_359 = arith.muli %while3A_358, %while3A_347 : i32
          %add3A_360 = arith.addi %while3A_348, %mul3A_359 : i32
          %add3A_361 = arith.addi %mul3A_327, %add3A_360 : i32
          %broadcast_in_dim3A_362 = vector.broadcast %add3A_361 : i32 to vector<16xi32>
          %gather3A = tpu.vector_load_idx %arg14[%broadcast_in_dim3A_362] : memref<2080xi32, #tpu.memory_space<vmem>>[vector<16xi32>], vector<16xi32>,
          %get3A_363 = arith.index_cast %add3A_360 : i32 to index
          %get3A_364 = arith.constant 0 : index
          %get3A_365 = tpu.vector_load %arg16[%get3A_363, %get3A_364] {strides = array<i32>} : memref<80x128xf32, #tpu.memory_space<vmem>>, vector<16xf32>,
          %add3A_366 = arith.constant 0 : i32
          %add3A_367 = vector.broadcast %add3A_366 : i32 to vector<16xi32>
          %add3A_368 = arith.addi %add3A_367, %iota3A : vector<16xi32>
          tpu.vector_store_idx %arg6[%gather3A, %add3A_368], %get3A_365 {add = true} : memref<320x144xf32, #tpu.memory_space<vmem>>[vector<16xi32>, vector<16xi32>], vector<16xf32>,
          %get3A_369 = arith.index_cast %add3A_360 : i32 to index
          %get3A_370 = arith.constant 16 : index
          %get3A_371 = tpu.vector_load %arg16[%get3A_369, %get3A_370] {strides = array<i32>} : memref<80x128xf32, #tpu.memory_space<vmem>>, vector<16xf32>,
          %add3A_372 = arith.constant 16 : i32
          %add3A_373 = vector.broadcast %add3A_372 : i32 to vector<16xi32>
          %add3A_374 = arith.addi %add3A_373, %iota3A : vector<16xi32>
          tpu.vector_store_idx %arg6[%gather3A, %add3A_374], %get3A_371 {add = true} : memref<320x144xf32, #tpu.memory_space<vmem>>[vector<16xi32>, vector<16xi32>], vector<16xf32>,
          %get3A_375 = arith.index_cast %add3A_360 : i32 to index
          %get3A_376 = arith.constant 32 : index
          %get3A_377 = tpu.vector_load %arg16[%get3A_375, %get3A_376] {strides = array<i32>} : memref<80x128xf32, #tpu.memory_space<vmem>>, vector<16xf32>,
          %add3A_378 = arith.constant 32 : i32
          %add3A_379 = vector.broadcast %add3A_378 : i32 to vector<16xi32>
          %add3A_380 = arith.addi %add3A_379, %iota3A : vector<16xi32>
          tpu.vector_store_idx %arg6[%gather3A, %add3A_380], %get3A_377 {add = true} : memref<320x144xf32, #tpu.memory_space<vmem>>[vector<16xi32>, vector<16xi32>], vector<16xf32>,
          %get3A_381 = arith.index_cast %add3A_360 : i32 to index
          %get3A_382 = arith.constant 48 : index
          %get3A_383 = tpu.vector_load %arg16[%get3A_381, %get3A_382] {strides = array<i32>} : memref<80x128xf32, #tpu.memory_space<vmem>>, vector<16xf32>,
          %add3A_384 = arith.constant 48 : i32
          %add3A_385 = vector.broadcast %add3A_384 : i32 to vector<16xi32>
          %add3A_386 = arith.addi %add3A_385, %iota3A : vector<16xi32>
          tpu.vector_store_idx %arg6[%gather3A, %add3A_386], %get3A_383 {add = true} : memref<320x144xf32, #tpu.memory_space<vmem>>[vector<16xi32>, vector<16xi32>], vector<16xf32>,
          %get3A_387 = arith.index_cast %add3A_360 : i32 to index
          %get3A_388 = arith.constant 64 : index
          %get3A_389 = tpu.vector_load %arg16[%get3A_387, %get3A_388] {strides = array<i32>} : memref<80x128xf32, #tpu.memory_space<vmem>>, vector<16xf32>,
          %add3A_390 = arith.constant 64 : i32
          %add3A_391 = vector.broadcast %add3A_390 : i32 to vector<16xi32>
          %add3A_392 = arith.addi %add3A_391, %iota3A : vector<16xi32>
          tpu.vector_store_idx %arg6[%gather3A, %add3A_392], %get3A_389 {add = true} : memref<320x144xf32, #tpu.memory_space<vmem>>[vector<16xi32>, vector<16xi32>], vector<16xf32>,
          %get3A_393 = arith.index_cast %add3A_360 : i32 to index
          %get3A_394 = arith.constant 80 : index
          %get3A_395 = tpu.vector_load %arg16[%get3A_393, %get3A_394] {strides = array<i32>} : memref<80x128xf32, #tpu.memory_space<vmem>>, vector<16xf32>,
          %add3A_396 = arith.constant 80 : i32
          %add3A_397 = vector.broadcast %add3A_396 : i32 to vector<16xi32>
          %add3A_398 = arith.addi %add3A_397, %iota3A : vector<16xi32>
          tpu.vector_store_idx %arg6[%gather3A, %add3A_398], %get3A_395 {add = true} : memref<320x144xf32, #tpu.memory_space<vmem>>[vector<16xi32>, vector<16xi32>], vector<16xf32>,
          %get3A_399 = arith.index_cast %add3A_360 : i32 to index
          %get3A_400 = arith.constant 96 : index
          %get3A_401 = tpu.vector_load %arg16[%get3A_399, %get3A_400] {strides = array<i32>} : memref<80x128xf32, #tpu.memory_space<vmem>>, vector<16xf32>,
          %add3A_402 = arith.constant 96 : i32
          %add3A_403 = vector.broadcast %add3A_402 : i32 to vector<16xi32>
          %add3A_404 = arith.addi %add3A_403, %iota3A : vector<16xi32>
          tpu.vector_store_idx %arg6[%gather3A, %add3A_404], %get3A_401 {add = true} : memref<320x144xf32, #tpu.memory_space<vmem>>[vector<16xi32>, vector<16xi32>], vector<16xf32>,
          %get3A_405 = arith.index_cast %add3A_360 : i32 to index
          %get3A_406 = arith.constant 112 : index
          %get3A_407 = tpu.vector_load %arg16[%get3A_405, %get3A_406] {strides = array<i32>} : memref<80x128xf32, #tpu.memory_space<vmem>>, vector<16xf32>,
          %add3A_408 = arith.constant 112 : i32
          %add3A_409 = vector.broadcast %add3A_408 : i32 to vector<16xi32>
          %add3A_410 = arith.addi %add3A_409, %iota3A : vector<16xi32>
          tpu.vector_store_idx %arg6[%gather3A, %add3A_410], %get3A_407 {add = true} : memref<320x144xf32, #tpu.memory_space<vmem>>[vector<16xi32>, vector<16xi32>], vector<16xf32>,
          %add3A_411 = arith.constant 128 : i32
          %add3A_412 = vector.broadcast %add3A_411 : i32 to vector<16xi32>
          %add3A_413 = arith.addi %add3A_412, %iota3A : vector<16xi32>
          tpu.vector_store_idx %arg6[%gather3A, %add3A_413], %broadcast_in_dim3A_5 {add = true} : memref<320x144xf32, #tpu.memory_space<vmem>>[vector<16xi32>, vector<16xi32>], vector<16xf32>,
        }
        %while3A_357 = arith.constant 1 : i32
        scf.for %while3A_358 = %while3A_355 to %while3A_351 step %while3A_357  : i32 {
          %mul3A_359 = arith.muli %while3A_358, %while3A_347 : i32
          %add3A_360 = arith.addi %while3A_348, %mul3A_359 : i32
          %add3A_361 = arith.addi %mul3A_327, %add3A_360 : i32
          %broadcast_in_dim3A_362 = vector.broadcast %add3A_361 : i32 to vector<16xi32>
          %gather3A = tpu.vector_load_idx %arg14[%broadcast_in_dim3A_362] : memref<2080xi32, #tpu.memory_space<vmem>>[vector<16xi32>], vector<16xi32>,
          %get3A_363 = arith.index_cast %add3A_360 : i32 to index
          %get3A_364 = arith.constant 0 : index
          %get3A_365 = tpu.vector_load %arg16[%get3A_363, %get3A_364] {strides = array<i32>} : memref<80x128xf32, #tpu.memory_space<vmem>>, vector<16xf32>,
          %add3A_366 = arith.constant 0 : i32
          %add3A_367 = vector.broadcast %add3A_366 : i32 to vector<16xi32>
          %add3A_368 = arith.addi %add3A_367, %iota3A : vector<16xi32>
          tpu.vector_store_idx %arg6[%gather3A, %add3A_368], %get3A_365 {add = true} : memref<320x144xf32, #tpu.memory_space<vmem>>[vector<16xi32>, vector<16xi32>], vector<16xf32>,
          %get3A_369 = arith.index_cast %add3A_360 : i32 to index
          %get3A_370 = arith.constant 16 : index
          %get3A_371 = tpu.vector_load %arg16[%get3A_369, %get3A_370] {strides = array<i32>} : memref<80x128xf32, #tpu.memory_space<vmem>>, vector<16xf32>,
          %add3A_372 = arith.constant 16 : i32
          %add3A_373 = vector.broadcast %add3A_372 : i32 to vector<16xi32>
          %add3A_374 = arith.addi %add3A_373, %iota3A : vector<16xi32>
          tpu.vector_store_idx %arg6[%gather3A, %add3A_374], %get3A_371 {add = true} : memref<320x144xf32, #tpu.memory_space<vmem>>[vector<16xi32>, vector<16xi32>], vector<16xf32>,
          %get3A_375 = arith.index_cast %add3A_360 : i32 to index
          %get3A_376 = arith.constant 32 : index
          %get3A_377 = tpu.vector_load %arg16[%get3A_375, %get3A_376] {strides = array<i32>} : memref<80x128xf32, #tpu.memory_space<vmem>>, vector<16xf32>,
          %add3A_378 = arith.constant 32 : i32
          %add3A_379 = vector.broadcast %add3A_378 : i32 to vector<16xi32>
          %add3A_380 = arith.addi %add3A_379, %iota3A : vector<16xi32>
          tpu.vector_store_idx %arg6[%gather3A, %add3A_380], %get3A_377 {add = true} : memref<320x144xf32, #tpu.memory_space<vmem>>[vector<16xi32>, vector<16xi32>], vector<16xf32>,
          %get3A_381 = arith.index_cast %add3A_360 : i32 to index
          %get3A_382 = arith.constant 48 : index
          %get3A_383 = tpu.vector_load %arg16[%get3A_381, %get3A_382] {strides = array<i32>} : memref<80x128xf32, #tpu.memory_space<vmem>>, vector<16xf32>,
          %add3A_384 = arith.constant 48 : i32
          %add3A_385 = vector.broadcast %add3A_384 : i32 to vector<16xi32>
          %add3A_386 = arith.addi %add3A_385, %iota3A : vector<16xi32>
          tpu.vector_store_idx %arg6[%gather3A, %add3A_386], %get3A_383 {add = true} : memref<320x144xf32, #tpu.memory_space<vmem>>[vector<16xi32>, vector<16xi32>], vector<16xf32>,
          %get3A_387 = arith.index_cast %add3A_360 : i32 to index
          %get3A_388 = arith.constant 64 : index
          %get3A_389 = tpu.vector_load %arg16[%get3A_387, %get3A_388] {strides = array<i32>} : memref<80x128xf32, #tpu.memory_space<vmem>>, vector<16xf32>,
          %add3A_390 = arith.constant 64 : i32
          %add3A_391 = vector.broadcast %add3A_390 : i32 to vector<16xi32>
          %add3A_392 = arith.addi %add3A_391, %iota3A : vector<16xi32>
          tpu.vector_store_idx %arg6[%gather3A, %add3A_392], %get3A_389 {add = true} : memref<320x144xf32, #tpu.memory_space<vmem>>[vector<16xi32>, vector<16xi32>], vector<16xf32>,
          %get3A_393 = arith.index_cast %add3A_360 : i32 to index
          %get3A_394 = arith.constant 80 : index
          %get3A_395 = tpu.vector_load %arg16[%get3A_393, %get3A_394] {strides = array<i32>} : memref<80x128xf32, #tpu.memory_space<vmem>>, vector<16xf32>,
          %add3A_396 = arith.constant 80 : i32
          %add3A_397 = vector.broadcast %add3A_396 : i32 to vector<16xi32>
          %add3A_398 = arith.addi %add3A_397, %iota3A : vector<16xi32>
          tpu.vector_store_idx %arg6[%gather3A, %add3A_398], %get3A_395 {add = true} : memref<320x144xf32, #tpu.memory_space<vmem>>[vector<16xi32>, vector<16xi32>], vector<16xf32>,
          %get3A_399 = arith.index_cast %add3A_360 : i32 to index
          %get3A_400 = arith.constant 96 : index
          %get3A_401 = tpu.vector_load %arg16[%get3A_399, %get3A_400] {strides = array<i32>} : memref<80x128xf32, #tpu.memory_space<vmem>>, vector<16xf32>,
          %add3A_402 = arith.constant 96 : i32
          %add3A_403 = vector.broadcast %add3A_402 : i32 to vector<16xi32>
          %add3A_404 = arith.addi %add3A_403, %iota3A : vector<16xi32>
          tpu.vector_store_idx %arg6[%gather3A, %add3A_404], %get3A_401 {add = true} : memref<320x144xf32, #tpu.memory_space<vmem>>[vector<16xi32>, vector<16xi32>], vector<16xf32>,
          %get3A_405 = arith.index_cast %add3A_360 : i32 to index
          %get3A_406 = arith.constant 112 : index
          %get3A_407 = tpu.vector_load %arg16[%get3A_405, %get3A_406] {strides = array<i32>} : memref<80x128xf32, #tpu.memory_space<vmem>>, vector<16xf32>,
          %add3A_408 = arith.constant 112 : i32
          %add3A_409 = vector.broadcast %add3A_408 : i32 to vector<16xi32>
          %add3A_410 = arith.addi %add3A_409, %iota3A : vector<16xi32>
          tpu.vector_store_idx %arg6[%gather3A, %add3A_410], %get3A_407 {add = true} : memref<320x144xf32, #tpu.memory_space<vmem>>[vector<16xi32>, vector<16xi32>], vector<16xf32>,
          %add3A_411 = arith.constant 128 : i32
          %add3A_412 = vector.broadcast %add3A_411 : i32 to vector<16xi32>
          %add3A_413 = arith.addi %add3A_412, %iota3A : vector<16xi32>
          tpu.vector_store_idx %arg6[%gather3A, %add3A_413], %broadcast_in_dim3A_5 {add = true} : memref<320x144xf32, #tpu.memory_space<vmem>>[vector<16xi32>, vector<16xi32>], vector<16xf32>,
        }
      }
    }
    %scan3A_26 = arith.constant 80 : i32
    %dma_wait3A = arith.constant 0 : i32
    %dma_wait3A_27 = tpu.memref_slice %arg3[%dma_wait3A] : memref<320000xi32, #tpu.memory_space<hbm>> -> memref<2000xi32, #tpu.memory_space<hbm>>
    %dma_wait3A_28 = arith.constant 0 : i32
    %dma_wait3A_29 = tpu.memref_slice %arg3[%dma_wait3A_28] : memref<320000xi32, #tpu.memory_space<hbm>> -> memref<2000xi32, #tpu.memory_space<hbm>>
    tpu.wait_dma2 semaphore(%arg17 : memref<!tpu.dma_semaphore, #tpu.memory_space<semaphore_mem>>) src(%dma_wait3A_29 : memref<2000xi32, #tpu.memory_space<hbm>>) dst(%arg7 : memref<2000xi32, #tpu.memory_space<vmem>>)
    %dma_wait3A_30 = arith.constant 0 : i32
    %dma_wait3A_31 = tpu.memref_slice %arg4[%dma_wait3A_30] : memref<320000xi32, #tpu.memory_space<hbm>> -> memref<2000xi32, #tpu.memory_space<hbm>>
    %dma_wait3A_32 = arith.constant 0 : i32
    %dma_wait3A_33 = tpu.memref_slice %arg4[%dma_wait3A_32] : memref<320000xi32, #tpu.memory_space<hbm>> -> memref<2000xi32, #tpu.memory_space<hbm>>
    tpu.wait_dma2 semaphore(%arg18 : memref<!tpu.dma_semaphore, #tpu.memory_space<semaphore_mem>>) src(%dma_wait3A_33 : memref<2000xi32, #tpu.memory_space<hbm>>) dst(%arg8 : memref<2000xi32, #tpu.memory_space<vmem>>)
    "tpu.region"() ({
      %run_scoped3A = tpu.sem_alloc : memref<!tpu.dma_semaphore, #tpu.memory_space<semaphore_mem>>
      %dma_start3A_34 = arith.constant 0 : i32
      %dma_start3A_35 = tpu.memref_slice %arg5[%mul3A_2, %dma_start3A_34] : memref<10240x144xf32, #tpu.memory_space<hbm>> -> memref<320x144xf32, #tpu.memory_space<hbm>>
      %dma_start3A_36 = arith.constant 0 : i32
      %dma_start3A_37 = tpu.memref_slice %arg5[%mul3A_2, %dma_start3A_36] : memref<10240x144xf32, #tpu.memory_space<hbm>> -> memref<320x144xf32, #tpu.memory_space<hbm>>
      tpu.enqueue_dma source(%arg6 : memref<320x144xf32, #tpu.memory_space<vmem>>) target(%dma_start3A_37 : memref<320x144xf32, #tpu.memory_space<hbm>>) target_semaphore(%run_scoped3A : memref<!tpu.dma_semaphore, #tpu.memory_space<semaphore_mem>>)
      %dma_wait3A_38 = arith.constant 0 : i32
      %dma_wait3A_39 = tpu.memref_slice %arg5[%mul3A_2, %dma_wait3A_38] : memref<10240x144xf32, #tpu.memory_space<hbm>> -> memref<320x144xf32, #tpu.memory_space<hbm>>
      %dma_wait3A_40 = arith.constant 0 : i32
      %dma_wait3A_41 = tpu.memref_slice %arg5[%mul3A_2, %dma_wait3A_40] : memref<10240x144xf32, #tpu.memory_space<hbm>> -> memref<320x144xf32, #tpu.memory_space<hbm>>
      tpu.wait_dma2 semaphore(%run_scoped3A : memref<!tpu.dma_semaphore, #tpu.memory_space<semaphore_mem>>) src(%arg6 : memref<320x144xf32, #tpu.memory_space<vmem>>) dst(%dma_wait3A_41 : memref<320x144xf32, #tpu.memory_space<hbm>>)
      tpu.yield
    }) : () -> ()
    return
  }
}

module attributes {stable_mosaic.version = 14 : i64} {
  func.func @body(%arg0: i32, %arg1: memref<512x128xf32, #tpu.memory_space<vmem>>, %arg2: memref<512x144xf32, #tpu.memory_space<vmem>>, %arg3: memref<128x128xf32, #tpu.memory_space<vmem>>, %arg4: memref<128x128xf32, #tpu.memory_space<vmem>>, %arg5: memref<512x128xf32, #tpu.memory_space<vmem>>) attributes {dimension_semantics = [#tpu.dimension_semantics<arbitrary>], iteration_bounds = array<i64: 20>, scalar_prefetch = 0 : i64, scratch_operands = 0 : i64, tpu.core_type = #tpu.core_type<tc>, window_params = [{transform_indices = @transform_0, window_bounds = array<i64: 512, 128>}, {transform_indices = @transform_1, window_bounds = array<i64: 512, 144>}, {pipeline_mode = #tpu.pipeline_mode<synchronous>, transform_indices = @transform_2, window_bounds = array<i64: 128, 128>}, {pipeline_mode = #tpu.pipeline_mode<synchronous>, transform_indices = @transform_3, window_bounds = array<i64: 128, 128>}, {transform_indices = @transform_4, window_bounds = array<i64: 512, 128>}]} {
    %get3A = arith.constant 0 : index
    %get3A_0 = arith.constant 0 : index
    %get3A_1 = vector.load %arg2[%get3A, %get3A_0] : memref<512x144xf32, #tpu.memory_space<vmem>>, vector<512x128xf32>
    %get3A_2 = arith.constant 0 : index
    %get3A_3 = arith.constant 128 : index
    %get3A_4 = vector.load %arg2[%get3A_2, %get3A_3] : memref<512x144xf32, #tpu.memory_space<vmem>>, vector<512x1xf32>
    %max3A = arith.constant 1.000000e+00 : f32
    %max3A_5 = vector.broadcast %max3A : f32 to vector<512x1xf32>
    %max3A_6 = arith.maximumf %get3A_4, %max3A_5 : vector<512x1xf32>
    %div3A = vector.broadcast %max3A_6 : vector<512x1xf32> to vector<512x128xf32>
    %div3A_7 = arith.divf %get3A_1, %div3A : vector<512x128xf32>
    %get3A_8 = arith.constant 0 : index
    %get3A_9 = arith.constant 0 : index
    %get3A_10 = vector.load %arg1[%get3A_8, %get3A_9] : memref<512x128xf32, #tpu.memory_space<vmem>>, vector<512x128xf32>
    %get3A_11 = arith.constant 0 : index
    %get3A_12 = arith.constant 0 : index
    %get3A_13 = vector.load %arg3[%get3A_11, %get3A_12] : memref<128x128xf32, #tpu.memory_space<vmem>>, vector<128x128xf32>
    %dot_general3A = arith.constant dense<0.000000e+00> : vector<512x128xf32>
    %dot_general3A_14 = tpu.matmul %get3A_10, %get3A_13, %dot_general3A {dimension_numbers = #tpu.dot_dimension_numbers<[1], [0], [0], [1], [0, 0, 1, 1], [], []>, transpose_lhs_hint = false} : vector<512x128xf32>, vector<128x128xf32>, vector<512x128xf32> -> vector<512x128xf32>
    %get3A_15 = arith.constant 0 : index
    %get3A_16 = arith.constant 0 : index
    %get3A_17 = vector.load %arg4[%get3A_15, %get3A_16] : memref<128x128xf32, #tpu.memory_space<vmem>>, vector<128x128xf32>
    %dot_general3A_18 = arith.constant dense<0.000000e+00> : vector<512x128xf32>
    %dot_general3A_19 = tpu.matmul %div3A_7, %get3A_17, %dot_general3A_18 {dimension_numbers = #tpu.dot_dimension_numbers<[1], [0], [0], [1], [0, 0, 1, 1], [], []>, transpose_lhs_hint = false} : vector<512x128xf32>, vector<128x128xf32>, vector<512x128xf32> -> vector<512x128xf32>
    %add3A = arith.addf %dot_general3A_14, %dot_general3A_19 : vector<512x128xf32>
    %max3A_20 = arith.constant 0.000000e+00 : f32
    %max3A_21 = vector.broadcast %max3A_20 : f32 to vector<512x128xf32>
    %max3A_22 = arith.maximumf %add3A, %max3A_21 : vector<512x128xf32>
    %swap3A = arith.constant 0 : index
    %swap3A_23 = arith.constant 0 : index
    %swap3A_24 = vector.load %arg5[%swap3A, %swap3A_23] : memref<512x128xf32, #tpu.memory_space<vmem>>, vector<512x128xf32>
    tpu.vector_store %arg5[%swap3A, %swap3A_23], %max3A_22 {strides = array<i32>} : memref<512x128xf32, #tpu.memory_space<vmem>>, vector<512x128xf32>,
    return
  }
  func.func @transform_0(%arg0: i32) -> (i32, i32) {
    %c0_i32 = arith.constant 0 : i32
    %c0_i32_0 = arith.constant 0 : i32
    return %arg0, %c0_i32 : i32, i32
  }
  func.func @transform_1(%arg0: i32) -> (i32, i32) {
    %c0_i32 = arith.constant 0 : i32
    %c0_i32_0 = arith.constant 0 : i32
    return %arg0, %c0_i32 : i32, i32
  }
  func.func @transform_2(%arg0: i32) -> (i32, i32) {
    %c0_i32 = arith.constant 0 : i32
    %c0_i32_0 = arith.constant 0 : i32
    %c0_i32_1 = arith.constant 0 : i32
    return %c0_i32, %c0_i32_0 : i32, i32
  }
  func.func @transform_3(%arg0: i32) -> (i32, i32) {
    %c0_i32 = arith.constant 0 : i32
    %c0_i32_0 = arith.constant 0 : i32
    %c0_i32_1 = arith.constant 0 : i32
    return %c0_i32, %c0_i32_0 : i32, i32
  }
  func.func @transform_4(%arg0: i32) -> (i32, i32) {
    %c0_i32 = arith.constant 0 : i32
    %c0_i32_0 = arith.constant 0 : i32
    return %arg0, %c0_i32 : i32, i32
  }
}

</mosaic_0001>

<sc_bundles>
// kernel: kernel.5.cloned.1.call-start
scs
__scs_entry_jumppad:
0x0: {  	(pc) =	sbr.rel $0x88, $3  }
0x1: {  	(tag) =	ssettag $0x0;
	lr =	simm.s32 $0x1  }
0x2: {  	[smem:$0x3F9A] =	sst lr;
	_ =	strace $0xD0000000  }
0x3: {  	_ = 	snop  }
0x4: {  	_ = 	snop  }
0x5: {  	_ = 	snop  }
0x6: {  	_ = 	snop  }
0x7: {  	_ = 	snop  }
__scs_overlays_trampoline_lowered:
0x8: {  	[smem:$0x3FA9] =	sst s0  }
0x9: {  	[smem:$0x3FAA] =	sst s1  }
0xa: {  	[smem:$0x3FAB] =	sst s2  }
0xb: {  	[smem:$0x3FAC] =	sst s3  }
0xc: {  	[smem:$0x3FAD] =	sst s4  }
0xd: {  	[smem:$0x3FAE] =	sst s5  }
0xe: {  	[smem:$0x3FAF] =	sst s6  }
0xf: {  	[smem:$0x3FB0] =	sst s7  }
0x10: {  	[smem:$0x3FB1] =	sst s8  }
0x11: {  	[smem:$0x3FB2] =	sst s9;
	s0 =	simm.s32 @!p0 $0x0  }
0x12: {  	s1 =	sld [smem:$0x3F98];
	s0 =	simm.s32 @p0 $0x1  }
0x13: {  	[smem:$0x3FB3] =	sst s0;
	s0 =	simm.s32 @!p1 $0x0  }
0x14: {  	s2 =	sld [smem:$0x3F97];
	s0 =	simm.s32 @p1 $0x1  }
0x15: {  	[smem:$0x3FB4] =	sst s0;
	s0 =	simm.s32 @!p2 $0x0  }
0x16: {  	s3 =	sld [smem:$0x3FDB];
	s0 =	simm.s32 @p2 $0x1  }
0x17: {  	s4 =	simm.s32 $0x1BF5;
	[smem:$0x3FB6] =	sst s0  }
0x18: {  	s0 =	sld [smem:$0x3F99];
	_ =	swait.ge [sflag:s4], $0x0  }
0x19: {  	s7 =	sld [smem:$0x3F9A]  }
0x1a: {  	s8 =	sadd.s32 $0xFFFFE003, lr  }
0x1b: {  	s9 =	sadd.s32 $0xFFFFFEF7, lr;
	s5 =	simm.s32 $0xFFFFFFFF;
	p2 =	slt.u32 s8, $0xFFFFF086  }
0x1c: {  	p1 =	slt.u32 s9, $0xF7A;
	s5 =	simm.s32 @!p2 $0x0  }
0x1d: {  	s5 =	simm.s32 @p1 $0x1;
	p0 =	seq.s32 s7, s2  }
0x1e: {  	s7 =	smul.u32 @!p0 $0xF7A, s2;
	p2 =	seq.s32 @!p0 s5, $0x0  }
0x1f: {  	s9 =	smul.u32 $0xF7A, s1;
	s8 =	simm.s32 @!p0 $0x1BF5;
	p2 =	por !p2, p0  }
0x20: {  	[sflag:s8] =	ssyncset.s32 @!p0 $0xFFFFF086;
	s6 =	sadd.s32 @!p0 s3, s7;
	s7 =	simm.s32 @!p0 $0x108  }
0x21: {  	s3 =	sadd.s32 s3, s9;
	s6 =	sadd.s32 @!p0 $0x88, s6;
	s7 =	simm.s32 @p2 $0x1082  }
0x22: {  	[simem:s7], [sflag:s8] =	dma.local @!p0 [hbm:s6], $0xF7A  }
0x23: {  	s9 =	sor.u32 $0xD0000000, s2;
	s6 =	simm.s32 $0x108;
	_ =	swait.ge @!p0 [sflag:s8], $0x0  }
0x24: {  	s3 =	sadd.s32 $0x88, s3;
	s6 =	simm.s32 @!p1 $0x1082;
	[sflag:s4] =	ssyncset.s32 $0xFFFFF086  }
0x25: {  	[simem:s6], [sflag:s4] =	dma.local [hbm:s3], $0xF7A  }
0x26: {  	[smem:$0x3F9A] =	sst s1;
	(tag) =	ssettag s2;
	_ =	strace s9  }
0x27: {  	s1 =	sld [smem:$0x3FAA]  }
0x28: {  	s2 =	sld [smem:$0x3FAB]  }
0x29: {  	s4 =	sld [smem:$0x3FAD]  }
0x2a: {  	p0 =	seq.s32 s5, $0x0;
	s5 =	sld [smem:$0x3FAE]  }
0x2b: {  	s6 =	sld [smem:$0x3FAF]  }
0x2c: {  	s7 =	sld [smem:$0x3FB0]  }
0x2d: {  	s3 =	simm.s32 $0x108;
	s8 =	sld [smem:$0x3FB1]  }
0x2e: {  	s3 =	simm.s32 @!p0 $0x1082;
	s9 =	sld [smem:$0x3FB2]  }
0x2f: {  	lr =	sadd.s32 s0, s3;
	s0 =	sld [smem:$0x3FA9]  }
0x30: {  	s3 =	sld [smem:$0x3FAC]  }
0x31: {  	[smem:$0x3FB5] =	sst s10  }
0x32: {  	s10 =	sld [smem:$0x3FB3];
	_ =	sdelay $0x3  }
0x33: {  	p0 =	seq.s32 s10, $0x1;
	s10 =	sld [smem:$0x3FB5];
	_ =	sdelay $0x3  }
0x34: {  	[smem:$0x3FB5] =	sst s10  }
0x35: {  	s10 =	sld [smem:$0x3FB4];
	_ =	sdelay $0x3  }
0x36: {  	p1 =	seq.s32 s10, $0x1;
	s10 =	sld [smem:$0x3FB5];
	_ =	sdelay $0x3  }
0x37: {  	[smem:$0x3FB5] =	sst s10  }
0x38: {  	s10 =	sld [smem:$0x3FB6]  }
0x39: {  	_ = 	snop;
	(pc) =	sbr.ind lr, $3  }
0x3a: {  	_ = 	snop  }
0x3b: {  	_ = 	snop  }
0x3c: {  	p2 =	seq.s32 s10, $0x1;
	s10 =	sld [smem:$0x3FB5]  }
0x3d: {  	_ =	shalt  }
0x3e: {  	_ =	shalt  }
0x3f: {  	_ =	shalt  }
0x40: {  	_ =	shalt  }
0x41: {  	_ =	shalt  }
0x42: {  	_ =	shalt  }
0x43: {  	_ =	shalt  }
0x44: {  	_ =	shalt  }
0x45: {  	_ =	shalt  }
0x46: {  	_ =	shalt  }
0x47: {  	_ =	shalt  }
0x48: {  	_ =	shalt  }
0x49: {  	_ =	shalt  }
0x4a: {  	_ =	shalt  }
0x4b: {  	_ =	shalt  }
0x4c: {  	_ =	shalt  }
0x4d: {  	_ =	shalt  }
0x4e: {  	_ =	shalt  }
0x4f: {  	_ =	shalt  }
0x50: {  	_ =	shalt  }
0x51: {  	_ =	shalt  }
0x52: {  	_ =	shalt  }
0x53: {  	_ =	shalt  }
0x54: {  	_ =	shalt  }
0x55: {  	_ =	shalt  }
0x56: {  	_ =	shalt  }
0x57: {  	_ =	shalt  }
0x58: {  	_ =	shalt  }
0x59: {  	_ =	shalt  }
0x5a: {  	_ =	shalt  }
0x5b: {  	_ =	shalt  }
0x5c: {  	_ =	shalt  }
0x5d: {  	_ =	shalt  }
0x5e: {  	_ =	shalt  }
0x5f: {  	_ =	shalt  }
0x60: {  	_ =	shalt  }
0x61: {  	_ =	shalt  }
0x62: {  	_ =	shalt  }
0x63: {  	_ =	shalt  }
0x64: {  	_ =	shalt  }
0x65: {  	_ =	shalt  }
0x66: {  	_ =	shalt  }
0x67: {  	_ =	shalt  }
0x68: {  	_ =	shalt  }
0x69: {  	_ =	shalt  }
0x6a: {  	_ =	shalt  }
0x6b: {  	_ =	shalt  }
0x6c: {  	_ =	shalt  }
0x6d: {  	_ =	shalt  }
0x6e: {  	_ =	shalt  }
0x6f: {  	_ =	shalt  }
0x70: {  	_ =	shalt  }
0x71: {  	_ =	shalt  }
0x72: {  	_ =	shalt  }
0x73: {  	_ =	shalt  }
0x74: {  	_ =	shalt  }
0x75: {  	_ =	shalt  }
0x76: {  	_ =	shalt  }
0x77: {  	_ =	shalt  }
0x78: {  	_ =	shalt  }
0x79: {  	_ =	shalt  }
0x7a: {  	_ =	shalt  }
0x7b: {  	_ =	shalt  }
0x7c: {  	_ =	shalt  }
0x7d: {  	_ =	shalt  }
0x7e: {  	_ =	shalt  }
0x7f: {  	_ =	shalt  }
0x80: {  	_ =	shalt  }
0x81: {  	_ =	shalt  }
0x82: {  	_ =	shalt  }
0x83: {  	_ =	shalt  }
0x84: {  	_ =	shalt  }
0x85: {  	_ =	shalt  }
0x86: {  	_ =	shalt  }
0x87: {  	_ =	shalt  }
.Lfunc_end0:
.L_simem_size_0:
called_computation_lowered:
.L_overlay_start_0:
0x88: {  	s2 =	sld [smem:$0x3FD9]  }
0x89: {  	s3 =	sld [smem:$0x3FFE];
	_ =	sdelay $0x1  }
0x8a: {  	s1 =	srdreg.scid  }
0x8b: {  	s0 =	sand.u32 $0x1, s1  }
0x8c: {  	s17 =	sshll.u32 s0, $0xA;
	s2 =	sadd.s32 s3, s2  }
0x8d: {  	s2 =	sadd.s32 s2, s17  }
0x8e: {  	[smem:$0x3FC1] =	sst s2  }
0x8f: {  	_ = 	snop  }
0x90: {  	s2 =	sld [smem:$0x3FC9];
	(tm) =	ssettm $0x1  }
0x91: {  	s18 =	sld [smem:$0x3FFB];
	_ =	sdelay $0x3  }
0x92: {  	_ =	strace s18  }
0x93: {  	s3 =	sld [smem:$0x3FFC];
	_ =	sdelay $0x3  }
0x94: {  	_ =	strace s3  }
0x95: {  	s3 =	sld [smem:$0x3FFD];
	_ =	sdelay $0x3  }
0x96: {  	_ =	strace s3  }
0x97: {  	_ =	strace $0x8FFFFFFF  }
0x98: {  	s19 =	sld [smem:$0x3FDB];
	_ =	sdelay $0x1  }
0x99: {  	s4 =	simm.s32 $_scs_section_size  }
0x9a: {  	s5 =	simm.s32 $_size__tile_overlayer_lowered;
	s6 =	simm.s32 $_tile_overlayer_lowered  }
0x9b: {  	s22 =	simm.s32 $0x1BFF;
	s21 =	sshll.u32 s6, $0x1;
	s3 =	sadd.s32 s4, s19  }
0x9c: {  	s7 =	simm.s32 $0x0;
	s20 =	sshll.u32 s5, $0x1;
	s5 =	sadd.s32 s21, s3  }
0x9d: {  	[timem:s7], [sflag:s22] =	dma.local [hbm:s5], s20  }
0x9e: {  	_ =	swait.ge [sflag:s22], s20  }
0x9f: {  	s4 =	ssub.s32 $0x0, s20;
	[sflag:s22] =	ssyncset.done $0x0  }
0xa0: {  	[sflag:s22] =	ssyncadd.s32 s4;
	_ =	sdelay $0x1  }
0xa1: {  	s23 =	simm.s32 $0x1B8B  }
0xa2: {  	_ =	swait.ge [sflag:s23], $0x1  }
0xa3: {  	[sflag:s23] =	ssyncset.done $0x0  }
0xa4: {  	s25 =	simm.s32 $0x1B8E;
	s24 =	sld [smem:$0x3FFE];
	[sflag:s23] =	ssyncadd.s32 $0xFFFFFFFF  }
0xa5: {  	s26 =	simm.s32 $execute0_lowered;
	[smem:$0x3FD2] =	sst s25  }
0xa6: {  	s5 =	sshll.u32 s26, $0x1;
	_ =	strace $0x80000046;
	[dreg:$0x1] =	wrdreg $0xFFFFFFFF  }
0xa7: {  	s28 =	simm.s32 $_size_execute0_lowered;
	s3 =	sadd.s32 s3, s5;
	[dreg:$0x0] =	wrdreg $0x0  }
0xa8: {  	s5 =	sshll.u32 s28, $0x1;
	[dreg:$0x2] =	wrdreg s3  }
0xa9: {  	[dreg:$0x3] =	wrdreg s5  }
0xaa: {  	[dreg:$0x4] =	wrdreg $0xC0  }
0xab: {  	_ =	task [dreg:s7], $0x5FFFF  }
0xac: {  	[dreg:$0x1] =	wrdreg $0xFFFFFFFF  }
0xad: {  	[dreg:$0x0] =	wrdreg $0x60  }
0xae: {  	[dreg:$0x2] =	wrdreg s2  }
0xaf: {  	[dreg:$0x3] =	wrdreg s24  }
0xb0: {  	[dreg:$0x4] =	wrdreg $0x9  }
0xb1: {  	_ =	task.clear_ibuf [dreg:s7], $0x5FFFF;
	_ =	strace $0x90000046  }
0xb2: {  	s29 =	simm.s32 $0x9;
	_ =	strace $0x80000048  }
0xb3: {  	_ =	swait.ge [sflag:s29], $0x1  }
0xb4: {  	[sflag:s29] =	ssyncadd.s32 $0xFFFFFFFF  }
0xb5: {  	_ =	strace $0x90000048  }
0xb6: {  	_ =	sfence  }
0xb7: {  	s30 =	sld [smem:$0x0];
	_ =	sdelay $0x2  }
0xb8: {  	s31 =	sshll.u32 s1, $0xD;
	s1 =	sshrl.u32 s1, $0x2  }
0xb9: {  	s3 =	sand.u32 $0x4000, s31;
	s1 =	sadd.s32 s1, s30  }
0xba: {  	s0 =	sor.u32 s3, s0;
	s1 =	sshll.u32 s1, $0x11  }
0xbb: {  	s0 =	sor.u32 s1, s0  }
0xbc: {  	s0 =	sadd.s32 $0x8F2B, s0  }
0xbd: {  	[sflag:s0] =	ssyncadd.remote.s32 $0x1  }
0xbe: {  	_ =	sfence.sel $0xFFFF  }
0xbf: {  	[dreg:$0x0] =	wrdreg $0xFFFFFFFF;
	(pc) =	sbr.abs _section_cstart, $3  }
0xc0: {  	[dreg:$0x1] =	wrdreg $0xFFFFFFFF  }
0xc1: {  	_ =	task.clear_ibuf [dreg:s7], $0x2FFFF;
	_ =	strace $0x9FFFFFFF  }
0xc2: {  	(tm) =	ssettm $0x7FFFFFFF  }
0xc3: {  	_ =	shalt  }
tec
execute0_lowered:
.L_overlay_start_1:
0x0: {  	(tag) =	ssettag $0x1  }
0x1: {  	s2 =	rddreg [dreg:$0x0]  }
0x2: {  	s0 =	rddreg [dreg:$0x1]  }
0x3: {  	s1 =	srdreg.scid;
	s4 =	stileid.u32  }
0x4: {  	s3 =	simm.s32 $0x0;
	s9 =	simm.s32 $0x14800;
	s10 =	simm.s32 $0x1  }
0x5: {  	s11 =	simm.s32 $0x2;
	s13 =	simm.s32 $0x15800;
	s14 =	simm.s32 $0x16880  }
0x6: {  	s15 =	simm.s32 $0x16000;
	s16 =	simm.s32 $0x50;
	s17 =	simm.s32 $0x18200  }
0x7: {  	s18 =	simm.s32 $0x3;
	s19 =	simm.s32 $0x4;
	s20 =	simm.s32 $0x17980  }
0x8: {  	s21 =	simm.s32 $0x17100;
	s1 =	sand.u32 $0x1, s1;
	s4 =	sshll.u32 s4, $0x1  }
0x9: {  	s22 =	simm.s32 $0x5;
	s23 =	simm.s32 $0x1AA00;
	s6 =	sor.u32 s1, s4  }
0xa: {  	s24 =	simm.s32 $0x6;
	s1 =	ssub.s32 $0x2, s1;
	s7 =	smul.u32 $0x2800, s6  }
.Ltmp0:
0xb: {  	v1 =	vimm.f32 $0.0e+00;
	[smem:$0x7FF] =	sst s3;
	s8 =	sshrl.u32 s1, $0x1;
	(pc) =	sbr.rel .LBB2_1-.Ltmp0, $4  }
0xc: {  	v2 =	vimm.s32 $0x0;
	v3 =	vlaneseq.u32;
	v12 =	vimm.f32 $1.000000000e+00;
	s5 =	sadd.s32 $0x1200, s0;
	s4 =	sadd.s32 $0xB000, s0;
	s1 =	ssub.s32 s1, s8  }
0xd: {  	v4 =	vor.u32 $0x10, v3;
	v5 =	vor.u32 $0x20, v3;
	v6 =	vor.u32 $0x30, v3;
	s6 =	smul.u32 $0x140, s6;
	s0 =	sadd.s32 s7, s0;
	s31 =	smax.u32 s1, $0x1  }
0xe: {  	v7 =	vor.u32 $0x40, v3;
	v8 =	vor.u32 $0x50, v3;
	v9 =	vor.u32 $0x60, v3;
	_ =	strace $0x80000047;
	s0 =	sadd.s32 $0x14E00, s0;
	[dreg:$0x4] =	wrdreg s31  }
0xf: {  	v10 =	vor.u32 $0x70, v3;
	v11 =	vor.u32 $0x400, v3;
	s8 =	simm.s32 $0x14000;
	v0 =	vmov s6;
	s6 =	simm.s32 $0x0;
	[dreg:$0x3] =	wrdreg s0  }
.LBB2_45:
0x10: {  	_ =	swait.ge [sflag:s10], $0x7D0  }
0x11: {  	[sflag:s10] =	ssyncset.done $0x0  }
0x12: {  	[sflag:s10] =	ssyncadd.s32 $0xFFFFF830  }
0x13: {  	_ =	swait.ge [sflag:s11], $0x7D0  }
0x14: {  	[sflag:s11] =	ssyncset.done $0x0  }
0x15: {  	s1 =	simm.s32 $0x7;
	s0 =	rddreg [dreg:$0x3];
	[sflag:s11] =	ssyncadd.s32 $0xFFFFF830  }
0x16: {  	[hbm4b:s0+s3] =	stream.linear.scatter [tilespmem:s3], [sflag:$0x7], $0x14000, $0x38;
	[tilespmem:$0x1D200] =	vst v63  }
0x17: {  	_ =	swait.ge [sflag:s1], $0x14000  }
0x18: {  	s6 =	rddreg [dreg:$0x5]  }
0x19: {  	s31 =	rddreg [dreg:$0x4];
	s6 =	sadd.s32 $0x1, s6  }
0x1a: {  	p0 =	sne.s32 s6, s31  }
.Ltmp1:
0x1b: {  	_ = 	snop;
	(pc) =	sbr.rel @!p0 .LBB2_46-.Ltmp1, $3  }
0x1c: {  	_ =	sdelay $0x1  }
0x1d: {  	[sflag:s1] =	ssyncset.done $0x0  }
0x1e: {  	[sflag:s1] =	ssyncadd.s32 $0xFFFEC000  }
.LBB2_1:
0x1f: {  	s0 =	sand.u32 $0x1F800, s3;
	s1 =	sand.u32 $0x380, s3  }
0x20: {  	s0 =	sor.u32 s1, s0  }
0x21: {  	[tilespmem:s0+$0x400] =	vst v1  }
0x22: {  	[tilespmem:s0+$0x0] =	vst v1  }
0x23: {  	[tilespmem:s0+$0x10] =	vst v1  }
0x24: {  	[tilespmem:s0+$0x20] =	vst v1  }
0x25: {  	[tilespmem:s0+$0x30] =	vst v1  }
0x26: {  	[tilespmem:s0+$0x40] =	vst v1  }
0x27: {  	[dreg:$0x5] =	wrdreg s6;
	s31 =	simm.s32 $0x100;
	s1 =	simm.s32 $0x80;
	[tilespmem:s0+$0x50] =	vst v1  }
0x28: {  	s6 =	simm.s32 $0x200;
	s7 =	sand.u32 $0x1F800, s31;
	s12 =	sand.u32 $0x380, s1;
	[tilespmem:s0+$0x60] =	vst v1  }
.LBB2_2:
0x29: {  	p0 =	sne.s32 s6, $0x13F00;
	[tilespmem:s0+$0x70] =	vst v1;
	s0 =	sor.u32 s12, s7  }
0x2a: {  	[tilespmem:s0+$0x400] =	vst v1  }
0x2b: {  	[tilespmem:s0+$0x0] =	vst v1  }
0x2c: {  	[tilespmem:s0+$0x10] =	vst v1  }
.Ltmp2:
0x2d: {  	[tilespmem:s0+$0x20] =	vst v1;
	(pc) =	sbr.rel @p0 .LBB2_2-.Ltmp2, $4  }
0x2e: {  	[tilespmem:s0+$0x30] =	vst v1  }
0x2f: {  	[tilespmem:s0+$0x40] =	vst v1  }
0x30: {  	s1 =	sadd.s32 $0x80, s1;
	[tilespmem:s0+$0x50] =	vst v1  }
0x31: {  	s7 =	sand.u32 $0x1F800, s6;
	s6 =	sadd.s32 $0x100, s6;
	s12 =	sand.u32 $0x380, s1;
	[tilespmem:s0+$0x60] =	vst v1  }
0x32: {  	s1 =	sor.u32 s12, s7;
	[tilespmem:s0+$0x70] =	vst v1  }
0x33: {  	[tilespmem:s1+$0x400] =	vst v1  }
0x34: {  	[tilespmem:s1+$0x0] =	vst v1  }
0x35: {  	[tilespmem:s1+$0x10] =	vst v1  }
0x36: {  	[tilespmem:s1+$0x20] =	vst v1  }
0x37: {  	[tilespmem:s1+$0x30] =	vst v1  }
0x38: {  	[tilespmem:s1+$0x40] =	vst v1  }
0x39: {  	[tilespmem:s1+$0x50] =	vst v1  }
0x3a: {  	[tilespmem:s1+$0x60] =	vst v1  }
0x3b: {  	s0 =	simm.s32 $0x0;
	[tilespmem:s1+$0x70] =	vst v1;
	s1 =	simm.s32 $0x40  }
.LBB2_4:
0x3c: {  	p0 =	sne.s32 s1, $0x2040;
	[tilespmem:s0+$0x17980] =	vst v2;
	s6 =	smov.u32 s1;
	s1 =	sadd.s32 $0x40, s1  }
.Ltmp3:
0x3d: {  	[tilespmem:s0+$0x16880] =	vst v2;
	(pc) =	sbr.rel @p0 .LBB2_4-.Ltmp3, $3  }
0x3e: {  	[tilespmem:s0+$0x16000] =	vst v2  }
0x3f: {  	[tilespmem:s0+$0x17100] =	vst v2;
	_ =	sdelay $0x1  }
0x40: {  	s0 =	sshra.s32 s6, $0x2  }
0x41: {  	[tilespmem:s0+$0x17980] =	vst v2  }
0x42: {  	[tilespmem:s0+$0x16880] =	vst v2  }
.Ltmp4:
0x43: {  	[tilespmem:s0+$0x16000] =	vst v2;
	(pc) =	sbr.rel .LBB2_6-.Ltmp4, $4  }
0x44: {  	[tilespmem:s0+$0x17100] =	vst v2;
	s28 =	simm.s32 $0x0  }
0x45: {  	[tilespmem:s8], [sflag:$0x1] =	stream.linear.gather [hbm4b:s4+s28], $0x7D0, $0x38;
	[tilespmem:$0x1D200] =	vst v63  }
0x46: {  	_ = 	snop  }
0x47: {  	[tilespmem:s9], [sflag:$0x2] =	stream.linear.gather [hbm4b:s5+s28], $0x7D0, $0x38;
	[tilespmem:$0x1D200] =	vst v63  }
.LBB2_44:
0x48: {  	s28 =	sadd.s32 $0x1, s28  }
0x49: {  	p0 =	sne.s32 s28, $0x50  }
.Ltmp5:
0x4a: {  	_ = 	snop;
	(pc) =	sbr.rel @!p0 .LBB2_45-.Ltmp5, $1  }
0x4b: {  	_ =	sdelay $0x3  }
.LBB2_6:
0x4c: {  	_ =	swait.ge [sflag:s10], $0x7D0  }
0x4d: {  	s0 =	smul.u32 $0xFA0, s28;
	[sflag:s10] =	ssyncset.done $0x0  }
0x4e: {  	[sflag:s10] =	ssyncadd.s32 $0xFFFFF830  }
0x4f: {  	s0 =	sshrl.u32 s0, $0x3;
	_ =	swait.ge [sflag:s11], $0x7D0  }
0x50: {  	s0 =	sadd.s32 $0xFA, s0;
	[sflag:s11] =	ssyncset.done $0x0  }
0x51: {  	s6 =	simm.s32 $0x15000;
	s1 =	sadd.s32 s4, s0;
	[sflag:s11] =	ssyncadd.s32 $0xFFFFF830  }
0x52: {  	[tilespmem:s6], [sflag:$0x3] =	stream.linear.gather [hbm4b:s1+s3], $0x7D0, $0x38;
	[tilespmem:$0x1D200] =	vst v63  }
0x53: {  	s0 =	sadd.s32 s5, s0  }
0x54: {  	[tilespmem:s13], [sflag:$0x4] =	stream.linear.gather [hbm4b:s0+s3], $0x7D0, $0x38;
	[tilespmem:$0x1D200] =	vst v63  }
0x55: {  	v13 =	vimm.s32 $0x0;
	s1 =	simm.s32 $0x14010;
	s6 =	simm.s32 $0x14810;
	s0 =	simm.s32 $0xFFFFFFFE  }
.LBB2_7:
0x56: {  	v14 =	vld [tilespmem:s6+$0xFFFFFFF0];
	_ =	sdelay $0x4  }
0x57: {  	v14 =	vsub.s32 v14, v0  }
0x58: {  	vm0 =	vlt.u32 v14, $0x140  }
0x59: {  	v15 =	vsel vm0, $0x1, v2  }
0x5a: {  	(xrf0) =	vadd.scan.msk.s32 $0xffff, v15;
	_ =	sdelay $0x5  }
0x5b: {  	v15, _, _ =	vpop (xrf0)  }
0x5c: {  	v15 =	vadd.s32 v15, v13  }
0x5d: {  	v15 =	vadd.s32 $0xFFFFFFFF, v15  }
0x5e: {  	v16 =	vld [tilespmem:s1+$0xFFFFFFF0];
	_ =	sdelay $0x3  }
0x5f: {  	[tilespmem:v15+s14+$0x0] =	vst.idx.msk vm0, v14  }
0x60: {  	[tilespmem:v15+s15+$0x0] =	vst.idx.msk vm0, v16  }
0x61: {  	v14 =	vld [tilespmem:s6+$0x0];
	_ =	sdelay $0x4  }
0x62: {  	v14 =	vsub.s32 v14, v0  }
0x63: {  	vm1 =	vlt.u32 v14, $0x140  }
0x64: {  	v15 =	vsel vm1, $0x1, v2  }
0x65: {  	(xrf0) =	vadd.scan.msk.s32 $0xffff, v15;
	_ =	sdelay $0x1  }
0x66: {  	v15 =	vmpcnt.ones.xlane vm0;
	_ =	sdelay $0x3  }
0x67: {  	v13 =	vadd.s32 v13, v15;
	v15, _, _ =	vpop (xrf0)  }
0x68: {  	v15 =	vadd.s32 v15, v13  }
0x69: {  	s0 =	sadd.s32 $0x2, s0;
	v15 =	vadd.s32 $0xFFFFFFFF, v15  }
0x6a: {  	p0 =	slt.u32 s0, $0x7A;
	v16 =	vld [tilespmem:s1+$0x0]  }
.Ltmp6:
0x6b: {  	_ = 	snop;
	(pc) =	sbr.rel @p0 .LBB2_7-.Ltmp6, $4  }
0x6c: {  	_ = 	snop  }
0x6d: {  	v17 =	vmpcnt.ones.xlane vm1  }
0x6e: {  	[tilespmem:v15+s14+$0x0] =	vst.idx.msk vm1, v14  }
0x6f: {  	s1 =	sadd.s32 $0x20, s1;
	s6 =	sadd.s32 $0x20, s6;
	v13 =	vadd.s32 v13, v17;
	[tilespmem:v15+s15+$0x0] =	vst.idx.msk vm1, v16  }
0x70: {  	v14 =	vld [tilespmem:$0x14FC0];
	_ =	sdelay $0x4  }
0x71: {  	v14 =	vsub.s32 v14, v0  }
0x72: {  	vm0 =	vlt.u32 v14, $0x140  }
0x73: {  	v15 =	vsel vm0, $0x1, v2  }
0x74: {  	(xrf0) =	vadd.scan.msk.s32 $0xffff, v15;
	_ =	sdelay $0x5  }
0x75: {  	v15, _, _ =	vpop (xrf0)  }
0x76: {  	v15 =	vadd.s32 v15, v13  }
0x77: {  	v15 =	vadd.s32 $0xFFFFFFFF, v15  }
0x78: {  	v16 =	vld [tilespmem:$0x147C0];
	_ =	sdelay $0x3  }
0x79: {  	[tilespmem:v15+s14+$0x0] =	vst.idx.msk vm0, v14  }
0x7a: {  	s0 =	sshll.u32 s28, $0x1;
	[tilespmem:v15+s15+$0x0] =	vst.idx.msk vm0, v16  }
0x7b: {  	[tilespmem:s17], [sflag:$0x5] =	stream.indirect.gather [hbm4b:s2+s16], $0x80, s15, s16, $0xb8;
	[tilespmem:$0x1D200] =	vst v63  }
0x7c: {  	s0 =	smin.u32 s0, $0x9C;
	_ =	swait.ge [sflag:s18], $0x7D0  }
0x7d: {  	s0 =	smul.u32 $0x7D0, s0;
	[sflag:s18] =	ssyncset.done $0x0  }
0x7e: {  	[sflag:s18] =	ssyncadd.s32 $0xFFFFF830  }
0x7f: {  	s0 =	sshrl.u32 s0, $0x3;
	_ =	swait.ge [sflag:s19], $0x7D0  }
0x80: {  	s0 =	sadd.s32 $0x1F4, s0;
	[sflag:s19] =	ssyncset.done $0x0  }
0x81: {  	s1 =	sadd.s32 s4, s0;
	[sflag:s19] =	ssyncadd.s32 $0xFFFFF830  }
0x82: {  	[tilespmem:s8], [sflag:$0x1] =	stream.linear.gather [hbm4b:s1+s3], $0x7D0, $0x38;
	[tilespmem:$0x1D200] =	vst v63  }
0x83: {  	s0 =	sadd.s32 s5, s0  }
0x84: {  	[tilespmem:s9], [sflag:$0x2] =	stream.linear.gather [hbm4b:s0+s3], $0x7D0, $0x38;
	[tilespmem:$0x1D200] =	vst v63  }
0x85: {  	s6 =	simm.s32 $0x15810;
	v14 =	vimm.s32 $0x0;
	v15 =	vmpcnt.ones.xlane vm0;
	s1 =	simm.s32 $0x15010;
	s0 =	simm.s32 $0xFFFFFFFE  }
.LBB2_9:
0x86: {  	v16 =	vld [tilespmem:s6+$0xFFFFFFF0];
	_ =	sdelay $0x4  }
0x87: {  	v16 =	vsub.s32 v16, v0  }
0x88: {  	vm0 =	vlt.u32 v16, $0x140  }
0x89: {  	v17 =	vsel vm0, $0x1, v2  }
0x8a: {  	(xrf0) =	vadd.scan.msk.s32 $0xffff, v17;
	_ =	sdelay $0x5  }
0x8b: {  	v17, _, _ =	vpop (xrf0)  }
0x8c: {  	v17 =	vadd.s32 v17, v14  }
0x8d: {  	v17 =	vadd.s32 $0xFFFFFFFF, v17  }
0x8e: {  	v18 =	vld [tilespmem:s1+$0xFFFFFFF0];
	_ =	sdelay $0x3  }
0x8f: {  	[tilespmem:v17+s20+$0x0] =	vst.idx.msk vm0, v16  }
0x90: {  	[tilespmem:v17+s21+$0x0] =	vst.idx.msk vm0, v18  }
0x91: {  	v16 =	vld [tilespmem:s6+$0x0];
	_ =	sdelay $0x4  }
0x92: {  	v16 =	vsub.s32 v16, v0  }
0x93: {  	vm1 =	vlt.u32 v16, $0x140  }
0x94: {  	v17 =	vsel vm1, $0x1, v2  }
0x95: {  	(xrf0) =	vadd.scan.msk.s32 $0xffff, v17;
	_ =	sdelay $0x1  }
0x96: {  	v17 =	vmpcnt.ones.xlane vm0;
	_ =	sdelay $0x3  }
0x97: {  	v14 =	vadd.s32 v14, v17;
	v17, _, _ =	vpop (xrf0)  }
0x98: {  	v17 =	vadd.s32 v17, v14  }
0x99: {  	s0 =	sadd.s32 $0x2, s0;
	v17 =	vadd.s32 $0xFFFFFFFF, v17  }
0x9a: {  	p0 =	slt.u32 s0, $0x7A;
	v18 =	vld [tilespmem:s1+$0x0]  }
.Ltmp7:
0x9b: {  	_ = 	snop;
	(pc) =	sbr.rel @p0 .LBB2_9-.Ltmp7, $4  }
0x9c: {  	_ = 	snop  }
0x9d: {  	v19 =	vmpcnt.ones.xlane vm1  }
0x9e: {  	[tilespmem:v17+s20+$0x0] =	vst.idx.msk vm1, v16  }
0x9f: {  	s1 =	sadd.s32 $0x20, s1;
	s6 =	sadd.s32 $0x20, s6;
	v14 =	vadd.s32 v14, v19;
	[tilespmem:v17+s21+$0x0] =	vst.idx.msk vm1, v18  }
0xa0: {  	v16 =	vld [tilespmem:$0x15FC0];
	_ =	sdelay $0x4  }
0xa1: {  	v16 =	vsub.s32 v16, v0  }
0xa2: {  	v13 =	vadd.s32 v13, v15;
	vm0 =	vlt.u32 v16, $0x140  }
0xa3: {  	v13 =	vxor.u32 $0x80000000, v13;
	v15 =	vmpcnt.ones.xlane vm0  }
0xa4: {  	(xrf0) =	vmax.scan.msk.u32 $0xffff, v13  }
0xa5: {  	v13 =	vsel vm0, $0x1, v2;
	v15 =	vadd.s32 v14, v15  }
0xa6: {  	(xrf0) =	vadd.scan.msk.s32 $0xffff, v13;
	v13 =	vxor.u32 $0x80000000, v15  }
0xa7: {  	(xrf0) =	vmax.scan.msk.u32 $0xffff, v13;
	_ =	sdelay $0x2  }
0xa8: {  	v13, _, _ =	vpop (xrf0)  }
0xa9: {  	(v2sf) =	vpush v13, $0xF  }
0xaa: {  	v15, _, _ =	vpop (xrf0)  }
0xab: {  	v13, _, _ =	vpop (xrf0)  }
0xac: {  	(v2sf) =	vpush v13, $0xF;
	_ =	sdelay $0x7  }
0xad: {  	v13 =	vadd.s32 v15, v14  }
0xae: {  	v13 =	vadd.s32 $0xFFFFFFFF, v13  }
0xaf: {  	v14 =	vld [tilespmem:$0x157C0];
	_ =	sdelay $0x1  }
0xb0: {  	s31 =	spop (v2sf)  }
0xb1: {  	s30 =	sxor.u32 $0x80000000, s31  }
0xb2: {  	[tilespmem:v13+s20+$0x0] =	vst.idx.msk vm0, v16;
	p0 =	slt.s32 s30, $0x1  }
.Ltmp8:
0xb3: {  	[tilespmem:v13+s21+$0x0] =	vst.idx.msk vm0, v14;
	s29 =	spop (v2sf);
	(pc) =	sbr.rel @p0 .LBB2_17-.Ltmp8, $4  }
0xb4: {  	_ =	swait.ge [sflag:s22], $0x2800  }
0xb5: {  	[sflag:s22] =	ssyncset.done $0x0  }
0xb6: {  	[sflag:s22] =	ssyncadd.s32 $0xFFFFD800  }
0xb7: {  	[tilespmem:s23], [sflag:$0x6] =	stream.indirect.gather [hbm4b:s2+s16], $0x80, s21, s16, $0xb8;
	[tilespmem:$0x1D200] =	vst v63  }
0xb8: {  	p0 =	slt.s32 s30, $0x50;
	s1 =	smov.u32 s30  }
0xb9: {  	s1 =	simm.s32 @!p0 $0x50  }
0xba: {  	p1 =	sne.s32 s1, $0x1  }
.Ltmp9:
0xbb: {  	_ = 	snop;
	(pc) =	sbr.rel @!p1 .LBB2_12-.Ltmp9, $3  }
0xbc: {  	_ =	sdelay $0x1  }
0xbd: {  	s7 =	simm.s32 $0x0  }
0xbe: {  	s0 =	simm.s32 $0x18240;
	s6 =	simm.s32 $0x1;
	v13 =	vmov s7;
	p0 =	por $0x0, $0x0  }
0xbf: {  	_ =	sdelay $0x3  }
0xc0: {  	v13 =	vld.idx.msk [tilespmem:v13+s14+$0x0], $0xffff;
	_ =	sdelay $0x4  }
0xc1: {  	v14 =	vshll.u32 v13, $0x8;
	v13 =	vshll.u32 v13, $0x7  }
0xc2: {  	v14 =	vand.u32 $0xFFFFF800, v14;
	v13 =	vand.u32 $0x380, v13  }
0xc3: {  	v13 =	vor.u32 v13, v14  }
0xc4: {  	v14 =	vld [tilespmem:s0+$0xFFFFFFC0];
	v15 =	vor.u32 v3, v13;
	_ =	sdelay $0x4  }
0xc5: {  	[tilespmem:v15+s3+$0x0] =	vst.idx.add.f32.msk $0xffff, v14  }
0xc6: {  	v15 =	vor.u32 v4, v13;
	v14 =	vld [tilespmem:s0+$0xFFFFFFD0];
	_ =	sdelay $0x4  }
0xc7: {  	[tilespmem:v15+s3+$0x0] =	vst.idx.add.f32.msk $0xffff, v14  }
0xc8: {  	v15 =	vor.u32 v5, v13;
	v14 =	vld [tilespmem:s0+$0xFFFFFFE0];
	_ =	sdelay $0x4  }
0xc9: {  	[tilespmem:v15+s3+$0x0] =	vst.idx.add.f32.msk $0xffff, v14  }
0xca: {  	v15 =	vor.u32 v6, v13;
	v14 =	vld [tilespmem:s0+$0xFFFFFFF0];
	_ =	sdelay $0x4  }
0xcb: {  	[tilespmem:v15+s3+$0x0] =	vst.idx.add.f32.msk $0xffff, v14  }
0xcc: {  	v15 =	vor.u32 v7, v13;
	v14 =	vld [tilespmem:s0+$0x0];
	_ =	sdelay $0x4  }
0xcd: {  	[tilespmem:v15+s3+$0x0] =	vst.idx.add.f32.msk $0xffff, v14  }
0xce: {  	v15 =	vor.u32 v8, v13;
	v14 =	vld [tilespmem:s0+$0x10];
	_ =	sdelay $0x4  }
0xcf: {  	[tilespmem:v15+s3+$0x0] =	vst.idx.add.f32.msk $0xffff, v14  }
0xd0: {  	v15 =	vor.u32 v9, v13;
	v14 =	vld [tilespmem:s0+$0x20];
	_ =	sdelay $0x4  }
0xd1: {  	[tilespmem:v15+s3+$0x0] =	vst.idx.add.f32.msk $0xffff, v14  }
0xd2: {  	p1 =	sne.s32 s1, $0x2;
	v16 =	vor.u32 v10, v13;
	v15 =	vld [tilespmem:s0+$0x30]  }
.Ltmp10:
0xd3: {  	v14 =	vor.u32 v11, v13;
	(pc) =	sbr.rel @!p1 .LBB2_14-.Ltmp10, $2  }
0xd4: {  	v13 =	vmov s6;
	_ =	sdelay $0x2  }
0xd5: {  	s7 =	simm.s32 $0x2;
	p0 =	por $0x1, $0x1;
	s6 =	simm.s32 $0x18240;
	[tilespmem:v16+s3+$0x0] =	vst.idx.add.f32.msk $0xffff, v15  }
.LBB2_15:
0xd6: {  	[tilespmem:v14+s3+$0x0] =	vst.idx.add.f32.msk $0xffff, v12;
	s6 =	sadd.s32 $0x80, s6;
	s12 =	smov.u32 s7;
	s7 =	sadd.s32 $0x1, s7  }
0xd7: {  	p1 =	sne.s32 s1, s7;
	v13 =	vld.idx.msk [tilespmem:v13+s14+$0x0], $0xffff;
	_ =	sdelay $0x5  }
0xd8: {  	v14 =	vshll.u32 v13, $0x8;
	v13 =	vshll.u32 v13, $0x7  }
0xd9: {  	v14 =	vand.u32 $0xFFFFF800, v14;
	v13 =	vand.u32 $0x380, v13  }
0xda: {  	v13 =	vor.u32 v13, v14  }
0xdb: {  	v15 =	vor.u32 v3, v13;
	v14 =	vld [tilespmem:s6+$0xFFFFFFC0];
	_ =	sdelay $0x4  }
0xdc: {  	[tilespmem:v15+s3+$0x0] =	vst.idx.add.f32.msk $0xffff, v14  }
0xdd: {  	v15 =	vor.u32 v4, v13;
	v14 =	vld [tilespmem:s6+$0xFFFFFFD0];
	_ =	sdelay $0x4  }
0xde: {  	[tilespmem:v15+s3+$0x0] =	vst.idx.add.f32.msk $0xffff, v14  }
0xdf: {  	v15 =	vor.u32 v5, v13;
	v14 =	vld [tilespmem:s6+$0xFFFFFFE0];
	_ =	sdelay $0x4  }
0xe0: {  	[tilespmem:v15+s3+$0x0] =	vst.idx.add.f32.msk $0xffff, v14  }
0xe1: {  	v15 =	vor.u32 v6, v13;
	v14 =	vld [tilespmem:s6+$0xFFFFFFF0];
	_ =	sdelay $0x4  }
0xe2: {  	[tilespmem:v15+s3+$0x0] =	vst.idx.add.f32.msk $0xffff, v14  }
0xe3: {  	v15 =	vor.u32 v7, v13;
	v14 =	vld [tilespmem:s6+$0x0];
	_ =	sdelay $0x4  }
0xe4: {  	[tilespmem:v15+s3+$0x0] =	vst.idx.add.f32.msk $0xffff, v14  }
0xe5: {  	v15 =	vor.u32 v8, v13;
	v14 =	vld [tilespmem:s6+$0x10];
	_ =	sdelay $0x4  }
0xe6: {  	[tilespmem:v15+s3+$0x0] =	vst.idx.add.f32.msk $0xffff, v14  }
0xe7: {  	v15 =	vor.u32 v9, v13;
	v14 =	vld [tilespmem:s6+$0x20];
	_ =	sdelay $0x4  }
0xe8: {  	[tilespmem:v15+s3+$0x0] =	vst.idx.add.f32.msk $0xffff, v14  }
0xe9: {  	v16 =	vor.u32 v10, v13;
	v15 =	vld [tilespmem:s6+$0x30]  }
.Ltmp11:
0xea: {  	v14 =	vor.u32 v11, v13;
	(pc) =	sbr.rel @p1 .LBB2_15-.Ltmp11, $2  }
0xeb: {  	v13 =	vmov s12;
	_ =	sdelay $0x2  }
0xec: {  	[tilespmem:v16+s3+$0x0] =	vst.idx.add.f32.msk $0xffff, v15  }
.LBB2_16:
0xed: {  	_ =	sdelay $0x3  }
0xee: {  	[tilespmem:v14+s3+$0x0] =	vst.idx.add.f32.msk @p0 $0xffff, v12  }
0xef: {  	v13 =	vld.idx.msk [tilespmem:v13+s14+$0x0], $0xffff;
	_ =	sdelay $0x4  }
0xf0: {  	v14 =	vshll.u32 v13, $0x8;
	v13 =	vshll.u32 v13, $0x7  }
0xf1: {  	s1 =	sadd.s32 @p0 $0x80, s6;
	v14 =	vand.u32 $0xFFFFF800, v14;
	v13 =	vand.u32 $0x380, v13  }
0xf2: {  	s0 =	smov.u32 @p0 s1;
	v13 =	vor.u32 v13, v14  }
0xf3: {  	v14 =	vld [tilespmem:s0+$0xFFFFFFC0];
	v15 =	vor.u32 v3, v13;
	_ =	sdelay $0x4  }
0xf4: {  	[tilespmem:v15+s3+$0x0] =	vst.idx.add.f32.msk $0xffff, v14  }
0xf5: {  	v15 =	vor.u32 v4, v13;
	v14 =	vld [tilespmem:s0+$0xFFFFFFD0];
	_ =	sdelay $0x4  }
0xf6: {  	[tilespmem:v15+s3+$0x0] =	vst.idx.add.f32.msk $0xffff, v14  }
0xf7: {  	v15 =	vor.u32 v5, v13;
	v14 =	vld [tilespmem:s0+$0xFFFFFFE0];
	_ =	sdelay $0x4  }
0xf8: {  	[tilespmem:v15+s3+$0x0] =	vst.idx.add.f32.msk $0xffff, v14  }
0xf9: {  	v15 =	vor.u32 v6, v13;
	v14 =	vld [tilespmem:s0+$0xFFFFFFF0];
	_ =	sdelay $0x4  }
0xfa: {  	[tilespmem:v15+s3+$0x0] =	vst.idx.add.f32.msk $0xffff, v14  }
0xfb: {  	v15 =	vor.u32 v7, v13;
	v14 =	vld [tilespmem:s0+$0x0];
	_ =	sdelay $0x4  }
0xfc: {  	[tilespmem:v15+s3+$0x0] =	vst.idx.add.f32.msk $0xffff, v14  }
0xfd: {  	v15 =	vor.u32 v8, v13;
	v14 =	vld [tilespmem:s0+$0x10];
	_ =	sdelay $0x4  }
0xfe: {  	[tilespmem:v15+s3+$0x0] =	vst.idx.add.f32.msk $0xffff, v14  }
0xff: {  	v15 =	vor.u32 v9, v13;
	v14 =	vld [tilespmem:s0+$0x20];
	_ =	sdelay $0x4  }
0x100: {  	[tilespmem:v15+s3+$0x0] =	vst.idx.add.f32.msk $0xffff, v14  }
0x101: {  	v15 =	vor.u32 v10, v13;
	v14 =	vld [tilespmem:s0+$0x30]  }
0x102: {  	v13 =	vor.u32 v11, v13;
	_ =	sdelay $0x3  }
0x103: {  	[tilespmem:v15+s3+$0x0] =	vst.idx.add.f32.msk $0xffff, v14  }
0x104: {  	[tilespmem:v13+s3+$0x0] =	vst.idx.add.f32.msk $0xffff, v12  }
.LBB2_17:
0x105: {  	s0 =	sadd.s32 $0x8000004F, s31  }
0x106: {  	s1 =	smulhi.u32 $0x66666667, s0;
	s6 =	sshra.s32 s0, $0x1F  }
0x107: {  	s6 =	smul.u32 $0x66666667, s6;
	_ =	sdelay $0x1  }
0x108: {  	s1 =	sadd.s32 s6, s1  }
0x109: {  	s6 =	sshrl.u32 s1, $0x1F;
	s1 =	sshra.s32 s1, $0x5  }
0x10a: {  	s1 =	sadd.s32 s6, s1  }
0x10b: {  	s6 =	smul.u32 $0xFFFFFFB0, s1  }
0x10c: {  	s7 =	ssub.s32 $0x7FFFFFB1, s31  }
0x10d: {  	p0 =	slt.s32 s0, $0x1;
	p1 =	sne.s32 s6, s7  }
0x10e: {  	p0 =	por !p0, !p1  }
0x10f: {  	s0 =	simm.s32 $0x1;
	p0 =	por !p0, !p0  }
0x110: {  	s0 =	simm.s32 @!p0 $0x0  }
0x111: {  	s0 =	sxor.u32 $0xFFFFFFFF, s0  }
0x112: {  	s0 =	sadd.s32 s1, s0  }
0x113: {  	p0 =	slt.s32 s0, $0x1  }
.Ltmp12:
0x114: {  	_ = 	snop;
	(pc) =	sbr.rel @p0 .LBB2_27-.Ltmp12, $1  }
0x115: {  	_ =	sdelay $0x3  }
.Ltmp13:
0x116: {  	(pc) =	sbr.rel .LBB2_20-.Ltmp13, $2  }
0x117: {  	_ =	sdelay $0x2  }
0x118: {  	s31 =	sadd.s32 $0x7FFFFFB0, s31;
	s1 =	simm.s32 $0x0;
	s6 =	simm.s32 $0x50  }
.LBB2_22:
0x119: {  	s25 =	simm.s32 $0x18240  }
.LBB2_26:
0x11a: {  	_ =	sdelay $0x3  }
0x11b: {  	[tilespmem:v14+s3+$0x0] =	vst.idx.add.f32.msk @p0 $0xffff, v12  }
0x11c: {  	v13 =	vld.idx.msk [tilespmem:v13+s14+$0x0], $0xffff;
	_ =	sdelay $0x4  }
0x11d: {  	v14 =	vshll.u32 v13, $0x8;
	v13 =	vshll.u32 v13, $0x7  }
0x11e: {  	s12 =	sadd.s32 @p0 $0x80, s25;
	v14 =	vand.u32 $0xFFFFF800, v14;
	v13 =	vand.u32 $0x380, v13  }
0x11f: {  	s7 =	smov.u32 @p0 s12;
	v13 =	vor.u32 v13, v14  }
0x120: {  	v14 =	vld [tilespmem:s7+$0xFFFFFFC0];
	v15 =	vor.u32 v3, v13;
	_ =	sdelay $0x4  }
0x121: {  	[tilespmem:v15+s3+$0x0] =	vst.idx.add.f32.msk $0xffff, v14  }
0x122: {  	v15 =	vor.u32 v4, v13;
	v14 =	vld [tilespmem:s7+$0xFFFFFFD0];
	_ =	sdelay $0x4  }
0x123: {  	[tilespmem:v15+s3+$0x0] =	vst.idx.add.f32.msk $0xffff, v14  }
0x124: {  	v15 =	vor.u32 v5, v13;
	v14 =	vld [tilespmem:s7+$0xFFFFFFE0];
	_ =	sdelay $0x4  }
0x125: {  	[tilespmem:v15+s3+$0x0] =	vst.idx.add.f32.msk $0xffff, v14  }
0x126: {  	v15 =	vor.u32 v6, v13;
	v14 =	vld [tilespmem:s7+$0xFFFFFFF0];
	_ =	sdelay $0x4  }
0x127: {  	[tilespmem:v15+s3+$0x0] =	vst.idx.add.f32.msk $0xffff, v14  }
0x128: {  	v15 =	vor.u32 v7, v13;
	v14 =	vld [tilespmem:s7+$0x0];
	_ =	sdelay $0x4  }
0x129: {  	[tilespmem:v15+s3+$0x0] =	vst.idx.add.f32.msk $0xffff, v14  }
0x12a: {  	v15 =	vor.u32 v8, v13;
	v14 =	vld [tilespmem:s7+$0x10];
	_ =	sdelay $0x4  }
0x12b: {  	[tilespmem:v15+s3+$0x0] =	vst.idx.add.f32.msk $0xffff, v14  }
0x12c: {  	v15 =	vor.u32 v9, v13;
	v14 =	vld [tilespmem:s7+$0x20];
	_ =	sdelay $0x4  }
0x12d: {  	[tilespmem:v15+s3+$0x0] =	vst.idx.add.f32.msk $0xffff, v14  }
0x12e: {  	v15 =	vor.u32 v10, v13;
	v14 =	vld [tilespmem:s7+$0x30]  }
0x12f: {  	v13 =	vor.u32 v11, v13;
	_ =	sdelay $0x3  }
0x130: {  	[tilespmem:v15+s3+$0x0] =	vst.idx.add.f32.msk $0xffff, v14  }
0x131: {  	[tilespmem:v13+s3+$0x0] =	vst.idx.add.f32.msk $0xffff, v12  }
.LBB2_19:
0x132: {  	p0 =	seq.s32 s1, s0  }
.Ltmp14:
0x133: {  	_ = 	snop;
	(pc) =	sbr.rel @p0 .LBB2_27-.Ltmp14, $2  }
0x134: {  	_ =	sdelay $0x2  }
0x135: {  	s31 =	sadd.s32 $0xFFFFFFB0, s31;
	s6 =	sadd.s32 $0x50, s6  }
.LBB2_20:
0x136: {  	s1 =	sadd.s32 $0x1, s1  }
0x137: {  	s7 =	smul.u32 $0x50, s1;
	_ =	sdelay $0x1  }
0x138: {  	s12 =	sadd.s32 $0x16000, s7;
	s7 =	ssub.s32 s30, s7  }
0x139: {  	p0 =	slt.s32 s7, $0x1  }
.Ltmp15:
0x13a: {  	_ = 	snop;
	(pc) =	sbr.rel @p0 .LBB2_19-.Ltmp15, $4  }
0x13b: {  	[tilespmem:s17], [sflag:$0x5] =	stream.indirect.gather [hbm4b:s2+s16], $0x80, s12, s16, $0xb8;
	[tilespmem:$0x1D200] =	vst v63  }
0x13c: {  	_ =	swait.ge [sflag:s22], $0x2800  }
0x13d: {  	[sflag:s22] =	ssyncset.done $0x0  }
0x13e: {  	[sflag:s22] =	ssyncadd.s32 $0xFFFFD800  }
0x13f: {  	p0 =	sgt.s32 s31, $0x1;
	s7 =	smov.u32 s31  }
0x140: {  	s7 =	simm.s32 @!p0 $0x1  }
0x141: {  	s12 =	smin.u32 s7, $0x50  }
0x142: {  	p1 =	seq.s32 s12, $0x1  }
.Ltmp16:
0x143: {  	_ = 	snop;
	(pc) =	sbr.rel @p1 .LBB2_22-.Ltmp16, $2  }
0x144: {  	_ =	sdelay $0x2  }
0x145: {  	v13 =	vmov s6;
	p0 =	por $0x0, $0x0;
	s7 =	simm.s32 $0x18240;
	s12 =	sadd.s32 $0xFFFFFFFF, s12  }
0x146: {  	_ =	sdelay $0x3  }
0x147: {  	v13 =	vld.idx.msk [tilespmem:v13+s14+$0x0], $0xffff;
	_ =	sdelay $0x4  }
0x148: {  	v14 =	vshll.u32 v13, $0x8;
	v13 =	vshll.u32 v13, $0x7  }
0x149: {  	v14 =	vand.u32 $0xFFFFF800, v14;
	v13 =	vand.u32 $0x380, v13  }
0x14a: {  	v13 =	vor.u32 v13, v14  }
0x14b: {  	v14 =	vld [tilespmem:s7+$0xFFFFFFC0];
	v15 =	vor.u32 v3, v13;
	_ =	sdelay $0x4  }
0x14c: {  	[tilespmem:v15+s3+$0x0] =	vst.idx.add.f32.msk $0xffff, v14  }
0x14d: {  	v15 =	vor.u32 v4, v13;
	v14 =	vld [tilespmem:s7+$0xFFFFFFD0];
	_ =	sdelay $0x4  }
0x14e: {  	[tilespmem:v15+s3+$0x0] =	vst.idx.add.f32.msk $0xffff, v14  }
0x14f: {  	v15 =	vor.u32 v5, v13;
	v14 =	vld [tilespmem:s7+$0xFFFFFFE0];
	_ =	sdelay $0x4  }
0x150: {  	[tilespmem:v15+s3+$0x0] =	vst.idx.add.f32.msk $0xffff, v14  }
0x151: {  	v15 =	vor.u32 v6, v13;
	v14 =	vld [tilespmem:s7+$0xFFFFFFF0];
	_ =	sdelay $0x4  }
0x152: {  	[tilespmem:v15+s3+$0x0] =	vst.idx.add.f32.msk $0xffff, v14  }
0x153: {  	v15 =	vor.u32 v7, v13;
	v14 =	vld [tilespmem:s7+$0x0];
	_ =	sdelay $0x4  }
0x154: {  	[tilespmem:v15+s3+$0x0] =	vst.idx.add.f32.msk $0xffff, v14  }
0x155: {  	v15 =	vor.u32 v8, v13;
	v14 =	vld [tilespmem:s7+$0x10];
	_ =	sdelay $0x4  }
0x156: {  	[tilespmem:v15+s3+$0x0] =	vst.idx.add.f32.msk $0xffff, v14  }
0x157: {  	v15 =	vor.u32 v9, v13;
	v14 =	vld [tilespmem:s7+$0x20];
	_ =	sdelay $0x4  }
0x158: {  	[tilespmem:v15+s3+$0x0] =	vst.idx.add.f32.msk $0xffff, v14  }
0x159: {  	p1 =	seq.s32 s12, $0x1;
	v16 =	vor.u32 v10, v13;
	v15 =	vld [tilespmem:s7+$0x30]  }
.Ltmp17:
0x15a: {  	s26 =	sadd.s32 $0x1, s6;
	v14 =	vor.u32 v11, v13;
	(pc) =	sbr.rel @p1 .LBB2_24-.Ltmp17, $2  }
0x15b: {  	v13 =	vmov s26;
	_ =	sdelay $0x2  }
0x15c: {  	s12 =	sadd.s32 $0xFFFFFFFF, s12;
	p0 =	por $0x1, $0x1;
	s25 =	simm.s32 $0x18240;
	[tilespmem:v16+s3+$0x0] =	vst.idx.add.f32.msk $0xffff, v15  }
.LBB2_25:
0x15d: {  	p1 =	seq.s32 s12, $0x1;
	s12 =	sadd.s32 $0xFFFFFFFF, s12;
	[tilespmem:v14+s3+$0x0] =	vst.idx.add.f32.msk $0xffff, v12;
	s25 =	sadd.s32 $0x80, s25  }
0x15e: {  	v13 =	vld.idx.msk [tilespmem:v13+s14+$0x0], $0xffff;
	_ =	sdelay $0x5  }
0x15f: {  	v14 =	vshll.u32 v13, $0x8;
	v13 =	vshll.u32 v13, $0x7  }
0x160: {  	v14 =	vand.u32 $0xFFFFF800, v14;
	v13 =	vand.u32 $0x380, v13  }
0x161: {  	v13 =	vor.u32 v13, v14  }
0x162: {  	v15 =	vor.u32 v3, v13;
	v14 =	vld [tilespmem:s25+$0xFFFFFFC0];
	_ =	sdelay $0x4  }
0x163: {  	[tilespmem:v15+s3+$0x0] =	vst.idx.add.f32.msk $0xffff, v14  }
0x164: {  	v15 =	vor.u32 v4, v13;
	v14 =	vld [tilespmem:s25+$0xFFFFFFD0];
	_ =	sdelay $0x4  }
0x165: {  	[tilespmem:v15+s3+$0x0] =	vst.idx.add.f32.msk $0xffff, v14  }
0x166: {  	v15 =	vor.u32 v5, v13;
	v14 =	vld [tilespmem:s25+$0xFFFFFFE0];
	_ =	sdelay $0x4  }
0x167: {  	[tilespmem:v15+s3+$0x0] =	vst.idx.add.f32.msk $0xffff, v14  }
0x168: {  	v15 =	vor.u32 v6, v13;
	v14 =	vld [tilespmem:s25+$0xFFFFFFF0];
	_ =	sdelay $0x4  }
0x169: {  	[tilespmem:v15+s3+$0x0] =	vst.idx.add.f32.msk $0xffff, v14  }
0x16a: {  	v15 =	vor.u32 v7, v13;
	v14 =	vld [tilespmem:s25+$0x0];
	_ =	sdelay $0x4  }
0x16b: {  	[tilespmem:v15+s3+$0x0] =	vst.idx.add.f32.msk $0xffff, v14  }
0x16c: {  	v15 =	vor.u32 v8, v13;
	v14 =	vld [tilespmem:s25+$0x10];
	_ =	sdelay $0x4  }
0x16d: {  	[tilespmem:v15+s3+$0x0] =	vst.idx.add.f32.msk $0xffff, v14  }
0x16e: {  	v15 =	vor.u32 v9, v13;
	v14 =	vld [tilespmem:s25+$0x20];
	_ =	sdelay $0x4  }
0x16f: {  	[tilespmem:v15+s3+$0x0] =	vst.idx.add.f32.msk $0xffff, v14  }
0x170: {  	v16 =	vor.u32 v10, v13;
	v15 =	vld [tilespmem:s25+$0x30]  }
.Ltmp18:
0x171: {  	s26 =	sadd.s32 $0x1, s26;
	v14 =	vor.u32 v11, v13;
	(pc) =	sbr.rel @!p1 .LBB2_25-.Ltmp18, $2  }
0x172: {  	v13 =	vmov s26;
	_ =	sdelay $0x2  }
0x173: {  	[tilespmem:v16+s3+$0x0] =	vst.idx.add.f32.msk $0xffff, v15  }
.Ltmp19:
0x174: {  	_ = 	snop;
	(pc) =	sbr.rel .LBB2_26-.Ltmp19, $1  }
0x175: {  	_ =	sdelay $0x3  }
.LBB2_24:
.Ltmp20:
0x176: {  	(pc) =	sbr.rel .LBB2_26-.Ltmp20, $2  }
0x177: {  	_ =	sdelay $0x2  }
0x178: {  	s25 =	simm.s32 $0x18240  }
.LBB2_27:
0x179: {  	s30 =	sxor.u32 $0x80000000, s29  }
0x17a: {  	p0 =	slt.s32 s30, $0x1  }
.Ltmp21:
0x17b: {  	_ = 	snop;
	(pc) =	sbr.rel @p0 .LBB2_34-.Ltmp21, $4  }
0x17c: {  	_ = 	snop  }
0x17d: {  	_ =	swait.ge [sflag:s24], $0x2800  }
0x17e: {  	[sflag:s24] =	ssyncset.done $0x0  }
0x17f: {  	[sflag:s24] =	ssyncadd.s32 $0xFFFFD800  }
0x180: {  	p0 =	slt.s32 s30, $0x50;
	s1 =	smov.u32 s30  }
0x181: {  	s1 =	simm.s32 @!p0 $0x50  }
0x182: {  	p1 =	sne.s32 s1, $0x1  }
.Ltmp22:
0x183: {  	_ = 	snop;
	(pc) =	sbr.rel @!p1 .LBB2_29-.Ltmp22, $3  }
0x184: {  	_ =	sdelay $0x1  }
0x185: {  	s7 =	simm.s32 $0x0  }
0x186: {  	s0 =	simm.s32 $0x1AA40;
	s6 =	simm.s32 $0x1;
	v13 =	vmov s7;
	p0 =	por $0x0, $0x0  }
0x187: {  	_ =	sdelay $0x3  }
0x188: {  	v13 =	vld.idx.msk [tilespmem:v13+s20+$0x0], $0xffff;
	_ =	sdelay $0x4  }
0x189: {  	v14 =	vshll.u32 v13, $0x8;
	v13 =	vshll.u32 v13, $0x7  }
0x18a: {  	v14 =	vand.u32 $0xFFFFF800, v14;
	v13 =	vand.u32 $0x380, v13  }
0x18b: {  	v13 =	vor.u32 v13, v14  }
0x18c: {  	v14 =	vld [tilespmem:s0+$0xFFFFFFC0];
	v15 =	vor.u32 v3, v13;
	_ =	sdelay $0x4  }
0x18d: {  	[tilespmem:v15+s3+$0x0] =	vst.idx.add.f32.msk $0xffff, v14  }
0x18e: {  	v15 =	vor.u32 v4, v13;
	v14 =	vld [tilespmem:s0+$0xFFFFFFD0];
	_ =	sdelay $0x4  }
0x18f: {  	[tilespmem:v15+s3+$0x0] =	vst.idx.add.f32.msk $0xffff, v14  }
0x190: {  	v15 =	vor.u32 v5, v13;
	v14 =	vld [tilespmem:s0+$0xFFFFFFE0];
	_ =	sdelay $0x4  }
0x191: {  	[tilespmem:v15+s3+$0x0] =	vst.idx.add.f32.msk $0xffff, v14  }
0x192: {  	v15 =	vor.u32 v6, v13;
	v14 =	vld [tilespmem:s0+$0xFFFFFFF0];
	_ =	sdelay $0x4  }
0x193: {  	[tilespmem:v15+s3+$0x0] =	vst.idx.add.f32.msk $0xffff, v14  }
0x194: {  	v15 =	vor.u32 v7, v13;
	v14 =	vld [tilespmem:s0+$0x0];
	_ =	sdelay $0x4  }
0x195: {  	[tilespmem:v15+s3+$0x0] =	vst.idx.add.f32.msk $0xffff, v14  }
0x196: {  	v15 =	vor.u32 v8, v13;
	v14 =	vld [tilespmem:s0+$0x10];
	_ =	sdelay $0x4  }
0x197: {  	[tilespmem:v15+s3+$0x0] =	vst.idx.add.f32.msk $0xffff, v14  }
0x198: {  	v15 =	vor.u32 v9, v13;
	v14 =	vld [tilespmem:s0+$0x20];
	_ =	sdelay $0x4  }
0x199: {  	[tilespmem:v15+s3+$0x0] =	vst.idx.add.f32.msk $0xffff, v14  }
0x19a: {  	p1 =	sne.s32 s1, $0x2;
	v16 =	vor.u32 v10, v13;
	v15 =	vld [tilespmem:s0+$0x30]  }
.Ltmp23:
0x19b: {  	v14 =	vor.u32 v11, v13;
	(pc) =	sbr.rel @!p1 .LBB2_31-.Ltmp23, $2  }
0x19c: {  	v13 =	vmov s6;
	_ =	sdelay $0x2  }
0x19d: {  	s7 =	simm.s32 $0x2;
	p0 =	por $0x1, $0x1;
	s6 =	simm.s32 $0x1AA40;
	[tilespmem:v16+s3+$0x0] =	vst.idx.add.f32.msk $0xffff, v15  }
.LBB2_32:
0x19e: {  	[tilespmem:v14+s3+$0x0] =	vst.idx.add.f32.msk $0xffff, v12;
	s6 =	sadd.s32 $0x80, s6;
	s12 =	smov.u32 s7;
	s7 =	sadd.s32 $0x1, s7  }
0x19f: {  	p1 =	sne.s32 s1, s7;
	v13 =	vld.idx.msk [tilespmem:v13+s20+$0x0], $0xffff;
	_ =	sdelay $0x5  }
0x1a0: {  	v14 =	vshll.u32 v13, $0x8;
	v13 =	vshll.u32 v13, $0x7  }
0x1a1: {  	v14 =	vand.u32 $0xFFFFF800, v14;
	v13 =	vand.u32 $0x380, v13  }
0x1a2: {  	v13 =	vor.u32 v13, v14  }
0x1a3: {  	v15 =	vor.u32 v3, v13;
	v14 =	vld [tilespmem:s6+$0xFFFFFFC0];
	_ =	sdelay $0x4  }
0x1a4: {  	[tilespmem:v15+s3+$0x0] =	vst.idx.add.f32.msk $0xffff, v14  }
0x1a5: {  	v15 =	vor.u32 v4, v13;
	v14 =	vld [tilespmem:s6+$0xFFFFFFD0];
	_ =	sdelay $0x4  }
0x1a6: {  	[tilespmem:v15+s3+$0x0] =	vst.idx.add.f32.msk $0xffff, v14  }
0x1a7: {  	v15 =	vor.u32 v5, v13;
	v14 =	vld [tilespmem:s6+$0xFFFFFFE0];
	_ =	sdelay $0x4  }
0x1a8: {  	[tilespmem:v15+s3+$0x0] =	vst.idx.add.f32.msk $0xffff, v14  }
0x1a9: {  	v15 =	vor.u32 v6, v13;
	v14 =	vld [tilespmem:s6+$0xFFFFFFF0];
	_ =	sdelay $0x4  }
0x1aa: {  	[tilespmem:v15+s3+$0x0] =	vst.idx.add.f32.msk $0xffff, v14  }
0x1ab: {  	v15 =	vor.u32 v7, v13;
	v14 =	vld [tilespmem:s6+$0x0];
	_ =	sdelay $0x4  }
0x1ac: {  	[tilespmem:v15+s3+$0x0] =	vst.idx.add.f32.msk $0xffff, v14  }
0x1ad: {  	v15 =	vor.u32 v8, v13;
	v14 =	vld [tilespmem:s6+$0x10];
	_ =	sdelay $0x4  }
0x1ae: {  	[tilespmem:v15+s3+$0x0] =	vst.idx.add.f32.msk $0xffff, v14  }
0x1af: {  	v15 =	vor.u32 v9, v13;
	v14 =	vld [tilespmem:s6+$0x20];
	_ =	sdelay $0x4  }
0x1b0: {  	[tilespmem:v15+s3+$0x0] =	vst.idx.add.f32.msk $0xffff, v14  }
0x1b1: {  	v16 =	vor.u32 v10, v13;
	v15 =	vld [tilespmem:s6+$0x30]  }
.Ltmp24:
0x1b2: {  	v14 =	vor.u32 v11, v13;
	(pc) =	sbr.rel @p1 .LBB2_32-.Ltmp24, $2  }
0x1b3: {  	v13 =	vmov s12;
	_ =	sdelay $0x2  }
0x1b4: {  	[tilespmem:v16+s3+$0x0] =	vst.idx.add.f32.msk $0xffff, v15  }
.LBB2_33:
0x1b5: {  	_ =	sdelay $0x3  }
0x1b6: {  	[tilespmem:v14+s3+$0x0] =	vst.idx.add.f32.msk @p0 $0xffff, v12  }
0x1b7: {  	v13 =	vld.idx.msk [tilespmem:v13+s20+$0x0], $0xffff;
	_ =	sdelay $0x4  }
0x1b8: {  	v14 =	vshll.u32 v13, $0x8;
	v13 =	vshll.u32 v13, $0x7  }
0x1b9: {  	s1 =	sadd.s32 @p0 $0x80, s6;
	v14 =	vand.u32 $0xFFFFF800, v14;
	v13 =	vand.u32 $0x380, v13  }
0x1ba: {  	s0 =	smov.u32 @p0 s1;
	v13 =	vor.u32 v13, v14  }
0x1bb: {  	v14 =	vld [tilespmem:s0+$0xFFFFFFC0];
	v15 =	vor.u32 v3, v13;
	_ =	sdelay $0x4  }
0x1bc: {  	[tilespmem:v15+s3+$0x0] =	vst.idx.add.f32.msk $0xffff, v14  }
0x1bd: {  	v15 =	vor.u32 v4, v13;
	v14 =	vld [tilespmem:s0+$0xFFFFFFD0];
	_ =	sdelay $0x4  }
0x1be: {  	[tilespmem:v15+s3+$0x0] =	vst.idx.add.f32.msk $0xffff, v14  }
0x1bf: {  	v15 =	vor.u32 v5, v13;
	v14 =	vld [tilespmem:s0+$0xFFFFFFE0];
	_ =	sdelay $0x4  }
0x1c0: {  	[tilespmem:v15+s3+$0x0] =	vst.idx.add.f32.msk $0xffff, v14  }
0x1c1: {  	v15 =	vor.u32 v6, v13;
	v14 =	vld [tilespmem:s0+$0xFFFFFFF0];
	_ =	sdelay $0x4  }
0x1c2: {  	[tilespmem:v15+s3+$0x0] =	vst.idx.add.f32.msk $0xffff, v14  }
0x1c3: {  	v15 =	vor.u32 v7, v13;
	v14 =	vld [tilespmem:s0+$0x0];
	_ =	sdelay $0x4  }
0x1c4: {  	[tilespmem:v15+s3+$0x0] =	vst.idx.add.f32.msk $0xffff, v14  }
0x1c5: {  	v15 =	vor.u32 v8, v13;
	v14 =	vld [tilespmem:s0+$0x10];
	_ =	sdelay $0x4  }
0x1c6: {  	[tilespmem:v15+s3+$0x0] =	vst.idx.add.f32.msk $0xffff, v14  }
0x1c7: {  	v15 =	vor.u32 v9, v13;
	v14 =	vld [tilespmem:s0+$0x20];
	_ =	sdelay $0x4  }
0x1c8: {  	[tilespmem:v15+s3+$0x0] =	vst.idx.add.f32.msk $0xffff, v14  }
0x1c9: {  	v15 =	vor.u32 v10, v13;
	v14 =	vld [tilespmem:s0+$0x30]  }
0x1ca: {  	v13 =	vor.u32 v11, v13;
	_ =	sdelay $0x3  }
0x1cb: {  	[tilespmem:v15+s3+$0x0] =	vst.idx.add.f32.msk $0xffff, v14  }
0x1cc: {  	[tilespmem:v13+s3+$0x0] =	vst.idx.add.f32.msk $0xffff, v12  }
.LBB2_34:
0x1cd: {  	s0 =	sadd.s32 $0x8000004F, s29  }
0x1ce: {  	s1 =	smulhi.u32 $0x66666667, s0;
	s6 =	sshra.s32 s0, $0x1F  }
0x1cf: {  	s6 =	smul.u32 $0x66666667, s6;
	_ =	sdelay $0x1  }
0x1d0: {  	s1 =	sadd.s32 s6, s1  }
0x1d1: {  	s6 =	sshrl.u32 s1, $0x1F;
	s1 =	sshra.s32 s1, $0x5  }
0x1d2: {  	s1 =	sadd.s32 s6, s1  }
0x1d3: {  	s6 =	smul.u32 $0xFFFFFFB0, s1  }
0x1d4: {  	s7 =	ssub.s32 $0x7FFFFFB1, s29  }
0x1d5: {  	p0 =	slt.s32 s0, $0x1;
	p1 =	sne.s32 s6, s7  }
0x1d6: {  	p0 =	por !p0, !p1  }
0x1d7: {  	s0 =	simm.s32 $0x1;
	p0 =	por !p0, !p0  }
0x1d8: {  	s0 =	simm.s32 @!p0 $0x0  }
0x1d9: {  	s0 =	sxor.u32 $0xFFFFFFFF, s0  }
0x1da: {  	s0 =	sadd.s32 s1, s0  }
0x1db: {  	p0 =	slt.s32 s0, $0x1  }
.Ltmp25:
0x1dc: {  	_ = 	snop;
	(pc) =	sbr.rel @p0 .LBB2_44-.Ltmp25, $1  }
0x1dd: {  	_ =	sdelay $0x3  }
.Ltmp26:
0x1de: {  	(pc) =	sbr.rel .LBB2_37-.Ltmp26, $2  }
0x1df: {  	_ =	sdelay $0x2  }
0x1e0: {  	s29 =	sadd.s32 $0x7FFFFFB0, s29;
	s1 =	simm.s32 $0x0;
	s6 =	simm.s32 $0x50  }
.LBB2_39:
0x1e1: {  	s25 =	simm.s32 $0x1AA40  }
.LBB2_43:
0x1e2: {  	_ =	sdelay $0x3  }
0x1e3: {  	[tilespmem:v14+s3+$0x0] =	vst.idx.add.f32.msk @p0 $0xffff, v12  }
0x1e4: {  	v13 =	vld.idx.msk [tilespmem:v13+s20+$0x0], $0xffff;
	_ =	sdelay $0x4  }
0x1e5: {  	v14 =	vshll.u32 v13, $0x8;
	v13 =	vshll.u32 v13, $0x7  }
0x1e6: {  	s12 =	sadd.s32 @p0 $0x80, s25;
	v14 =	vand.u32 $0xFFFFF800, v14;
	v13 =	vand.u32 $0x380, v13  }
0x1e7: {  	s7 =	smov.u32 @p0 s12;
	v13 =	vor.u32 v13, v14  }
0x1e8: {  	v14 =	vld [tilespmem:s7+$0xFFFFFFC0];
	v15 =	vor.u32 v3, v13;
	_ =	sdelay $0x4  }
0x1e9: {  	[tilespmem:v15+s3+$0x0] =	vst.idx.add.f32.msk $0xffff, v14  }
0x1ea: {  	v15 =	vor.u32 v4, v13;
	v14 =	vld [tilespmem:s7+$0xFFFFFFD0];
	_ =	sdelay $0x4  }
0x1eb: {  	[tilespmem:v15+s3+$0x0] =	vst.idx.add.f32.msk $0xffff, v14  }
0x1ec: {  	v15 =	vor.u32 v5, v13;
	v14 =	vld [tilespmem:s7+$0xFFFFFFE0];
	_ =	sdelay $0x4  }
0x1ed: {  	[tilespmem:v15+s3+$0x0] =	vst.idx.add.f32.msk $0xffff, v14  }
0x1ee: {  	v15 =	vor.u32 v6, v13;
	v14 =	vld [tilespmem:s7+$0xFFFFFFF0];
	_ =	sdelay $0x4  }
0x1ef: {  	[tilespmem:v15+s3+$0x0] =	vst.idx.add.f32.msk $0xffff, v14  }
0x1f0: {  	v15 =	vor.u32 v7, v13;
	v14 =	vld [tilespmem:s7+$0x0];
	_ =	sdelay $0x4  }
0x1f1: {  	[tilespmem:v15+s3+$0x0] =	vst.idx.add.f32.msk $0xffff, v14  }
0x1f2: {  	v15 =	vor.u32 v8, v13;
	v14 =	vld [tilespmem:s7+$0x10];
	_ =	sdelay $0x4  }
0x1f3: {  	[tilespmem:v15+s3+$0x0] =	vst.idx.add.f32.msk $0xffff, v14  }
0x1f4: {  	v15 =	vor.u32 v9, v13;
	v14 =	vld [tilespmem:s7+$0x20];
	_ =	sdelay $0x4  }
0x1f5: {  	[tilespmem:v15+s3+$0x0] =	vst.idx.add.f32.msk $0xffff, v14  }
0x1f6: {  	v15 =	vor.u32 v10, v13;
	v14 =	vld [tilespmem:s7+$0x30]  }
0x1f7: {  	v13 =	vor.u32 v11, v13;
	_ =	sdelay $0x3  }
0x1f8: {  	[tilespmem:v15+s3+$0x0] =	vst.idx.add.f32.msk $0xffff, v14  }
0x1f9: {  	[tilespmem:v13+s3+$0x0] =	vst.idx.add.f32.msk $0xffff, v12  }
.LBB2_36:
0x1fa: {  	p0 =	seq.s32 s1, s0  }
.Ltmp27:
0x1fb: {  	_ = 	snop;
	(pc) =	sbr.rel @p0 .LBB2_44-.Ltmp27, $2  }
0x1fc: {  	_ =	sdelay $0x2  }
0x1fd: {  	s29 =	sadd.s32 $0xFFFFFFB0, s29;
	s6 =	sadd.s32 $0x50, s6  }
.LBB2_37:
0x1fe: {  	s1 =	sadd.s32 $0x1, s1  }
0x1ff: {  	s7 =	smul.u32 $0x50, s1;
	_ =	sdelay $0x1  }
0x200: {  	s12 =	sadd.s32 $0x17100, s7;
	s7 =	ssub.s32 s30, s7  }
0x201: {  	p0 =	slt.s32 s7, $0x1  }
.Ltmp28:
0x202: {  	_ = 	snop;
	(pc) =	sbr.rel @p0 .LBB2_36-.Ltmp28, $4  }
0x203: {  	[tilespmem:s23], [sflag:$0x6] =	stream.indirect.gather [hbm4b:s2+s16], $0x80, s12, s16, $0xb8;
	[tilespmem:$0x1D200] =	vst v63  }
0x204: {  	_ =	swait.ge [sflag:s24], $0x2800  }
0x205: {  	[sflag:s24] =	ssyncset.done $0x0  }
0x206: {  	[sflag:s24] =	ssyncadd.s32 $0xFFFFD800  }
0x207: {  	p0 =	sgt.s32 s29, $0x1;
	s7 =	smov.u32 s29  }
0x208: {  	s7 =	simm.s32 @!p0 $0x1  }
0x209: {  	s12 =	smin.u32 s7, $0x50  }
0x20a: {  	p1 =	seq.s32 s12, $0x1  }
.Ltmp29:
0x20b: {  	_ = 	snop;
	(pc) =	sbr.rel @p1 .LBB2_39-.Ltmp29, $2  }
0x20c: {  	_ =	sdelay $0x2  }
0x20d: {  	v13 =	vmov s6;
	p0 =	por $0x0, $0x0;
	s7 =	simm.s32 $0x1AA40;
	s12 =	sadd.s32 $0xFFFFFFFF, s12  }
0x20e: {  	_ =	sdelay $0x3  }
0x20f: {  	v13 =	vld.idx.msk [tilespmem:v13+s20+$0x0], $0xffff;
	_ =	sdelay $0x4  }
0x210: {  	v14 =	vshll.u32 v13, $0x8;
	v13 =	vshll.u32 v13, $0x7  }
0x211: {  	v14 =	vand.u32 $0xFFFFF800, v14;
	v13 =	vand.u32 $0x380, v13  }
0x212: {  	v13 =	vor.u32 v13, v14  }
0x213: {  	v14 =	vld [tilespmem:s7+$0xFFFFFFC0];
	v15 =	vor.u32 v3, v13;
	_ =	sdelay $0x4  }
0x214: {  	[tilespmem:v15+s3+$0x0] =	vst.idx.add.f32.msk $0xffff, v14  }
0x215: {  	v15 =	vor.u32 v4, v13;
	v14 =	vld [tilespmem:s7+$0xFFFFFFD0];
	_ =	sdelay $0x4  }
0x216: {  	[tilespmem:v15+s3+$0x0] =	vst.idx.add.f32.msk $0xffff, v14  }
0x217: {  	v15 =	vor.u32 v5, v13;
	v14 =	vld [tilespmem:s7+$0xFFFFFFE0];
	_ =	sdelay $0x4  }
0x218: {  	[tilespmem:v15+s3+$0x0] =	vst.idx.add.f32.msk $0xffff, v14  }
0x219: {  	v15 =	vor.u32 v6, v13;
	v14 =	vld [tilespmem:s7+$0xFFFFFFF0];
	_ =	sdelay $0x4  }
0x21a: {  	[tilespmem:v15+s3+$0x0] =	vst.idx.add.f32.msk $0xffff, v14  }
0x21b: {  	v15 =	vor.u32 v7, v13;
	v14 =	vld [tilespmem:s7+$0x0];
	_ =	sdelay $0x4  }
0x21c: {  	[tilespmem:v15+s3+$0x0] =	vst.idx.add.f32.msk $0xffff, v14  }
0x21d: {  	v15 =	vor.u32 v8, v13;
	v14 =	vld [tilespmem:s7+$0x10];
	_ =	sdelay $0x4  }
0x21e: {  	[tilespmem:v15+s3+$0x0] =	vst.idx.add.f32.msk $0xffff, v14  }
0x21f: {  	v15 =	vor.u32 v9, v13;
	v14 =	vld [tilespmem:s7+$0x20];
	_ =	sdelay $0x4  }
0x220: {  	[tilespmem:v15+s3+$0x0] =	vst.idx.add.f32.msk $0xffff, v14  }
0x221: {  	p1 =	seq.s32 s12, $0x1;
	v16 =	vor.u32 v10, v13;
	v15 =	vld [tilespmem:s7+$0x30]  }
.Ltmp30:
0x222: {  	s26 =	sadd.s32 $0x1, s6;
	v14 =	vor.u32 v11, v13;
	(pc) =	sbr.rel @p1 .LBB2_41-.Ltmp30, $2  }
0x223: {  	v13 =	vmov s26;
	_ =	sdelay $0x2  }
0x224: {  	s12 =	sadd.s32 $0xFFFFFFFF, s12;
	p0 =	por $0x1, $0x1;
	s25 =	simm.s32 $0x1AA40;
	[tilespmem:v16+s3+$0x0] =	vst.idx.add.f32.msk $0xffff, v15  }
.LBB2_42:
0x225: {  	p1 =	seq.s32 s12, $0x1;
	s12 =	sadd.s32 $0xFFFFFFFF, s12;
	[tilespmem:v14+s3+$0x0] =	vst.idx.add.f32.msk $0xffff, v12;
	s25 =	sadd.s32 $0x80, s25  }
0x226: {  	v13 =	vld.idx.msk [tilespmem:v13+s20+$0x0], $0xffff;
	_ =	sdelay $0x5  }
0x227: {  	v14 =	vshll.u32 v13, $0x8;
	v13 =	vshll.u32 v13, $0x7  }
0x228: {  	v14 =	vand.u32 $0xFFFFF800, v14;
	v13 =	vand.u32 $0x380, v13  }
0x229: {  	v13 =	vor.u32 v13, v14  }
0x22a: {  	v15 =	vor.u32 v3, v13;
	v14 =	vld [tilespmem:s25+$0xFFFFFFC0];
	_ =	sdelay $0x4  }
0x22b: {  	[tilespmem:v15+s3+$0x0] =	vst.idx.add.f32.msk $0xffff, v14  }
0x22c: {  	v15 =	vor.u32 v4, v13;
	v14 =	vld [tilespmem:s25+$0xFFFFFFD0];
	_ =	sdelay $0x4  }
0x22d: {  	[tilespmem:v15+s3+$0x0] =	vst.idx.add.f32.msk $0xffff, v14  }
0x22e: {  	v15 =	vor.u32 v5, v13;
	v14 =	vld [tilespmem:s25+$0xFFFFFFE0];
	_ =	sdelay $0x4  }
0x22f: {  	[tilespmem:v15+s3+$0x0] =	vst.idx.add.f32.msk $0xffff, v14  }
0x230: {  	v15 =	vor.u32 v6, v13;
	v14 =	vld [tilespmem:s25+$0xFFFFFFF0];
	_ =	sdelay $0x4  }
0x231: {  	[tilespmem:v15+s3+$0x0] =	vst.idx.add.f32.msk $0xffff, v14  }
0x232: {  	v15 =	vor.u32 v7, v13;
	v14 =	vld [tilespmem:s25+$0x0];
	_ =	sdelay $0x4  }
0x233: {  	[tilespmem:v15+s3+$0x0] =	vst.idx.add.f32.msk $0xffff, v14  }
0x234: {  	v15 =	vor.u32 v8, v13;
	v14 =	vld [tilespmem:s25+$0x10];
	_ =	sdelay $0x4  }
0x235: {  	[tilespmem:v15+s3+$0x0] =	vst.idx.add.f32.msk $0xffff, v14  }
0x236: {  	v15 =	vor.u32 v9, v13;
	v14 =	vld [tilespmem:s25+$0x20];
	_ =	sdelay $0x4  }
0x237: {  	[tilespmem:v15+s3+$0x0] =	vst.idx.add.f32.msk $0xffff, v14  }
0x238: {  	v16 =	vor.u32 v10, v13;
	v15 =	vld [tilespmem:s25+$0x30]  }
.Ltmp31:
0x239: {  	s26 =	sadd.s32 $0x1, s26;
	v14 =	vor.u32 v11, v13;
	(pc) =	sbr.rel @!p1 .LBB2_42-.Ltmp31, $2  }
0x23a: {  	v13 =	vmov s26;
	_ =	sdelay $0x2  }
0x23b: {  	[tilespmem:v16+s3+$0x0] =	vst.idx.add.f32.msk $0xffff, v15  }
.Ltmp32:
0x23c: {  	_ = 	snop;
	(pc) =	sbr.rel .LBB2_43-.Ltmp32, $1  }
0x23d: {  	_ =	sdelay $0x3  }
.LBB2_41:
.Ltmp33:
0x23e: {  	(pc) =	sbr.rel .LBB2_43-.Ltmp33, $2  }
0x23f: {  	_ =	sdelay $0x2  }
0x240: {  	s25 =	simm.s32 $0x1AA40  }
.LBB2_12:
.Ltmp34:
0x241: {  	(pc) =	sbr.rel .LBB2_16-.Ltmp34, $2  }
0x242: {  	_ =	sdelay $0x2  }
0x243: {  	s6 =	simm.s32 $0x18240  }
.LBB2_29:
.Ltmp35:
0x244: {  	(pc) =	sbr.rel .LBB2_33-.Ltmp35, $2  }
0x245: {  	_ =	sdelay $0x2  }
0x246: {  	s6 =	simm.s32 $0x1AA40  }
.LBB2_14:
.Ltmp36:
0x247: {  	(pc) =	sbr.rel .LBB2_16-.Ltmp36, $2  }
0x248: {  	_ =	sdelay $0x2  }
0x249: {  	s6 =	simm.s32 $0x18240  }
.LBB2_31:
.Ltmp37:
0x24a: {  	(pc) =	sbr.rel .LBB2_33-.Ltmp37, $2  }
0x24b: {  	_ =	sdelay $0x2  }
0x24c: {  	s6 =	simm.s32 $0x1AA40  }
.LBB2_46:
0x24d: {  	_ =	sfence.sel $0x180000  }
0x24e: {  	[bflag:$0x0] =	sbarrier.arrive $0xFFFF  }
0x24f: {  	_ =	strace $0x90000047  }
0x250: {  	s0 =	stileid.u32;
	[bflag:$0x2] =	sbarrier.arrive $0xFFFF  }
0x251: {  	p0 =	sne.s32 s0, $0x0;
	s0 =	rddreg [dreg:$0x2]  }
0x252: {  	s0 =	sadd.s32 @!p0 $0x100000, s0  }
0x253: {  	[sflag:s0] =	ssyncadd.tile.s32 @!p0 $0x1;
	_ =	shalt  }
.Lfunc_end2:
_tile_overlayer_lowered:
.L_overlay_start_2:
0x254: {  	(tag) =	ssettag $0x2  }
0x255: {  	s0 =	rddreg [dreg:$0x0];
	s2 =	stileid.u32  }
0x256: {  	s1 =	rddreg [dreg:$0x1];
	p0 =	sne.s32 s2, $0x0  }
0x257: {  	s3 =	rddreg [dreg:$0x2];
	[bflag:$0x3] =	sbarrier.arrive $0xFFFF;
	s2 =	simm.s32 @!p0 $0x1C07  }
0x258: {  	[timem:s3], [sflag:s2] =	dma.local @!p0 [hbm:s0], s1  }
0x259: {  	s0 =	simm.s32 @!p0 $0x7  }
0x25a: {  	_ =	swait.ge @!p0 [sflag:s0], s1  }
0x25b: {  	s1 =	ssub.s32 @!p0 $0x0, s1;
	[sflag:s0] =	ssyncset.done @!p0 $0x0  }
0x25c: {  	[sflag:s0] =	ssyncadd.s32 @!p0 s1  }
0x25d: {  	[bflag:$0x3] =	sbarrier.arrive $0xFFFF  }
0x25e: {  	_ =	shalt  }

// kernel: kernel.8.cloned.1.call-start
scs
__scs_entry_jumppad:
0x0: {  	(pc) =	sbr.rel $0x88, $3  }
0x1: {  	(tag) =	ssettag $0x0;
	lr =	simm.s32 $0x1  }
0x2: {  	[smem:$0x3F9A] =	sst lr;
	_ =	strace $0xD0000000  }
0x3: {  	_ = 	snop  }
0x4: {  	_ = 	snop  }
0x5: {  	_ = 	snop  }
0x6: {  	_ = 	snop  }
0x7: {  	_ = 	snop  }
__scs_overlays_trampoline_lowered:
0x8: {  	[smem:$0x3FA9] =	sst s0  }
0x9: {  	[smem:$0x3FAA] =	sst s1  }
0xa: {  	[smem:$0x3FAB] =	sst s2  }
0xb: {  	[smem:$0x3FAC] =	sst s3  }
0xc: {  	[smem:$0x3FAD] =	sst s4  }
0xd: {  	[smem:$0x3FAE] =	sst s5  }
0xe: {  	[smem:$0x3FAF] =	sst s6  }
0xf: {  	[smem:$0x3FB0] =	sst s7  }
0x10: {  	[smem:$0x3FB1] =	sst s8  }
0x11: {  	[smem:$0x3FB2] =	sst s9;
	s0 =	simm.s32 @!p0 $0x0  }
0x12: {  	s1 =	sld [smem:$0x3F98];
	s0 =	simm.s32 @p0 $0x1  }
0x13: {  	[smem:$0x3FB3] =	sst s0;
	s0 =	simm.s32 @!p1 $0x0  }
0x14: {  	s2 =	sld [smem:$0x3F97];
	s0 =	simm.s32 @p1 $0x1  }
0x15: {  	[smem:$0x3FB4] =	sst s0;
	s0 =	simm.s32 @!p2 $0x0  }
0x16: {  	s3 =	sld [smem:$0x3FDB];
	s0 =	simm.s32 @p2 $0x1  }
0x17: {  	s4 =	simm.s32 $0x1BF5;
	[smem:$0x3FB6] =	sst s0  }
0x18: {  	s0 =	sld [smem:$0x3F99];
	_ =	swait.ge [sflag:s4], $0x0  }
0x19: {  	s7 =	sld [smem:$0x3F9A]  }
0x1a: {  	s8 =	sadd.s32 $0xFFFFE003, lr  }
0x1b: {  	s9 =	sadd.s32 $0xFFFFFEF7, lr;
	s5 =	simm.s32 $0xFFFFFFFF;
	p2 =	slt.u32 s8, $0xFFFFF086  }
0x1c: {  	p1 =	slt.u32 s9, $0xF7A;
	s5 =	simm.s32 @!p2 $0x0  }
0x1d: {  	s5 =	simm.s32 @p1 $0x1;
	p0 =	seq.s32 s7, s2  }
0x1e: {  	s7 =	smul.u32 @!p0 $0xF7A, s2;
	p2 =	seq.s32 @!p0 s5, $0x0  }
0x1f: {  	s9 =	smul.u32 $0xF7A, s1;
	s8 =	simm.s32 @!p0 $0x1BF5;
	p2 =	por !p2, p0  }
0x20: {  	[sflag:s8] =	ssyncset.s32 @!p0 $0xFFFFF086;
	s6 =	sadd.s32 @!p0 s3, s7;
	s7 =	simm.s32 @!p0 $0x108  }
0x21: {  	s3 =	sadd.s32 s3, s9;
	s6 =	sadd.s32 @!p0 $0x88, s6;
	s7 =	simm.s32 @p2 $0x1082  }
0x22: {  	[simem:s7], [sflag:s8] =	dma.local @!p0 [hbm:s6], $0xF7A  }
0x23: {  	s9 =	sor.u32 $0xD0000000, s2;
	s6 =	simm.s32 $0x108;
	_ =	swait.ge @!p0 [sflag:s8], $0x0  }
0x24: {  	s3 =	sadd.s32 $0x88, s3;
	s6 =	simm.s32 @!p1 $0x1082;
	[sflag:s4] =	ssyncset.s32 $0xFFFFF086  }
0x25: {  	[simem:s6], [sflag:s4] =	dma.local [hbm:s3], $0xF7A  }
0x26: {  	[smem:$0x3F9A] =	sst s1;
	(tag) =	ssettag s2;
	_ =	strace s9  }
0x27: {  	s1 =	sld [smem:$0x3FAA]  }
0x28: {  	s2 =	sld [smem:$0x3FAB]  }
0x29: {  	s4 =	sld [smem:$0x3FAD]  }
0x2a: {  	p0 =	seq.s32 s5, $0x0;
	s5 =	sld [smem:$0x3FAE]  }
0x2b: {  	s6 =	sld [smem:$0x3FAF]  }
0x2c: {  	s7 =	sld [smem:$0x3FB0]  }
0x2d: {  	s3 =	simm.s32 $0x108;
	s8 =	sld [smem:$0x3FB1]  }
0x2e: {  	s3 =	simm.s32 @!p0 $0x1082;
	s9 =	sld [smem:$0x3FB2]  }
0x2f: {  	lr =	sadd.s32 s0, s3;
	s0 =	sld [smem:$0x3FA9]  }
0x30: {  	s3 =	sld [smem:$0x3FAC]  }
0x31: {  	[smem:$0x3FB5] =	sst s10  }
0x32: {  	s10 =	sld [smem:$0x3FB3];
	_ =	sdelay $0x3  }
0x33: {  	p0 =	seq.s32 s10, $0x1;
	s10 =	sld [smem:$0x3FB5];
	_ =	sdelay $0x3  }
0x34: {  	[smem:$0x3FB5] =	sst s10  }
0x35: {  	s10 =	sld [smem:$0x3FB4];
	_ =	sdelay $0x3  }
0x36: {  	p1 =	seq.s32 s10, $0x1;
	s10 =	sld [smem:$0x3FB5];
	_ =	sdelay $0x3  }
0x37: {  	[smem:$0x3FB5] =	sst s10  }
0x38: {  	s10 =	sld [smem:$0x3FB6]  }
0x39: {  	_ = 	snop;
	(pc) =	sbr.ind lr, $3  }
0x3a: {  	_ = 	snop  }
0x3b: {  	_ = 	snop  }
0x3c: {  	p2 =	seq.s32 s10, $0x1;
	s10 =	sld [smem:$0x3FB5]  }
0x3d: {  	_ =	shalt  }
0x3e: {  	_ =	shalt  }
0x3f: {  	_ =	shalt  }
0x40: {  	_ =	shalt  }
0x41: {  	_ =	shalt  }
0x42: {  	_ =	shalt  }
0x43: {  	_ =	shalt  }
0x44: {  	_ =	shalt  }
0x45: {  	_ =	shalt  }
0x46: {  	_ =	shalt  }
0x47: {  	_ =	shalt  }
0x48: {  	_ =	shalt  }
0x49: {  	_ =	shalt  }
0x4a: {  	_ =	shalt  }
0x4b: {  	_ =	shalt  }
0x4c: {  	_ =	shalt  }
0x4d: {  	_ =	shalt  }
0x4e: {  	_ =	shalt  }
0x4f: {  	_ =	shalt  }
0x50: {  	_ =	shalt  }
0x51: {  	_ =	shalt  }
0x52: {  	_ =	shalt  }
0x53: {  	_ =	shalt  }
0x54: {  	_ =	shalt  }
0x55: {  	_ =	shalt  }
0x56: {  	_ =	shalt  }
0x57: {  	_ =	shalt  }
0x58: {  	_ =	shalt  }
0x59: {  	_ =	shalt  }
0x5a: {  	_ =	shalt  }
0x5b: {  	_ =	shalt  }
0x5c: {  	_ =	shalt  }
0x5d: {  	_ =	shalt  }
0x5e: {  	_ =	shalt  }
0x5f: {  	_ =	shalt  }
0x60: {  	_ =	shalt  }
0x61: {  	_ =	shalt  }
0x62: {  	_ =	shalt  }
0x63: {  	_ =	shalt  }
0x64: {  	_ =	shalt  }
0x65: {  	_ =	shalt  }
0x66: {  	_ =	shalt  }
0x67: {  	_ =	shalt  }
0x68: {  	_ =	shalt  }
0x69: {  	_ =	shalt  }
0x6a: {  	_ =	shalt  }
0x6b: {  	_ =	shalt  }
0x6c: {  	_ =	shalt  }
0x6d: {  	_ =	shalt  }
0x6e: {  	_ =	shalt  }
0x6f: {  	_ =	shalt  }
0x70: {  	_ =	shalt  }
0x71: {  	_ =	shalt  }
0x72: {  	_ =	shalt  }
0x73: {  	_ =	shalt  }
0x74: {  	_ =	shalt  }
0x75: {  	_ =	shalt  }
0x76: {  	_ =	shalt  }
0x77: {  	_ =	shalt  }
0x78: {  	_ =	shalt  }
0x79: {  	_ =	shalt  }
0x7a: {  	_ =	shalt  }
0x7b: {  	_ =	shalt  }
0x7c: {  	_ =	shalt  }
0x7d: {  	_ =	shalt  }
0x7e: {  	_ =	shalt  }
0x7f: {  	_ =	shalt  }
0x80: {  	_ =	shalt  }
0x81: {  	_ =	shalt  }
0x82: {  	_ =	shalt  }
0x83: {  	_ =	shalt  }
0x84: {  	_ =	shalt  }
0x85: {  	_ =	shalt  }
0x86: {  	_ =	shalt  }
0x87: {  	_ =	shalt  }
.Lfunc_end0:
.L_simem_size_0:
called_computation.1_lowered:
.L_overlay_start_0:
0x88: {  	s2 =	sld [smem:$0x3FD9]  }
0x89: {  	s3 =	sld [smem:$0x3FFE];
	_ =	sdelay $0x1  }
0x8a: {  	s1 =	srdreg.scid  }
0x8b: {  	s0 =	sand.u32 $0x1, s1  }
0x8c: {  	s17 =	sshll.u32 s0, $0xA;
	s2 =	sadd.s32 s3, s2  }
0x8d: {  	s2 =	sadd.s32 s2, s17  }
0x8e: {  	[smem:$0x3FC1] =	sst s2  }
0x8f: {  	_ = 	snop  }
0x90: {  	s2 =	sld [smem:$0x3FC7]  }
0x91: {  	s18 =	sld [smem:$0x3FC6]  }
0x92: {  	s4 =	sld [smem:$0x3FD0];
	(tm) =	ssettm $0x1  }
0x93: {  	s5 =	sld [smem:$0x3FFB];
	_ =	sdelay $0x3  }
0x94: {  	_ =	strace s5  }
0x95: {  	s5 =	sld [smem:$0x3FFC];
	_ =	sdelay $0x3  }
0x96: {  	_ =	strace s5  }
0x97: {  	s5 =	sld [smem:$0x3FFD];
	_ =	sdelay $0x3  }
0x98: {  	_ =	strace s5  }
0x99: {  	_ =	strace $0x8FFFFFFF  }
0x9a: {  	s19 =	sld [smem:$0x3FDB];
	_ =	sdelay $0x1  }
0x9b: {  	s6 =	simm.s32 $_scs_section_size  }
0x9c: {  	s7 =	simm.s32 $_size__tile_overlayer_lowered;
	s8 =	simm.s32 $_tile_overlayer_lowered  }
0x9d: {  	s22 =	simm.s32 $0x1BFF;
	s21 =	sshll.u32 s8, $0x1;
	s5 =	sadd.s32 s6, s19  }
0x9e: {  	s9 =	simm.s32 $0x0;
	s20 =	sshll.u32 s7, $0x1;
	s7 =	sadd.s32 s21, s5  }
0x9f: {  	[timem:s9], [sflag:s22] =	dma.local [hbm:s7], s20  }
0xa0: {  	_ =	swait.ge [sflag:s22], s20  }
0xa1: {  	s6 =	ssub.s32 $0x0, s20;
	[sflag:s22] =	ssyncset.done $0x0  }
0xa2: {  	[sflag:s22] =	ssyncadd.s32 s6;
	_ =	sdelay $0x1  }
0xa3: {  	s23 =	simm.s32 $0x1B8B  }
0xa4: {  	_ =	swait.ge [sflag:s23], $0x1  }
0xa5: {  	[sflag:s23] =	ssyncset.done $0x0  }
0xa6: {  	s25 =	simm.s32 $0x1B8E;
	s24 =	sld [smem:$0x3FFE];
	[sflag:s23] =	ssyncadd.s32 $0xFFFFFFFF  }
0xa7: {  	s26 =	simm.s32 $execute0_lowered;
	[smem:$0x3FD2] =	sst s25  }
0xa8: {  	s7 =	sshll.u32 s26, $0x1;
	_ =	strace $0x80000049;
	[dreg:$0x1] =	wrdreg $0xFFFFFFFF  }
0xa9: {  	s28 =	simm.s32 $_size_execute0_lowered;
	s5 =	sadd.s32 s5, s7;
	[dreg:$0x0] =	wrdreg $0x0  }
0xaa: {  	s7 =	sshll.u32 s28, $0x1;
	[dreg:$0x2] =	wrdreg s5  }
0xab: {  	[dreg:$0x3] =	wrdreg s7  }
0xac: {  	[dreg:$0x4] =	wrdreg $0xC0  }
0xad: {  	_ =	task [dreg:s9], $0x5FFFF  }
0xae: {  	[dreg:$0x1] =	wrdreg $0xFFFFFFFF  }
0xaf: {  	[dreg:$0x0] =	wrdreg $0x60  }
0xb0: {  	[dreg:$0x2] =	wrdreg s24  }
0xb1: {  	[dreg:$0x3] =	wrdreg s2  }
0xb2: {  	[dreg:$0x4] =	wrdreg s18  }
0xb3: {  	[dreg:$0x5] =	wrdreg s4  }
0xb4: {  	[dreg:$0x6] =	wrdreg $0x9  }
0xb5: {  	_ =	task.clear_ibuf [dreg:s9], $0x7FFFF;
	_ =	strace $0x90000049  }
0xb6: {  	s29 =	simm.s32 $0x9;
	_ =	strace $0x8000004B  }
0xb7: {  	_ =	swait.ge [sflag:s29], $0x1  }
0xb8: {  	[sflag:s29] =	ssyncadd.s32 $0xFFFFFFFF  }
0xb9: {  	_ =	strace $0x9000004B  }
0xba: {  	_ =	sfence  }
0xbb: {  	s30 =	sld [smem:$0x0];
	_ =	sdelay $0x2  }
0xbc: {  	s31 =	sshll.u32 s1, $0xD;
	s1 =	sshrl.u32 s1, $0x2  }
0xbd: {  	s3 =	sand.u32 $0x4000, s31;
	s1 =	sadd.s32 s1, s30  }
0xbe: {  	s0 =	sor.u32 s3, s0;
	s1 =	sshll.u32 s1, $0x11  }
0xbf: {  	s0 =	sor.u32 s1, s0  }
0xc0: {  	s0 =	sadd.s32 $0x8F2B, s0  }
0xc1: {  	[sflag:s0] =	ssyncadd.remote.s32 $0x1  }
0xc2: {  	_ =	sfence.sel $0xFFFF  }
0xc3: {  	[dreg:$0x0] =	wrdreg $0xFFFFFFFF;
	(pc) =	sbr.abs _section_cstart, $3  }
0xc4: {  	[dreg:$0x1] =	wrdreg $0xFFFFFFFF  }
0xc5: {  	_ =	task.clear_ibuf [dreg:s9], $0x2FFFF;
	_ =	strace $0x9FFFFFFF  }
0xc6: {  	(tm) =	ssettm $0x7FFFFFFF  }
0xc7: {  	_ =	shalt  }
tec
execute0_lowered:
.L_overlay_start_1:
0x0: {  	(tag) =	ssettag $0x1  }
0x1: {  	s7 =	rddreg [dreg:$0x0]  }
0x2: {  	s1 =	rddreg [dreg:$0x1]  }
0x3: {  	s2 =	rddreg [dreg:$0x2]  }
0x4: {  	s8 =	rddreg [dreg:$0x3]  }
0x5: {  	s0 =	rddreg [dreg:$0x4]  }
0x6: {  	s4 =	simm.s32 $0x0;
	s5 =	srdreg.scid;
	s3 =	stileid.u32  }
0x7: {  	s12 =	simm.s32 $0x8000;
	s13 =	simm.s32 $0x8080;
	s14 =	simm.s32 $0x80  }
0x8: {  	s15 =	simm.s32 $0x4000;
	s16 =	simm.s32 $0x1;
	s17 =	simm.s32 $0x2  }
0x9: {  	s18 =	simm.s32 $0xA880;
	s19 =	simm.s32 $0x0;
	[smem:$0x7FF] =	sst s4  }
0xa: {  	s5 =	sand.u32 $0x1, s5;
	s6 =	sshll.u32 s3, $0xC;
	_ =	strace $0x8000004A  }
0xb: {  	s9 =	ssub.s32 $0x2, s5;
	s10 =	sshll.u32 s5, $0xB;
	s5 =	sadd.s32 $0x1200, s7  }
0xc: {  	s7 =	sadd.s32 $0x64E00, s7;
	s11 =	sshrl.u32 s9, $0x1;
	s6 =	sor.u32 s10, s6  }
0xd: {  	v0 =	vlaneseq.u32;
	s9 =	ssub.s32 s9, s11;
	s10 =	sshrl.u32 s6, $0x3;
	s11 =	simm.s32 $0x3  }
0xe: {  	v0 =	vmul.u32 $0x80, v0;
	s8 =	sadd.s32 s8, s10;
	s9 =	smax.u32 s9, $0x1;
	s10 =	simm.s32 $0x8100  }
.LBB2_1:
0xf: {  	[tilespmem:s10], [sflag:$0x3] =	stream.linear.gather [hbm4b:s7+s4], $0x2780, $0x38;
	[tilespmem:$0xB080] =	vst v63  }
0x10: {  	_ =	swait.ge [sflag:s11], $0x2780  }
0x11: {  	[sflag:s11] =	ssyncset.done $0x0  }
0x12: {  	s20 =	simm.s32 $0x0;
	[sflag:s11] =	ssyncadd.s32 $0xFFFFD880  }
.LBB2_2:
0x13: {  	s22 =	sshll.u32 s20, $0x7  }
0x14: {  	s21 =	sor.u32 s6, s22  }
0x15: {  	s23 =	sshrl.u32 s21, $0x3  }
0x16: {  	s21 =	simm.s32 $0x0;
	s24 =	sadd.s32 s1, s23  }
0x17: {  	[tilespmem:s12], [sflag:$0x3] =	stream.linear.gather [hbm4b:s24+s21], $0x80, $0x38;
	[tilespmem:$0xB080] =	vst v63  }
0x18: {  	_ =	swait.ge [sflag:s11], $0x80  }
0x19: {  	[sflag:s11] =	ssyncset.done $0x0  }
0x1a: {  	s23 =	sadd.s32 s2, s23;
	[sflag:s11] =	ssyncadd.s32 $0xFFFFFF80  }
0x1b: {  	[tilespmem:s13], [sflag:$0x3] =	stream.linear.gather [hbm4b:s23+s21], $0x80, $0x38;
	[tilespmem:$0xB080] =	vst v63  }
0x1c: {  	_ =	swait.ge [sflag:s11], $0x80  }
0x1d: {  	[sflag:s11] =	ssyncset.done $0x0  }
0x1e: {  	[sflag:s11] =	ssyncadd.s32 $0xFFFFFF80  }
0x1f: {  	[tilespmem:s21], [sflag:$0x1] =	stream.indirect.gather [hbm4b:s5+s14], $0x80, s12, s14, $0xb8;
	[tilespmem:$0xB080] =	vst v63  }
0x20: {  	_ = 	snop  }
0x21: {  	[tilespmem:s15], [sflag:$0x2] =	stream.indirect.gather [hbm4b:s5+s14], $0x80, s13, s14, $0xb8;
	[tilespmem:$0xB080] =	vst v63  }
0x22: {  	_ =	swait.ge [sflag:s16], $0x4000  }
0x23: {  	[sflag:s16] =	ssyncset.done $0x0  }
0x24: {  	[sflag:s16] =	ssyncadd.s32 $0xFFFFC000  }
0x25: {  	_ =	swait.ge [sflag:s17], $0x4000  }
0x26: {  	s22 =	sadd.s32 $0xA880, s22;
	[sflag:s17] =	ssyncset.done $0x0  }
0x27: {  	v1 =	vmov s22;
	s22 =	simm.s32 $0x0;
	[sflag:s17] =	ssyncadd.s32 $0xFFFFC000  }
.LBB2_3:
0x28: {  	s23 =	sshll.u32 s22, $0x4  }
0x29: {  	v2 =	vld [tilespmem:s23+$0x8000]  }
0x2a: {  	v3 =	vld [tilespmem:s23+$0x8080];
	_ =	sdelay $0x3  }
0x2b: {  	v4 =	vadd.s32 $0x1, v2  }
0x2c: {  	v2 =	vmov s21;
	v3 =	vadd.s32 $0x1, v3  }
0x2d: {  	s24 =	simm.s32 $0x1;
	v5 =	vmov s23;
	v2 =	vand.u32 $0x78, v2  }
0x2e: {  	v6 =	vmov s24;
	v5 =	vshll.u32 v5, $0x7;
	v7 =	vbroadcast v2, $0x0  }
0x2f: {  	s31 =	simm.s32 $0x2;
	v2 =	vor.u32 v0, v5;
	v5 =	vand.u32 $0x79, v6  }
0x30: {  	v6 =	vmov s31;
	v5 =	vbroadcast v5, $0x0;
	v7 =	vor.u32 v2, v7;
	v4 =	vld.idx.msk [tilespmem:v4+s10+$0x0], $0xffff  }
0x31: {  	s25 =	simm.s32 $0x3;
	v6 =	vand.u32 $0x7A, v6;
	v3 =	vld.idx.msk [tilespmem:v3+s10+$0x0], $0xffff  }
0x32: {  	s26 =	simm.s32 $0x4;
	v8 =	vmov s25;
	v6 =	vbroadcast v6, $0x0;
	v5 =	vor.u32 v2, v5  }
0x33: {  	v9 =	vmov s26;
	v8 =	vand.u32 $0x7B, v8  }
0x34: {  	v8 =	vbroadcast v8, $0x0;
	v10 =	vor.u32 v2, v6;
	v6 =	vand.u32 $0x7C, v9  }
0x35: {  	s28 =	simm.s32 $0x5;
	v9 =	vbroadcast v6, $0x0;
	v12 =	vld.idx.msk [tilespmem:v7+s4+$0x0], $0xffff  }
0x36: {  	s29 =	simm.s32 $0x6;
	v8 =	vor.u32 v2, v8;
	v15 =	vld.idx.msk [tilespmem:v7+s15+$0x0], $0xffff;
	v13 =	vadd.f32 v3, v4;
	v4 =	vmov s28  }
0x37: {  	v11 =	vmov s29;
	s25 =	simm.s32 $0x7;
	v7 =	vor.u32 v2, v9;
	v3 =	vld.idx.msk [tilespmem:v5+s4+$0x0], $0xffff;
	v4 =	vand.u32 $0x7D, v4  }
0x38: {  	v9 =	vand.u32 $0x7E, v11;
	v11 =	vmov s25;
	v6 =	vld.idx.msk [tilespmem:v5+s15+$0x0], $0xffff;
	v5 =	vbroadcast v4, $0x0  }
0x39: {  	s24 =	simm.s32 $0x8;
	v17 =	vand.u32 $0x7F, v11;
	v11 =	vld.idx.msk [tilespmem:v10+s15+$0x0], $0xffff  }
0x3a: {  	s30 =	simm.s32 $0x9;
	v14 =	vmov s24;
	v16 =	vbroadcast v9, $0x0;
	v4 =	vld.idx.msk [tilespmem:v10+s4+$0x0], $0xffff;
	v9 =	vor.u32 v2, v5  }
0x3b: {  	v20 =	vmov s30;
	v19 =	vand.u32 $0x78, v14;
	v5 =	vld.idx.msk [tilespmem:v8+s4+$0x0], $0xffff  }
0x3c: {  	s31 =	simm.s32 $0xA;
	v14 =	vbroadcast v17, $0x0;
	v10 =	vor.u32 v2, v16;
	v18 =	vmul.f32 v15, v12;
	v12 =	vld.idx.msk [tilespmem:v8+s15+$0x0], $0xffff  }
0x3d: {  	s25 =	simm.s32 $0x10;
	v17 =	vand.u32 $0x79, v20;
	v16 =	vmov s31;
	v15 =	vbroadcast v19, $0x0;
	v8 =	vld.idx.msk [tilespmem:v7+s4+$0x0], $0xffff  }
.LBB2_4:
0x3e: {  	p0 =	slt.u32 s25, $0x78;
	s26 =	sadd.s32 $0x3, s24;
	v13 =	vadd.f32 v18, v13;
	v3 =	vmul.f32 v6, v3;
	v6 =	vld.idx.msk [tilespmem:v7+s15+$0x0], $0xffff;
	v7 =	vor.u32 v2, v14  }
0x3f: {  	v14 =	vbroadcast v17, $0x0;
	v16 =	vand.u32 $0x7A, v16;
	v17 =	vmov s26;
	v18 =	vld.idx.msk [tilespmem:v9+s4+$0x0], $0xffff  }
0x40: {  	v15 =	vor.u32 v2, v15;
	s26 =	sadd.s32 $0x4, s24;
	v4 =	vmul.f32 v11, v4;
	v3 =	vadd.f32 v3, v13;
	v9 =	vld.idx.msk [tilespmem:v9+s15+$0x0], $0xffff  }
0x41: {  	v11 =	vbroadcast v16, $0x0;
	v13 =	vand.u32 $0x7B, v17;
	v16 =	vmov s26;
	v17 =	vld.idx.msk [tilespmem:v10+s4+$0x0], $0xffff  }
0x42: {  	v14 =	vor.u32 v2, v14;
	s26 =	sadd.s32 $0x5, s24;
	v3 =	vadd.f32 v4, v3;
	v4 =	vmul.f32 v12, v5;
	v5 =	vld.idx.msk [tilespmem:v10+s15+$0x0], $0xffff  }
0x43: {  	v10 =	vbroadcast v13, $0x0;
	v12 =	vand.u32 $0x7C, v16;
	v13 =	vmov s26;
	v16 =	vld.idx.msk [tilespmem:v7+s4+$0x0], $0xffff  }
0x44: {  	v11 =	vor.u32 v2, v11;
	s26 =	sadd.s32 $0x6, s24;
	v3 =	vadd.f32 v4, v3;
	v4 =	vmul.f32 v6, v8;
	v8 =	vld.idx.msk [tilespmem:v7+s15+$0x0], $0xffff  }
0x45: {  	v7 =	vbroadcast v12, $0x0;
	v6 =	vand.u32 $0x7D, v13;
	v12 =	vmov s26;
	v19 =	vld.idx.msk [tilespmem:v15+s4+$0x0], $0xffff  }
0x46: {  	v10 =	vor.u32 v2, v10;
	s26 =	sadd.s32 $0x7, s24;
	s24 =	smov.u32 s25;
	v9 =	vmul.f32 v9, v18;
	v13 =	vld.idx.msk [tilespmem:v15+s15+$0x0], $0xffff;
	v4 =	vadd.f32 v4, v3  }
0x47: {  	v12 =	vand.u32 $0x7E, v12;
	v18 =	vmov s26;
	v15 =	vbroadcast v6, $0x0;
	v3 =	vld.idx.msk [tilespmem:v14+s4+$0x0], $0xffff  }
0x48: {  	v7 =	vor.u32 v2, v7;
	v5 =	vmul.f32 v5, v17;
	v6 =	vld.idx.msk [tilespmem:v14+s15+$0x0], $0xffff;
	v14 =	vadd.f32 v9, v4  }
.Ltmp0:
0x49: {  	v20 =	vbroadcast v12, $0x0;
	v12 =	vand.u32 $0x7F, v18;
	v17 =	vmov s25;
	v4 =	vld.idx.msk [tilespmem:v11+s4+$0x0], $0xffff;
	(pc) =	sbr.rel @p0 .LBB2_4-.Ltmp0, $4  }
0x4a: {  	s26 =	sadd.s32 $0x1, s25;
	v9 =	vor.u32 v2, v15;
	v8 =	vmul.f32 v8, v16;
	v11 =	vld.idx.msk [tilespmem:v11+s15+$0x0], $0xffff;
	v15 =	vadd.f32 v5, v14  }
0x4b: {  	v16 =	vand.u32 $0x78, v17;
	v17 =	vmov s26;
	v14 =	vbroadcast v12, $0x0;
	v5 =	vld.idx.msk [tilespmem:v10+s4+$0x0], $0xffff  }
0x4c: {  	s26 =	sadd.s32 $0x2, s25;
	v18 =	vmul.f32 v13, v19;
	v12 =	vld.idx.msk [tilespmem:v10+s15+$0x0], $0xffff;
	v10 =	vor.u32 v2, v20;
	v13 =	vadd.f32 v8, v15  }
0x4d: {  	s25 =	sadd.s32 $0x8, s25;
	v17 =	vand.u32 $0x79, v17;
	v15 =	vbroadcast v16, $0x0;
	v16 =	vmov s26;
	v8 =	vld.idx.msk [tilespmem:v7+s4+$0x0], $0xffff  }
0x4e: {  	_ =	sdelay $0x2  }
0x4f: {  	v13 =	vadd.f32 v18, v13;
	v3 =	vmul.f32 v6, v3  }
0x50: {  	v30 =	vld.idx.msk [tilespmem:v7+s15+$0x0], $0xffff;
	v31 =	vor.u32 v2, v14  }
0x51: {  	v32 =	vld.idx.msk [tilespmem:v9+s4+$0x0], $0xffff;
	v4 =	vmul.f32 v11, v4;
	v3 =	vadd.f32 v3, v13  }
0x52: {  	v33 =	vbroadcast v17, $0x0;
	v35 =	vld.idx.msk [tilespmem:v9+s15+$0x0], $0xffff;
	v34 =	vor.u32 v2, v15  }
0x53: {  	s25 =	sadd.s32 $0x3, s24;
	v36 =	vand.u32 $0x7A, v16;
	v37 =	vld.idx.msk [tilespmem:v10+s4+$0x0], $0xffff;
	v38 =	vmul.f32 v12, v5;
	v3 =	vadd.f32 v4, v3  }
0x54: {  	v41 =	vld.idx.msk [tilespmem:v10+s15+$0x0], $0xffff;
	v39 =	vmov s25;
	v40 =	vbroadcast v36, $0x0;
	v11 =	vor.u32 v2, v33  }
0x55: {  	s28 =	sadd.s32 $0x4, s24;
	v5 =	vand.u32 $0x7B, v39;
	v42 =	vld.idx.msk [tilespmem:v31+s4+$0x0], $0xffff;
	v43 =	vmul.f32 v30, v8;
	v3 =	vadd.f32 v38, v3  }
0x56: {  	v44 =	vmov s28;
	v45 =	vor.u32 v2, v40;
	v5 =	vbroadcast v5, $0x0;
	v7 =	vld.idx.msk [tilespmem:v31+s15+$0x0], $0xffff  }
0x57: {  	s29 =	sadd.s32 $0x5, s24;
	v6 =	vand.u32 $0x7C, v44;
	v47 =	vmul.f32 v35, v32;
	v46 =	vld.idx.msk [tilespmem:v34+s4+$0x0], $0xffff;
	v3 =	vadd.f32 v43, v3  }
0x58: {  	v48 =	vmov s29;
	v6 =	vbroadcast v6, $0x0;
	v13 =	vld.idx.msk [tilespmem:v34+s15+$0x0], $0xffff;
	v5 =	vor.u32 v2, v5  }
0x59: {  	s30 =	sadd.s32 $0x6, s24;
	v9 =	vand.u32 $0x7D, v48;
	v50 =	vmul.f32 v41, v37;
	v49 =	vld.idx.msk [tilespmem:v11+s4+$0x0], $0xffff;
	v3 =	vadd.f32 v47, v3  }
0x5a: {  	v51 =	vmov s30;
	v9 =	vbroadcast v9, $0x0;
	v6 =	vor.u32 v2, v6;
	v11 =	vld.idx.msk [tilespmem:v11+s15+$0x0], $0xffff  }
0x5b: {  	s31 =	sadd.s32 $0x7, s24;
	v10 =	vand.u32 $0x7E, v51;
	v52 =	vld.idx.msk [tilespmem:v45+s4+$0x0], $0xffff;
	v53 =	vmul.f32 v7, v42;
	v3 =	vadd.f32 v50, v3  }
0x5c: {  	v54 =	vmov s31;
	v10 =	vbroadcast v10, $0x0;
	v9 =	vor.u32 v2, v9;
	v8 =	vld.idx.msk [tilespmem:v45+s15+$0x0], $0xffff  }
0x5d: {  	v7 =	vand.u32 $0x7F, v54;
	v55 =	vld.idx.msk [tilespmem:v5+s4+$0x0], $0xffff;
	v12 =	vmul.f32 v13, v46;
	v3 =	vadd.f32 v53, v3  }
0x5e: {  	v57 =	vor.u32 v2, v10;
	v56 =	vbroadcast v7, $0x0;
	v5 =	vld.idx.msk [tilespmem:v5+s15+$0x0], $0xffff  }
0x5f: {  	v58 =	vld.idx.msk [tilespmem:v6+s4+$0x0], $0xffff;
	v11 =	vmul.f32 v11, v49;
	v3 =	vadd.f32 v12, v3  }
0x60: {  	v6 =	vld.idx.msk [tilespmem:v6+s15+$0x0], $0xffff;
	v2 =	vor.u32 v2, v56  }
0x61: {  	v59 =	vld.idx.msk [tilespmem:v9+s4+$0x0], $0xffff;
	v8 =	vmul.f32 v8, v52;
	v3 =	vadd.f32 v11, v3  }
0x62: {  	v9 =	vld.idx.msk [tilespmem:v9+s15+$0x0], $0xffff  }
0x63: {  	v60 =	vld.idx.msk [tilespmem:v57+s4+$0x0], $0xffff;
	v5 =	vmul.f32 v5, v55;
	v3 =	vadd.f32 v8, v3  }
0x64: {  	v7 =	vld.idx.msk [tilespmem:v57+s15+$0x0], $0xffff  }
0x65: {  	v62 =	vmul.f32 v6, v58;
	v61 =	vld.idx.msk [tilespmem:v2+s4+$0x0], $0xffff;
	v3 =	vadd.f32 v5, v3  }
0x66: {  	v2 =	vld.idx.msk [tilespmem:v2+s15+$0x0], $0xffff  }
0x67: {  	v4 =	vmul.f32 v9, v59;
	v3 =	vadd.f32 v62, v3;
	_ =	sdelay $0x1  }
0x68: {  	s22 =	sadd.s32 $0x1, s22;
	v63 =	vmul.f32 v7, v60;
	v3 =	vadd.f32 v4, v3  }
0x69: {  	p0 =	sne.s32 s22, $0x8  }
.Ltmp1:
0x6a: {  	v2 =	vmul.f32 v2, v61;
	v3 =	vadd.f32 v63, v3;
	(pc) =	sbr.rel @p0 .LBB2_3-.Ltmp1, $3  }
0x6b: {  	_ = 	snop  }
0x6c: {  	v2 =	vadd.f32 v2, v3;
	_ =	sdelay $0x1  }
0x6d: {  	[tilespmem:v1+s23+$0x0 ss:$0x1] =	vst.idx.msk $0xffff, v2  }
0x6e: {  	s20 =	sadd.s32 $0x1, s20  }
0x6f: {  	p0 =	sne.s32 s20, $0x10  }
.Ltmp2:
0x70: {  	_ = 	snop;
	(pc) =	sbr.rel @p0 .LBB2_2-.Ltmp2, $1  }
0x71: {  	_ =	sdelay $0x3  }
0x72: {  	s19 =	sadd.s32 $0x1, s19  }
0x73: {  	p0 =	sne.s32 s19, s9  }
.Ltmp3:
0x74: {  	_ = 	snop;
	(pc) =	sbr.rel @p0 .LBB2_1-.Ltmp3, $4  }
0x75: {  	[hbm4b:s8+s4] =	stream.linear.scatter [tilespmem:s18], [sflag:$0x3], $0x800, $0x38;
	[tilespmem:$0xB080] =	vst v63  }
0x76: {  	_ =	swait.ge [sflag:s11], $0x800  }
0x77: {  	[sflag:s11] =	ssyncset.done $0x0  }
0x78: {  	[sflag:s11] =	ssyncadd.s32 $0xFFFFF800  }
0x79: {  	_ =	sfence.sel $0x180000  }
0x7a: {  	[bflag:$0x0] =	sbarrier.arrive $0xFFFF  }
0x7b: {  	p0 =	sne.s32 s3, $0x0;
	_ =	strace $0x9000004A  }
0x7c: {  	s0 =	sadd.s32 @!p0 $0x100000, s0;
	[bflag:$0x2] =	sbarrier.arrive $0xFFFF  }
0x7d: {  	[sflag:s0] =	ssyncadd.tile.s32 @!p0 $0x1;
	_ =	shalt  }
.Lfunc_end2:
_tile_overlayer_lowered:
.L_overlay_start_2:
0x7e: {  	(tag) =	ssettag $0x2  }
0x7f: {  	s0 =	rddreg [dreg:$0x0];
	s2 =	stileid.u32  }
0x80: {  	s1 =	rddreg [dreg:$0x1];
	p0 =	sne.s32 s2, $0x0  }
0x81: {  	s3 =	rddreg [dreg:$0x2];
	[bflag:$0x3] =	sbarrier.arrive $0xFFFF;
	s2 =	simm.s32 @!p0 $0x1C03  }
0x82: {  	[timem:s3], [sflag:s2] =	dma.local @!p0 [hbm:s0], s1  }
0x83: {  	s0 =	simm.s32 @!p0 $0x3  }
0x84: {  	_ =	swait.ge @!p0 [sflag:s0], s1  }
0x85: {  	s1 =	ssub.s32 @!p0 $0x0, s1;
	[sflag:s0] =	ssyncset.done @!p0 $0x0  }
0x86: {  	[sflag:s0] =	ssyncadd.s32 @!p0 s1  }
0x87: {  	[bflag:$0x3] =	sbarrier.arrive $0xFFFF  }
0x88: {  	_ =	shalt  }

</sc_bundles>
